<compile_context>
chip_gen: v7x
topology: tpu7x:2x2x1
jax: 0.10.2.dev20260603
libtpu: 0.0.44.dev20260713+nightly
codegen_flags: <defaults>
</compile_context>

<pallas_src>
import functools

import jax
import jax.numpy as jnp
from jax import lax
from jax.experimental import pallas as pl
from jax.experimental.pallas import tpu as pltpu
from jax.experimental.pallas import tpu_sc as plsc

NC = 2
NS = 16
NW = NC * NS
CHUNK = 128
TB = 80


def _tile_rows(n):
    rpt = (n // NS) // 8 * 8
    rem = n - rpt * NS
    return rpt, rem



def _hist_body(nchunks, comb2, zeros_h, row_ids, out,
               cidx, hs, hd, ridx, sh_s, sh_d):
    nrows = sh_s.shape[0]
    c = lax.axis_index("c")
    s = lax.axis_index("s")
    wid = s * NC + c
    nw8 = nrows // 8
    nft = nchunks // TB
    last = nchunks - nft * TB
    base = wid * TB

    pltpu.sync_copy(zeros_h, hs)
    pltpu.sync_copy(zeros_h, hd)

    @pl.when(s < nw8)
    def _():
        pltpu.sync_copy(zeros_h.at[pl.ds(0, 8)], sh_s.at[pl.ds(s * 8, 8)])
        pltpu.sync_copy(zeros_h.at[pl.ds(0, 8)], sh_d.at[pl.ds(s * 8, 8)])

    pltpu.sync_copy(row_ids, ridx)

    @pl.when(wid < nft)
    def _():
        pltpu.sync_copy(comb2.at[pl.ds(base, TB)], cidx.at[pl.ds(0, TB)])
    if last:
        @pl.when(wid == nft)
        def _():
            pltpu.sync_copy(comb2.at[pl.ds(base, last)], cidx.at[pl.ds(0, last)])

    plsc.subcore_barrier()

    ones16 = jnp.ones((16,), jnp.float32)

    def scat(hist, iv):
        plsc.addupdate_scatter(
            hist, [lax.shift_right_logical(iv, 7), lax.bitwise_and(iv, 127)],
            ones16)

    cnt = jnp.maximum(0, jnp.minimum(TB, nchunks - base))

    def body(a, carry):
        for j in range(CHUNK // 16):
            v = cidx[a, pl.ds(j * 16, 16)]
            scat(hs, lax.bitwise_and(v, 0xFFFF))
            scat(hd, lax.shift_right_logical(v, 16))
        return carry

    lax.fori_loop(0, cnt, body, 0)

    pltpu.sync_copy(hs, sh_s.at[ridx], add=True)
    pltpu.sync_copy(hd, sh_d.at[ridx], add=True)
    plsc.subcore_barrier()

    @pl.when(s < nw8)
    def _():
        pltpu.sync_copy(sh_s.at[pl.ds(s * 8, 8)], out.at[c, 0, pl.ds(s * 8, 8)])
        pltpu.sync_copy(sh_d.at[pl.ds(s * 8, 8)], out.at[c, 1, pl.ds(s * 8, 8)])


def _sc_hist(comb2, n):
    nchunks = comb2.shape[0]
    nrows = -(-n // (128 * NS)) * NS
    zeros_h = jnp.zeros((nrows, 128), jnp.float32)
    row_ids = jnp.arange(nrows, dtype=jnp.int32)
    mesh = plsc.VectorSubcoreMesh(core_axis_name="c", subcore_axis_name="s")
    hist = pl.kernel(
        functools.partial(_hist_body, nchunks),
        out_type=jax.ShapeDtypeStruct((NC, 2, nrows, 128), jnp.float32),
        mesh=mesh,
        scratch_types=[
            pltpu.VMEM((TB, CHUNK), jnp.int32),
            pltpu.VMEM((nrows, 128), jnp.float32),
            pltpu.VMEM((nrows, 128), jnp.float32),
            pltpu.VMEM((nrows,), jnp.int32),
            pltpu.VMEM_SHARED((nrows, 128), jnp.float32),
            pltpu.VMEM_SHARED((nrows, 128), jnp.float32),
        ],
        compiler_params=pltpu.CompilerParams(needs_layout_passes=False),
    )(comb2, zeros_h, row_ids)
    return hist.reshape(NC, 2, 1, nrows * 128)



def _agg_body(nchunks, tba, comb2, y2, zrows, out,
              cidx, srow_a, drow_a, srow_b, drow_b, rows_a, rows_b,
              agg, gsem, ssem):
    n, d = agg.shape
    c = lax.axis_index("c")
    s = lax.axis_index("s")
    wid = s * NC + c
    rpt, rem = _tile_rows(n)
    nft = nchunks // tba
    last = nchunks - nft * tba
    base = wid * tba

    pltpu.sync_copy(zrows.at[pl.ds(0, rpt)], agg.at[pl.ds(s * rpt, rpt)])

    @pl.when(s == NS - 1)
    def _():
        pltpu.sync_copy(zrows.at[pl.ds(0, rem)], agg.at[pl.ds(NS * rpt, rem)])

    @pl.when(wid < nft)
    def _():
        pltpu.sync_copy(comb2.at[pl.ds(base, tba)], cidx.at[pl.ds(0, tba)])
    if last:
        @pl.when(wid == nft)
        def _():
            pltpu.sync_copy(comb2.at[pl.ds(base, last)], cidx.at[pl.ds(0, last)])

    plsc.subcore_barrier()

    def unpack(j, srow, drow):
        for i in range(CHUNK // 16):
            v = cidx[j, pl.ds(i * 16, 16)]
            srow[pl.ds(i * 16, 16)] = lax.bitwise_and(v, 0xFFFF)
            drow[pl.ds(i * 16, 16)] = jnp.minimum(
                lax.shift_right_logical(v, 16), n - 1)

    def gather(srow, buf):
        return pltpu.make_async_copy(y2.at[srow], buf, gsem)

    def scatter(buf, drow):
        return pltpu.make_async_copy(buf, agg.at[drow], ssem)

    cnt = jnp.maximum(0, jnp.minimum(tba, nchunks - base))
    half = cnt // 2

    @pl.when(half > 0)
    def _():
        unpack(0, srow_a, drow_a)
        gather(srow_a, rows_a).start()

        def body(k, carry):
            a = 2 * k
            b = a + 1
            unpack(b, srow_b, drow_b)
            gather(srow_a, rows_a).wait()
            sc_a = scatter(rows_a, drow_a)
            sc_a.start(add=True)
            g_b = gather(srow_b, rows_b)
            g_b.start()
            g_b.wait()
            sc_a.wait()
            sc_b = scatter(rows_b, drow_b)
            sc_b.start(add=True)

            @pl.when(k + 1 < half)
            def _():
                unpack(a + 2, srow_a, drow_a)
                gather(srow_a, rows_a).start()

            sc_b.wait()
            return carry

        lax.fori_loop(0, half, body, 0)

    plsc.subcore_barrier()

    pltpu.sync_copy(agg.at[pl.ds(s * rpt, rpt)],
                    out.at[c, pl.ds(s * rpt, rpt)])

    @pl.when(s == NS - 1)
    def _():
        pltpu.sync_copy(agg.at[pl.ds(NS * rpt, rem)],
                        out.at[c, pl.ds(NS * rpt, rem)])


def _sc_aggregate(comb2, y2, n_out):
    nchunks = comb2.shape[0]
    d = y2.shape[1]
    rpt, _ = _tile_rows(n_out)
    tba = -(-(-(-nchunks // NW)) // 8) * 8
    zrows = jnp.zeros((rpt, d), jnp.float32)
    mesh = plsc.VectorSubcoreMesh(core_axis_name="c", subcore_axis_name="s")
    return pl.kernel(
        functools.partial(_agg_body, nchunks, tba),
        out_type=jax.ShapeDtypeStruct((NC, n_out, d), jnp.float32),
        mesh=mesh,
        scratch_types=[
            pltpu.VMEM((tba, CHUNK), jnp.int32),
            pltpu.VMEM((CHUNK,), jnp.int32),
            pltpu.VMEM((CHUNK,), jnp.int32),
            pltpu.VMEM((CHUNK,), jnp.int32),
            pltpu.VMEM((CHUNK,), jnp.int32),
            pltpu.VMEM((CHUNK, d), jnp.float32),
            pltpu.VMEM((CHUNK, d), jnp.float32),
            pltpu.VMEM_SHARED((n_out, d), jnp.float32),
            pltpu.SemaphoreType.DMA,
            pltpu.SemaphoreType.DMA,
        ],
        compiler_params=pltpu.CompilerParams(needs_layout_passes=False),
    )(comb2, y2, zrows)



def _dinv(deg):
    return jnp.where(deg > 0, lax.rsqrt(jnp.maximum(deg, 1e-12)), 0.0)


def _matmul_body(x_ref, w_ref, y_ref):
    y_ref[...] = jnp.dot(x_ref[...], w_ref[...],
                         preferred_element_type=jnp.float32)


def _tc_matmul(x, w, n_pad, blk=2048):
    dout = w.shape[1]
    grid = -(-n_pad // blk)
    return pl.pallas_call(
        _matmul_body,
        grid=(grid,),
        in_specs=[
            pl.BlockSpec((blk, x.shape[1]), lambda i: (i, 0)),
            pl.BlockSpec((w.shape[0], dout), lambda i: (0, 0)),
        ],
        out_specs=pl.BlockSpec((blk, dout), lambda i: (i, 0)),
        out_shape=jax.ShapeDtypeStruct((n_pad, dout), jnp.float32),
    )(x, w)


def _col(ident_ref, row):
    return lax.dot_general(ident_ref[...], row, (((1,), (1,)), ((), ())),
                           preferred_element_type=jnp.float32)


def _scale_body(nv, blk, y_ref, hist_ref, ident_ref, y2_ref):
    i = pl.program_id(0)
    deg_src = _col(ident_ref, hist_ref[0, 0] + hist_ref[1, 0])
    y2 = y_ref[...] * _dinv(deg_src)
    rows = i * blk + lax.broadcasted_iota(jnp.int32, y2.shape, 0)
    y2_ref[...] = jnp.where(rows < nv, y2, 0.0)


def _tc_scale(y, hist, ident, n):
    n_pad, d = y.shape
    blk = ident.shape[0]
    grid = -(-n_pad // blk)
    return pl.pallas_call(
        functools.partial(_scale_body, n, blk),
        grid=(grid,),
        in_specs=[
            pl.BlockSpec((blk, d), lambda i: (i, 0)),
            pl.BlockSpec((NC, 2, 1, blk), lambda i: (0, 0, 0, i)),
            pl.BlockSpec((blk, blk), lambda i: (0, 0)),
        ],
        out_specs=pl.BlockSpec((blk, d), lambda i: (i, 0)),
        out_shape=jax.ShapeDtypeStruct((n_pad, d), jnp.float32),
        input_output_aliases={0: 0},
    )(y, hist, ident)


def _final_body(parts_ref, hist_ref, ident_ref, b_ref, out_ref):
    deg_dst = _col(ident_ref, hist_ref[0, 1] + hist_ref[1, 1])
    agg = parts_ref[0] + parts_ref[1]
    out_ref[...] = agg * _dinv(deg_dst) + b_ref[...]


def _tc_final(parts, hist, ident, b):
    n, d = parts.shape[1], parts.shape[2]
    blk = ident.shape[0]
    grid = -(-n // blk)
    return pl.pallas_call(
        _final_body,
        grid=(grid,),
        in_specs=[
            pl.BlockSpec((NC, blk, d), lambda i: (0, i, 0)),
            pl.BlockSpec((NC, 2, 1, blk), lambda i: (0, 0, 0, i)),
            pl.BlockSpec((blk, blk), lambda i: (0, 0)),
            pl.BlockSpec((1, d), lambda i: (0, 0)),
        ],
        out_specs=pl.BlockSpec((blk, d), lambda i: (i, 0)),
        out_shape=jax.ShapeDtypeStruct((n, d), jnp.float32),
    )(parts, hist, ident, b.reshape(1, d))



@jax.jit
def kernel(x, edge_index, W, b):
    n = x.shape[0]
    e = edge_index.shape[1]
    e_pad = -(-e // (8 * CHUNK)) * (8 * CHUNK)
    src_e, dst_e = edge_index[0], edge_index[1]
    comb = src_e | (dst_e << 16)
    if e_pad > e:
        comb = jnp.concatenate(
            [comb, jnp.full((e_pad - e,), n | (n << 16), dtype=comb.dtype)])
    comb2 = comb.reshape(e_pad // CHUNK, CHUNK)

    n_pad = -(-n // (128 * NS)) * NS * 128
    ident = jnp.eye(512, dtype=jnp.float32)
    hist = _sc_hist(comb2, n)
    y = _tc_matmul(x, W, n_pad)
    y2 = _tc_scale(y, hist, ident, n)
    parts = _sc_aggregate(comb2, y2, n)
    return _tc_final(parts, hist, ident, b)

# --- scband reference (transcript-rebuilt; emitter-appended) ---
"""Pipeline reference for scband-cas-41386304864453 (READ-ONLY COPY).

The authoritative reference and input builder live on the scoring server;
editing this copy changes nothing except your own understanding.
"""

import jax, jax.numpy as jnp
import numpy as np

N_NODES = 10000
N_EDGES = 320000
D_FEAT = 128
D_OUT = 128


def setup_inputs(seed: int = 0) -> dict:
    key = jax.random.key(seed)
    k1, k2, k3 = jax.random.split(key, 3)
    x = jax.random.normal(k1, (N_NODES, D_FEAT), dtype=jnp.float32)
    edge_index = jax.random.randint(k2, (2, N_EDGES), 0, N_NODES, dtype=jnp.int32)
    # Learned parameters of the base model (single GCN-style layer standing in for base_model)
    W = jax.random.normal(k3, (D_FEAT, D_OUT), dtype=jnp.float32) / np.sqrt(D_FEAT)
    b = jnp.zeros((D_OUT,), dtype=jnp.float32)
    return {"x": x, "edge_index": edge_index, "W": W, "b": b}


def reference(x, edge_index, W, b):
    # CAS.forward(x, edge_index) = base_model(x, edge_index).
    # The base model is a symmetric-normalized GCN layer:
    #   out = D^{-1/2} A D^{-1/2} X W + b
    src = edge_index[0]
    dst = edge_index[1]
    ones = jnp.ones((src.shape[0],), dtype=jnp.float32)
    deg_src = jax.ops.segment_sum(ones, src, num_segments=N_NODES)
    deg_dst = jax.ops.segment_sum(ones, dst, num_segments=N_NODES)
    dinv_src = jnp.where(deg_src > 0, jax.lax.rsqrt(jnp.maximum(deg_src, 1e-12)), 0.0)
    dinv_dst = jnp.where(deg_dst > 0, jax.lax.rsqrt(jnp.maximum(deg_dst, 1e-12)), 0.0)
    norm = dinv_src[src] * dinv_dst[dst]  # gather (SparseCore-friendly)
    msg = x[src] * norm[:, None]          # gather rows of x
    agg = jax.ops.segment_sum(msg, dst, num_segments=N_NODES)  # scatter-add
    out = agg @ W + b
    return out

if __name__ == "__main__":
    import jax
    _d = setup_inputs()
    print(jax.jit(kernel)(*tuple(_d.values())))

</pallas_src>

<mosaic_0001>
#map = affine_map<(d0, d1) -> (0, 0)>
#map1 = affine_map<(d0, d1) -> (0)>
#map2 = affine_map<(d0, d1) -> (0, 0, 0, 0)>
module attributes {stable_mosaic.version = 14 : i64} {
  func.func @_hist_body(%arg0: i32, %arg1: i32, %arg2: memref<2504x128xi32, #tpu.memory_space<hbm>>, %arg3: memref<80x128xf32, #tpu.memory_space<hbm>>, %arg4: memref<80xi32, #tpu.memory_space<hbm>>, %arg5: memref<2x2x80x128xf32, #tpu.memory_space<hbm>>, %arg6: memref<80x128xi32, #tpu.memory_space<vmem>>, %arg7: memref<80x128xf32, #tpu.memory_space<vmem>>, %arg8: memref<80x128xf32, #tpu.memory_space<vmem>>, %arg9: memref<80xi32, #tpu.memory_space<vmem>>, %arg10: memref<80x128xf32, #tpu.memory_space<vmem_shared>>, %arg11: memref<80x128xf32, #tpu.memory_space<vmem_shared>>) attributes {dimension_semantics = [#tpu.dimension_semantics<core_parallel>, #tpu.dimension_semantics<subcore_parallel>], iteration_bounds = array<i64: 2, 16>, scalar_prefetch = 0 : i64, scratch_operands = 6 : i64, tpu.core_type = #tpu.core_type<sc_vector_subcore>, window_params = [{transform_indices = #map}, {transform_indices = #map}, {transform_indices = #map1}, {transform_indices = #map2}]} {
    %mul3A = arith.constant 2 : i32
    %mul3A_0 = arith.muli %arg1, %mul3A : i32
    %add3A = arith.addi %mul3A_0, %arg0 : i32
    %mul3A_1 = arith.constant 80 : i32
    %mul3A_2 = arith.muli %add3A, %mul3A_1 : i32
    "tpu.region"() ({
      %run_scoped3A = tpu.sem_alloc : memref<!tpu.dma_semaphore, #tpu.memory_space<semaphore_mem>>
      tpu.enqueue_dma source(%arg3 : memref<80x128xf32, #tpu.memory_space<hbm>>) target(%arg7 : memref<80x128xf32, #tpu.memory_space<vmem>>) target_semaphore(%run_scoped3A : memref<!tpu.dma_semaphore, #tpu.memory_space<semaphore_mem>>)
      tpu.wait_dma2 semaphore(%run_scoped3A : memref<!tpu.dma_semaphore, #tpu.memory_space<semaphore_mem>>) src(%arg3 : memref<80x128xf32, #tpu.memory_space<hbm>>) dst(%arg7 : memref<80x128xf32, #tpu.memory_space<vmem>>)
      tpu.yield
    }) : () -> ()
    "tpu.region"() ({
      %run_scoped3A = tpu.sem_alloc : memref<!tpu.dma_semaphore, #tpu.memory_space<semaphore_mem>>
      tpu.enqueue_dma source(%arg3 : memref<80x128xf32, #tpu.memory_space<hbm>>) target(%arg8 : memref<80x128xf32, #tpu.memory_space<vmem>>) target_semaphore(%run_scoped3A : memref<!tpu.dma_semaphore, #tpu.memory_space<semaphore_mem>>)
      tpu.wait_dma2 semaphore(%run_scoped3A : memref<!tpu.dma_semaphore, #tpu.memory_space<semaphore_mem>>) src(%arg3 : memref<80x128xf32, #tpu.memory_space<hbm>>) dst(%arg8 : memref<80x128xf32, #tpu.memory_space<vmem>>)
      tpu.yield
    }) : () -> ()
    %lt3A = arith.constant 10 : i32
    %lt3A_3 = arith.cmpi slt, %arg1, %lt3A : i32
    %convert_element_type3A = arith.extui %lt3A_3 : i1 to i32
    %cond3A = arith.constant 0 : i32
    %cond3A_4 = arith.cmpi ne, %convert_element_type3A, %cond3A : i32
    scf.if %cond3A_4 {
      %mul3A_33 = arith.constant 8 : i32
      %mul3A_34 = arith.muli %arg1, %mul3A_33 : i32
      "tpu.region"() ({
        %run_scoped3A = tpu.sem_alloc : memref<!tpu.dma_semaphore, #tpu.memory_space<semaphore_mem>>
        %dma_start3A = arith.constant 0 : i32
        %dma_start3A_37 = tpu.memref_slice %arg10[%mul3A_34, %dma_start3A] : memref<80x128xf32, #tpu.memory_space<vmem_shared>> -> memref<8x128xf32, #tpu.memory_space<vmem_shared>>
        %dma_start3A_38 = arith.constant 0 : i32
        %dma_start3A_39 = arith.constant 0 : i32
        %dma_start3A_40 = tpu.memref_slice %arg3[%dma_start3A_38, %dma_start3A_39] : memref<80x128xf32, #tpu.memory_space<hbm>> -> memref<8x128xf32, #tpu.memory_space<hbm>>
        tpu.enqueue_dma source(%dma_start3A_40 : memref<8x128xf32, #tpu.memory_space<hbm>>) target(%dma_start3A_37 : memref<8x128xf32, #tpu.memory_space<vmem_shared>>) target_semaphore(%run_scoped3A : memref<!tpu.dma_semaphore, #tpu.memory_space<semaphore_mem>>)
        %dma_wait3A = arith.constant 0 : i32
        %dma_wait3A_41 = tpu.memref_slice %arg10[%mul3A_34, %dma_wait3A] : memref<80x128xf32, #tpu.memory_space<vmem_shared>> -> memref<8x128xf32, #tpu.memory_space<vmem_shared>>
        %dma_wait3A_42 = arith.constant 0 : i32
        %dma_wait3A_43 = arith.constant 0 : i32
        %dma_wait3A_44 = tpu.memref_slice %arg3[%dma_wait3A_42, %dma_wait3A_43] : memref<80x128xf32, #tpu.memory_space<hbm>> -> memref<8x128xf32, #tpu.memory_space<hbm>>
        tpu.wait_dma2 semaphore(%run_scoped3A : memref<!tpu.dma_semaphore, #tpu.memory_space<semaphore_mem>>) src(%dma_wait3A_44 : memref<8x128xf32, #tpu.memory_space<hbm>>) dst(%dma_wait3A_41 : memref<8x128xf32, #tpu.memory_space<vmem_shared>>)
        tpu.yield
      }) : () -> ()
      %mul3A_35 = arith.constant 8 : i32
      %mul3A_36 = arith.muli %arg1, %mul3A_35 : i32
      "tpu.region"() ({
        %run_scoped3A = tpu.sem_alloc : memref<!tpu.dma_semaphore, #tpu.memory_space<semaphore_mem>>
        %dma_start3A = arith.constant 0 : i32
        %dma_start3A_37 = tpu.memref_slice %arg11[%mul3A_36, %dma_start3A] : memref<80x128xf32, #tpu.memory_space<vmem_shared>> -> memref<8x128xf32, #tpu.memory_space<vmem_shared>>
        %dma_start3A_38 = arith.constant 0 : i32
        %dma_start3A_39 = arith.constant 0 : i32
        %dma_start3A_40 = tpu.memref_slice %arg3[%dma_start3A_38, %dma_start3A_39] : memref<80x128xf32, #tpu.memory_space<hbm>> -> memref<8x128xf32, #tpu.memory_space<hbm>>
        tpu.enqueue_dma source(%dma_start3A_40 : memref<8x128xf32, #tpu.memory_space<hbm>>) target(%dma_start3A_37 : memref<8x128xf32, #tpu.memory_space<vmem_shared>>) target_semaphore(%run_scoped3A : memref<!tpu.dma_semaphore, #tpu.memory_space<semaphore_mem>>)
        %dma_wait3A = arith.constant 0 : i32
        %dma_wait3A_41 = tpu.memref_slice %arg11[%mul3A_36, %dma_wait3A] : memref<80x128xf32, #tpu.memory_space<vmem_shared>> -> memref<8x128xf32, #tpu.memory_space<vmem_shared>>
        %dma_wait3A_42 = arith.constant 0 : i32
        %dma_wait3A_43 = arith.constant 0 : i32
        %dma_wait3A_44 = tpu.memref_slice %arg3[%dma_wait3A_42, %dma_wait3A_43] : memref<80x128xf32, #tpu.memory_space<hbm>> -> memref<8x128xf32, #tpu.memory_space<hbm>>
        tpu.wait_dma2 semaphore(%run_scoped3A : memref<!tpu.dma_semaphore, #tpu.memory_space<semaphore_mem>>) src(%dma_wait3A_44 : memref<8x128xf32, #tpu.memory_space<hbm>>) dst(%dma_wait3A_41 : memref<8x128xf32, #tpu.memory_space<vmem_shared>>)
        tpu.yield
      }) : () -> ()
    } else {
    }
    "tpu.region"() ({
      %run_scoped3A = tpu.sem_alloc : memref<!tpu.dma_semaphore, #tpu.memory_space<semaphore_mem>>
      tpu.enqueue_dma source(%arg4 : memref<80xi32, #tpu.memory_space<hbm>>) target(%arg9 : memref<80xi32, #tpu.memory_space<vmem>>) target_semaphore(%run_scoped3A : memref<!tpu.dma_semaphore, #tpu.memory_space<semaphore_mem>>)
      tpu.wait_dma2 semaphore(%run_scoped3A : memref<!tpu.dma_semaphore, #tpu.memory_space<semaphore_mem>>) src(%arg4 : memref<80xi32, #tpu.memory_space<hbm>>) dst(%arg9 : memref<80xi32, #tpu.memory_space<vmem>>)
      tpu.yield
    }) : () -> ()
    %lt3A_5 = arith.constant 31 : i32
    %lt3A_6 = arith.cmpi slt, %add3A, %lt3A_5 : i32
    %convert_element_type3A_7 = arith.extui %lt3A_6 : i1 to i32
    %cond3A_8 = arith.constant 0 : i32
    %cond3A_9 = arith.cmpi ne, %convert_element_type3A_7, %cond3A_8 : i32
    scf.if %cond3A_9 {
      "tpu.region"() ({
        %run_scoped3A = tpu.sem_alloc : memref<!tpu.dma_semaphore, #tpu.memory_space<semaphore_mem>>
        %dma_start3A = arith.constant 0 : i32
        %dma_start3A_33 = arith.constant 0 : i32
        %dma_start3A_34 = tpu.memref_slice %arg6[%dma_start3A, %dma_start3A_33] : memref<80x128xi32, #tpu.memory_space<vmem>> -> memref<80x128xi32, #tpu.memory_space<vmem>>
        %dma_start3A_35 = arith.constant 0 : i32
        %dma_start3A_36 = tpu.memref_slice %arg2[%mul3A_2, %dma_start3A_35] : memref<2504x128xi32, #tpu.memory_space<hbm>> -> memref<80x128xi32, #tpu.memory_space<hbm>>
        %dma_start3A_37 = arith.constant 0 : i32
        %dma_start3A_38 = arith.constant 0 : i32
        %dma_start3A_39 = tpu.memref_slice %arg6[%dma_start3A_37, %dma_start3A_38] : memref<80x128xi32, #tpu.memory_space<vmem>> -> memref<80x128xi32, #tpu.memory_space<vmem>>
        %dma_start3A_40 = arith.constant 0 : i32
        %dma_start3A_41 = tpu.memref_slice %arg2[%mul3A_2, %dma_start3A_40] : memref<2504x128xi32, #tpu.memory_space<hbm>> -> memref<80x128xi32, #tpu.memory_space<hbm>>
        tpu.enqueue_dma source(%dma_start3A_41 : memref<80x128xi32, #tpu.memory_space<hbm>>) target(%dma_start3A_39 : memref<80x128xi32, #tpu.memory_space<vmem>>) target_semaphore(%run_scoped3A : memref<!tpu.dma_semaphore, #tpu.memory_space<semaphore_mem>>)
        %dma_wait3A = arith.constant 0 : i32
        %dma_wait3A_42 = arith.constant 0 : i32
        %dma_wait3A_43 = tpu.memref_slice %arg6[%dma_wait3A, %dma_wait3A_42] : memref<80x128xi32, #tpu.memory_space<vmem>> -> memref<80x128xi32, #tpu.memory_space<vmem>>
        %dma_wait3A_44 = arith.constant 0 : i32
        %dma_wait3A_45 = tpu.memref_slice %arg2[%mul3A_2, %dma_wait3A_44] : memref<2504x128xi32, #tpu.memory_space<hbm>> -> memref<80x128xi32, #tpu.memory_space<hbm>>
        %dma_wait3A_46 = arith.constant 0 : i32
        %dma_wait3A_47 = arith.constant 0 : i32
        %dma_wait3A_48 = tpu.memref_slice %arg6[%dma_wait3A_46, %dma_wait3A_47] : memref<80x128xi32, #tpu.memory_space<vmem>> -> memref<80x128xi32, #tpu.memory_space<vmem>>
        %dma_wait3A_49 = arith.constant 0 : i32
        %dma_wait3A_50 = tpu.memref_slice %arg2[%mul3A_2, %dma_wait3A_49] : memref<2504x128xi32, #tpu.memory_space<hbm>> -> memref<80x128xi32, #tpu.memory_space<hbm>>
        tpu.wait_dma2 semaphore(%run_scoped3A : memref<!tpu.dma_semaphore, #tpu.memory_space<semaphore_mem>>) src(%dma_wait3A_50 : memref<80x128xi32, #tpu.memory_space<hbm>>) dst(%dma_wait3A_48 : memref<80x128xi32, #tpu.memory_space<vmem>>)
        tpu.yield
      }) : () -> ()
    } else {
    }
    %eq3A = arith.constant 31 : i32
    %eq3A_10 = arith.cmpi eq, %add3A, %eq3A : i32
    %convert_element_type3A_11 = arith.extui %eq3A_10 : i1 to i32
    %cond3A_12 = arith.constant 0 : i32
    %cond3A_13 = arith.cmpi ne, %convert_element_type3A_11, %cond3A_12 : i32
    scf.if %cond3A_13 {
      "tpu.region"() ({
        %run_scoped3A = tpu.sem_alloc : memref<!tpu.dma_semaphore, #tpu.memory_space<semaphore_mem>>
        %dma_start3A = arith.constant 0 : i32
        %dma_start3A_33 = arith.constant 0 : i32
        %dma_start3A_34 = tpu.memref_slice %arg6[%dma_start3A, %dma_start3A_33] : memref<80x128xi32, #tpu.memory_space<vmem>> -> memref<24x128xi32, #tpu.memory_space<vmem>>
        %dma_start3A_35 = arith.constant 0 : i32
        %dma_start3A_36 = tpu.memref_slice %arg2[%mul3A_2, %dma_start3A_35] : memref<2504x128xi32, #tpu.memory_space<hbm>> -> memref<24x128xi32, #tpu.memory_space<hbm>>
        %dma_start3A_37 = arith.constant 0 : i32
        %dma_start3A_38 = arith.constant 0 : i32
        %dma_start3A_39 = tpu.memref_slice %arg6[%dma_start3A_37, %dma_start3A_38] : memref<80x128xi32, #tpu.memory_space<vmem>> -> memref<24x128xi32, #tpu.memory_space<vmem>>
        %dma_start3A_40 = arith.constant 0 : i32
        %dma_start3A_41 = tpu.memref_slice %arg2[%mul3A_2, %dma_start3A_40] : memref<2504x128xi32, #tpu.memory_space<hbm>> -> memref<24x128xi32, #tpu.memory_space<hbm>>
        tpu.enqueue_dma source(%dma_start3A_41 : memref<24x128xi32, #tpu.memory_space<hbm>>) target(%dma_start3A_39 : memref<24x128xi32, #tpu.memory_space<vmem>>) target_semaphore(%run_scoped3A : memref<!tpu.dma_semaphore, #tpu.memory_space<semaphore_mem>>)
        %dma_wait3A = arith.constant 0 : i32
        %dma_wait3A_42 = arith.constant 0 : i32
        %dma_wait3A_43 = tpu.memref_slice %arg6[%dma_wait3A, %dma_wait3A_42] : memref<80x128xi32, #tpu.memory_space<vmem>> -> memref<24x128xi32, #tpu.memory_space<vmem>>
        %dma_wait3A_44 = arith.constant 0 : i32
        %dma_wait3A_45 = tpu.memref_slice %arg2[%mul3A_2, %dma_wait3A_44] : memref<2504x128xi32, #tpu.memory_space<hbm>> -> memref<24x128xi32, #tpu.memory_space<hbm>>
        %dma_wait3A_46 = arith.constant 0 : i32
        %dma_wait3A_47 = arith.constant 0 : i32
        %dma_wait3A_48 = tpu.memref_slice %arg6[%dma_wait3A_46, %dma_wait3A_47] : memref<80x128xi32, #tpu.memory_space<vmem>> -> memref<24x128xi32, #tpu.memory_space<vmem>>
        %dma_wait3A_49 = arith.constant 0 : i32
        %dma_wait3A_50 = tpu.memref_slice %arg2[%mul3A_2, %dma_wait3A_49] : memref<2504x128xi32, #tpu.memory_space<hbm>> -> memref<24x128xi32, #tpu.memory_space<hbm>>
        tpu.wait_dma2 semaphore(%run_scoped3A : memref<!tpu.dma_semaphore, #tpu.memory_space<semaphore_mem>>) src(%dma_wait3A_50 : memref<24x128xi32, #tpu.memory_space<hbm>>) dst(%dma_wait3A_48 : memref<24x128xi32, #tpu.memory_space<vmem>>)
        tpu.yield
      }) : () -> ()
    } else {
    }
    %barrier3A = arith.constant 0 : index
    tpu.barrier barrier_id(%barrier3A)
    %broadcast_in_dim3A = arith.constant 1.000000e+00 : f32
    %broadcast_in_dim3A_14 = vector.broadcast %broadcast_in_dim3A : f32 to vector<16xf32>
    %sub3A = arith.constant 2504 : i32
    %sub3A_15 = arith.subi %sub3A, %mul3A_2 : i32
    %min3A = arith.constant 80 : i32
    %min3A_16 = arith.minsi %min3A, %sub3A_15 : i32
    %max3A = arith.constant 0 : i32
    %max3A_17 = arith.maxsi %max3A, %min3A_16 : i32
    %while3A = arith.constant 0 : i32
    %while3A_18 = arith.constant 0 : i32
    %while3A_19 = arith.subi %max3A_17, %while3A_18 : i32
    %while3A_20 = arith.addi %while3A_18, %while3A_19 : i32
    %while3A_21 = arith.constant 1 : i32
    %while3A_22 = arith.divsi %while3A_19, %while3A_21 : i32
    %while3A_23 = arith.muli %while3A_22, %while3A_21 : i32
    %while3A_24 = arith.addi %while3A_18, %while3A_23 : i32
    %while3A_25 = arith.constant 1 : i32
    scf.for %while3A_33 = %while3A_18 to %while3A_24 step %while3A_25  : i32 {
      %get3A = arith.index_cast %while3A_33 : i32 to index
      %get3A_34 = arith.constant 0 : index
      %get3A_35 = tpu.vector_load %arg6[%get3A, %get3A_34] {strides = array<i32>} : memref<80x128xi32, #tpu.memory_space<vmem>>, vector<16xi32>,
      %and3A = arith.constant 65535 : i32
      %and3A_36 = vector.broadcast %and3A : i32 to vector<16xi32>
      %and3A_37 = arith.andi %get3A_35, %and3A_36 : vector<16xi32>
      %shift_right_logical3A = arith.constant 7 : i32
      %shift_right_logical3A_38 = vector.broadcast %shift_right_logical3A : i32 to vector<16xi32>
      %shift_right_logical3A_39 = arith.shrui %and3A_37, %shift_right_logical3A_38 : vector<16xi32>
      %and3A_40 = arith.constant 127 : i32
      %and3A_41 = vector.broadcast %and3A_40 : i32 to vector<16xi32>
      %and3A_42 = arith.andi %and3A_37, %and3A_41 : vector<16xi32>
      tpu.vector_store_idx %arg7[%shift_right_logical3A_39, %and3A_42], %broadcast_in_dim3A_14 {add = true} : memref<80x128xf32, #tpu.memory_space<vmem>>[vector<16xi32>, vector<16xi32>], vector<16xf32>,
      %shift_right_logical3A_43 = arith.constant 16 : i32
      %shift_right_logical3A_44 = vector.broadcast %shift_right_logical3A_43 : i32 to vector<16xi32>
      %shift_right_logical3A_45 = arith.shrui %get3A_35, %shift_right_logical3A_44 : vector<16xi32>
      %shift_right_logical3A_46 = arith.constant 7 : i32
      %shift_right_logical3A_47 = vector.broadcast %shift_right_logical3A_46 : i32 to vector<16xi32>
      %shift_right_logical3A_48 = arith.shrui %shift_right_logical3A_45, %shift_right_logical3A_47 : vector<16xi32>
      %and3A_49 = arith.constant 127 : i32
      %and3A_50 = vector.broadcast %and3A_49 : i32 to vector<16xi32>
      %and3A_51 = arith.andi %shift_right_logical3A_45, %and3A_50 : vector<16xi32>
      tpu.vector_store_idx %arg8[%shift_right_logical3A_48, %and3A_51], %broadcast_in_dim3A_14 {add = true} : memref<80x128xf32, #tpu.memory_space<vmem>>[vector<16xi32>, vector<16xi32>], vector<16xf32>,
      %get3A_52 = arith.index_cast %while3A_33 : i32 to index
      %get3A_53 = arith.constant 16 : index
      %get3A_54 = tpu.vector_load %arg6[%get3A_52, %get3A_53] {strides = array<i32>} : memref<80x128xi32, #tpu.memory_space<vmem>>, vector<16xi32>,
      %and3A_55 = arith.constant 65535 : i32
      %and3A_56 = vector.broadcast %and3A_55 : i32 to vector<16xi32>
      %and3A_57 = arith.andi %get3A_54, %and3A_56 : vector<16xi32>
      %shift_right_logical3A_58 = arith.constant 7 : i32
      %shift_right_logical3A_59 = vector.broadcast %shift_right_logical3A_58 : i32 to vector<16xi32>
      %shift_right_logical3A_60 = arith.shrui %and3A_57, %shift_right_logical3A_59 : vector<16xi32>
      %and3A_61 = arith.constant 127 : i32
      %and3A_62 = vector.broadcast %and3A_61 : i32 to vector<16xi32>
      %and3A_63 = arith.andi %and3A_57, %and3A_62 : vector<16xi32>
      tpu.vector_store_idx %arg7[%shift_right_logical3A_60, %and3A_63], %broadcast_in_dim3A_14 {add = true} : memref<80x128xf32, #tpu.memory_space<vmem>>[vector<16xi32>, vector<16xi32>], vector<16xf32>,
      %shift_right_logical3A_64 = arith.constant 16 : i32
      %shift_right_logical3A_65 = vector.broadcast %shift_right_logical3A_64 : i32 to vector<16xi32>
      %shift_right_logical3A_66 = arith.shrui %get3A_54, %shift_right_logical3A_65 : vector<16xi32>
      %shift_right_logical3A_67 = arith.constant 7 : i32
      %shift_right_logical3A_68 = vector.broadcast %shift_right_logical3A_67 : i32 to vector<16xi32>
      %shift_right_logical3A_69 = arith.shrui %shift_right_logical3A_66, %shift_right_logical3A_68 : vector<16xi32>
      %and3A_70 = arith.constant 127 : i32
      %and3A_71 = vector.broadcast %and3A_70 : i32 to vector<16xi32>
      %and3A_72 = arith.andi %shift_right_logical3A_66, %and3A_71 : vector<16xi32>
      tpu.vector_store_idx %arg8[%shift_right_logical3A_69, %and3A_72], %broadcast_in_dim3A_14 {add = true} : memref<80x128xf32, #tpu.memory_space<vmem>>[vector<16xi32>, vector<16xi32>], vector<16xf32>,
      %get3A_73 = arith.index_cast %while3A_33 : i32 to index
      %get3A_74 = arith.constant 32 : index
      %get3A_75 = tpu.vector_load %arg6[%get3A_73, %get3A_74] {strides = array<i32>} : memref<80x128xi32, #tpu.memory_space<vmem>>, vector<16xi32>,
      %and3A_76 = arith.constant 65535 : i32
      %and3A_77 = vector.broadcast %and3A_76 : i32 to vector<16xi32>
      %and3A_78 = arith.andi %get3A_75, %and3A_77 : vector<16xi32>
      %shift_right_logical3A_79 = arith.constant 7 : i32
      %shift_right_logical3A_80 = vector.broadcast %shift_right_logical3A_79 : i32 to vector<16xi32>
      %shift_right_logical3A_81 = arith.shrui %and3A_78, %shift_right_logical3A_80 : vector<16xi32>
      %and3A_82 = arith.constant 127 : i32
      %and3A_83 = vector.broadcast %and3A_82 : i32 to vector<16xi32>
      %and3A_84 = arith.andi %and3A_78, %and3A_83 : vector<16xi32>
      tpu.vector_store_idx %arg7[%shift_right_logical3A_81, %and3A_84], %broadcast_in_dim3A_14 {add = true} : memref<80x128xf32, #tpu.memory_space<vmem>>[vector<16xi32>, vector<16xi32>], vector<16xf32>,
      %shift_right_logical3A_85 = arith.constant 16 : i32
      %shift_right_logical3A_86 = vector.broadcast %shift_right_logical3A_85 : i32 to vector<16xi32>
      %shift_right_logical3A_87 = arith.shrui %get3A_75, %shift_right_logical3A_86 : vector<16xi32>
      %shift_right_logical3A_88 = arith.constant 7 : i32
      %shift_right_logical3A_89 = vector.broadcast %shift_right_logical3A_88 : i32 to vector<16xi32>
      %shift_right_logical3A_90 = arith.shrui %shift_right_logical3A_87, %shift_right_logical3A_89 : vector<16xi32>
      %and3A_91 = arith.constant 127 : i32
      %and3A_92 = vector.broadcast %and3A_91 : i32 to vector<16xi32>
      %and3A_93 = arith.andi %shift_right_logical3A_87, %and3A_92 : vector<16xi32>
      tpu.vector_store_idx %arg8[%shift_right_logical3A_90, %and3A_93], %broadcast_in_dim3A_14 {add = true} : memref<80x128xf32, #tpu.memory_space<vmem>>[vector<16xi32>, vector<16xi32>], vector<16xf32>,
      %get3A_94 = arith.index_cast %while3A_33 : i32 to index
      %get3A_95 = arith.constant 48 : index
      %get3A_96 = tpu.vector_load %arg6[%get3A_94, %get3A_95] {strides = array<i32>} : memref<80x128xi32, #tpu.memory_space<vmem>>, vector<16xi32>,
      %and3A_97 = arith.constant 65535 : i32
      %and3A_98 = vector.broadcast %and3A_97 : i32 to vector<16xi32>
      %and3A_99 = arith.andi %get3A_96, %and3A_98 : vector<16xi32>
      %shift_right_logical3A_100 = arith.constant 7 : i32
      %shift_right_logical3A_101 = vector.broadcast %shift_right_logical3A_100 : i32 to vector<16xi32>
      %shift_right_logical3A_102 = arith.shrui %and3A_99, %shift_right_logical3A_101 : vector<16xi32>
      %and3A_103 = arith.constant 127 : i32
      %and3A_104 = vector.broadcast %and3A_103 : i32 to vector<16xi32>
      %and3A_105 = arith.andi %and3A_99, %and3A_104 : vector<16xi32>
      tpu.vector_store_idx %arg7[%shift_right_logical3A_102, %and3A_105], %broadcast_in_dim3A_14 {add = true} : memref<80x128xf32, #tpu.memory_space<vmem>>[vector<16xi32>, vector<16xi32>], vector<16xf32>,
      %shift_right_logical3A_106 = arith.constant 16 : i32
      %shift_right_logical3A_107 = vector.broadcast %shift_right_logical3A_106 : i32 to vector<16xi32>
      %shift_right_logical3A_108 = arith.shrui %get3A_96, %shift_right_logical3A_107 : vector<16xi32>
      %shift_right_logical3A_109 = arith.constant 7 : i32
      %shift_right_logical3A_110 = vector.broadcast %shift_right_logical3A_109 : i32 to vector<16xi32>
      %shift_right_logical3A_111 = arith.shrui %shift_right_logical3A_108, %shift_right_logical3A_110 : vector<16xi32>
      %and3A_112 = arith.constant 127 : i32
      %and3A_113 = vector.broadcast %and3A_112 : i32 to vector<16xi32>
      %and3A_114 = arith.andi %shift_right_logical3A_108, %and3A_113 : vector<16xi32>
      tpu.vector_store_idx %arg8[%shift_right_logical3A_111, %and3A_114], %broadcast_in_dim3A_14 {add = true} : memref<80x128xf32, #tpu.memory_space<vmem>>[vector<16xi32>, vector<16xi32>], vector<16xf32>,
      %get3A_115 = arith.index_cast %while3A_33 : i32 to index
      %get3A_116 = arith.constant 64 : index
      %get3A_117 = tpu.vector_load %arg6[%get3A_115, %get3A_116] {strides = array<i32>} : memref<80x128xi32, #tpu.memory_space<vmem>>, vector<16xi32>,
      %and3A_118 = arith.constant 65535 : i32
      %and3A_119 = vector.broadcast %and3A_118 : i32 to vector<16xi32>
      %and3A_120 = arith.andi %get3A_117, %and3A_119 : vector<16xi32>
      %shift_right_logical3A_121 = arith.constant 7 : i32
      %shift_right_logical3A_122 = vector.broadcast %shift_right_logical3A_121 : i32 to vector<16xi32>
      %shift_right_logical3A_123 = arith.shrui %and3A_120, %shift_right_logical3A_122 : vector<16xi32>
      %and3A_124 = arith.constant 127 : i32
      %and3A_125 = vector.broadcast %and3A_124 : i32 to vector<16xi32>
      %and3A_126 = arith.andi %and3A_120, %and3A_125 : vector<16xi32>
      tpu.vector_store_idx %arg7[%shift_right_logical3A_123, %and3A_126], %broadcast_in_dim3A_14 {add = true} : memref<80x128xf32, #tpu.memory_space<vmem>>[vector<16xi32>, vector<16xi32>], vector<16xf32>,
      %shift_right_logical3A_127 = arith.constant 16 : i32
      %shift_right_logical3A_128 = vector.broadcast %shift_right_logical3A_127 : i32 to vector<16xi32>
      %shift_right_logical3A_129 = arith.shrui %get3A_117, %shift_right_logical3A_128 : vector<16xi32>
      %shift_right_logical3A_130 = arith.constant 7 : i32
      %shift_right_logical3A_131 = vector.broadcast %shift_right_logical3A_130 : i32 to vector<16xi32>
      %shift_right_logical3A_132 = arith.shrui %shift_right_logical3A_129, %shift_right_logical3A_131 : vector<16xi32>
      %and3A_133 = arith.constant 127 : i32
      %and3A_134 = vector.broadcast %and3A_133 : i32 to vector<16xi32>
      %and3A_135 = arith.andi %shift_right_logical3A_129, %and3A_134 : vector<16xi32>
      tpu.vector_store_idx %arg8[%shift_right_logical3A_132, %and3A_135], %broadcast_in_dim3A_14 {add = true} : memref<80x128xf32, #tpu.memory_space<vmem>>[vector<16xi32>, vector<16xi32>], vector<16xf32>,
      %get3A_136 = arith.index_cast %while3A_33 : i32 to index
      %get3A_137 = arith.constant 80 : index
      %get3A_138 = tpu.vector_load %arg6[%get3A_136, %get3A_137] {strides = array<i32>} : memref<80x128xi32, #tpu.memory_space<vmem>>, vector<16xi32>,
      %and3A_139 = arith.constant 65535 : i32
      %and3A_140 = vector.broadcast %and3A_139 : i32 to vector<16xi32>
      %and3A_141 = arith.andi %get3A_138, %and3A_140 : vector<16xi32>
      %shift_right_logical3A_142 = arith.constant 7 : i32
      %shift_right_logical3A_143 = vector.broadcast %shift_right_logical3A_142 : i32 to vector<16xi32>
      %shift_right_logical3A_144 = arith.shrui %and3A_141, %shift_right_logical3A_143 : vector<16xi32>
      %and3A_145 = arith.constant 127 : i32
      %and3A_146 = vector.broadcast %and3A_145 : i32 to vector<16xi32>
      %and3A_147 = arith.andi %and3A_141, %and3A_146 : vector<16xi32>
      tpu.vector_store_idx %arg7[%shift_right_logical3A_144, %and3A_147], %broadcast_in_dim3A_14 {add = true} : memref<80x128xf32, #tpu.memory_space<vmem>>[vector<16xi32>, vector<16xi32>], vector<16xf32>,
      %shift_right_logical3A_148 = arith.constant 16 : i32
      %shift_right_logical3A_149 = vector.broadcast %shift_right_logical3A_148 : i32 to vector<16xi32>
      %shift_right_logical3A_150 = arith.shrui %get3A_138, %shift_right_logical3A_149 : vector<16xi32>
      %shift_right_logical3A_151 = arith.constant 7 : i32
      %shift_right_logical3A_152 = vector.broadcast %shift_right_logical3A_151 : i32 to vector<16xi32>
      %shift_right_logical3A_153 = arith.shrui %shift_right_logical3A_150, %shift_right_logical3A_152 : vector<16xi32>
      %and3A_154 = arith.constant 127 : i32
      %and3A_155 = vector.broadcast %and3A_154 : i32 to vector<16xi32>
      %and3A_156 = arith.andi %shift_right_logical3A_150, %and3A_155 : vector<16xi32>
      tpu.vector_store_idx %arg8[%shift_right_logical3A_153, %and3A_156], %broadcast_in_dim3A_14 {add = true} : memref<80x128xf32, #tpu.memory_space<vmem>>[vector<16xi32>, vector<16xi32>], vector<16xf32>,
      %get3A_157 = arith.index_cast %while3A_33 : i32 to index
      %get3A_158 = arith.constant 96 : index
      %get3A_159 = tpu.vector_load %arg6[%get3A_157, %get3A_158] {strides = array<i32>} : memref<80x128xi32, #tpu.memory_space<vmem>>, vector<16xi32>,
      %and3A_160 = arith.constant 65535 : i32
      %and3A_161 = vector.broadcast %and3A_160 : i32 to vector<16xi32>
      %and3A_162 = arith.andi %get3A_159, %and3A_161 : vector<16xi32>
      %shift_right_logical3A_163 = arith.constant 7 : i32
      %shift_right_logical3A_164 = vector.broadcast %shift_right_logical3A_163 : i32 to vector<16xi32>
      %shift_right_logical3A_165 = arith.shrui %and3A_162, %shift_right_logical3A_164 : vector<16xi32>
      %and3A_166 = arith.constant 127 : i32
      %and3A_167 = vector.broadcast %and3A_166 : i32 to vector<16xi32>
      %and3A_168 = arith.andi %and3A_162, %and3A_167 : vector<16xi32>
      tpu.vector_store_idx %arg7[%shift_right_logical3A_165, %and3A_168], %broadcast_in_dim3A_14 {add = true} : memref<80x128xf32, #tpu.memory_space<vmem>>[vector<16xi32>, vector<16xi32>], vector<16xf32>,
      %shift_right_logical3A_169 = arith.constant 16 : i32
      %shift_right_logical3A_170 = vector.broadcast %shift_right_logical3A_169 : i32 to vector<16xi32>
      %shift_right_logical3A_171 = arith.shrui %get3A_159, %shift_right_logical3A_170 : vector<16xi32>
      %shift_right_logical3A_172 = arith.constant 7 : i32
      %shift_right_logical3A_173 = vector.broadcast %shift_right_logical3A_172 : i32 to vector<16xi32>
      %shift_right_logical3A_174 = arith.shrui %shift_right_logical3A_171, %shift_right_logical3A_173 : vector<16xi32>
      %and3A_175 = arith.constant 127 : i32
      %and3A_176 = vector.broadcast %and3A_175 : i32 to vector<16xi32>
      %and3A_177 = arith.andi %shift_right_logical3A_171, %and3A_176 : vector<16xi32>
      tpu.vector_store_idx %arg8[%shift_right_logical3A_174, %and3A_177], %broadcast_in_dim3A_14 {add = true} : memref<80x128xf32, #tpu.memory_space<vmem>>[vector<16xi32>, vector<16xi32>], vector<16xf32>,
      %get3A_178 = arith.index_cast %while3A_33 : i32 to index
      %get3A_179 = arith.constant 112 : index
      %get3A_180 = tpu.vector_load %arg6[%get3A_178, %get3A_179] {strides = array<i32>} : memref<80x128xi32, #tpu.memory_space<vmem>>, vector<16xi32>,
      %and3A_181 = arith.constant 65535 : i32
      %and3A_182 = vector.broadcast %and3A_181 : i32 to vector<16xi32>
      %and3A_183 = arith.andi %get3A_180, %and3A_182 : vector<16xi32>
      %shift_right_logical3A_184 = arith.constant 7 : i32
      %shift_right_logical3A_185 = vector.broadcast %shift_right_logical3A_184 : i32 to vector<16xi32>
      %shift_right_logical3A_186 = arith.shrui %and3A_183, %shift_right_logical3A_185 : vector<16xi32>
      %and3A_187 = arith.constant 127 : i32
      %and3A_188 = vector.broadcast %and3A_187 : i32 to vector<16xi32>
      %and3A_189 = arith.andi %and3A_183, %and3A_188 : vector<16xi32>
      tpu.vector_store_idx %arg7[%shift_right_logical3A_186, %and3A_189], %broadcast_in_dim3A_14 {add = true} : memref<80x128xf32, #tpu.memory_space<vmem>>[vector<16xi32>, vector<16xi32>], vector<16xf32>,
      %shift_right_logical3A_190 = arith.constant 16 : i32
      %shift_right_logical3A_191 = vector.broadcast %shift_right_logical3A_190 : i32 to vector<16xi32>
      %shift_right_logical3A_192 = arith.shrui %get3A_180, %shift_right_logical3A_191 : vector<16xi32>
      %shift_right_logical3A_193 = arith.constant 7 : i32
      %shift_right_logical3A_194 = vector.broadcast %shift_right_logical3A_193 : i32 to vector<16xi32>
      %shift_right_logical3A_195 = arith.shrui %shift_right_logical3A_192, %shift_right_logical3A_194 : vector<16xi32>
      %and3A_196 = arith.constant 127 : i32
      %and3A_197 = vector.broadcast %and3A_196 : i32 to vector<16xi32>
      %and3A_198 = arith.andi %shift_right_logical3A_192, %and3A_197 : vector<16xi32>
      tpu.vector_store_idx %arg8[%shift_right_logical3A_195, %and3A_198], %broadcast_in_dim3A_14 {add = true} : memref<80x128xf32, #tpu.memory_space<vmem>>[vector<16xi32>, vector<16xi32>], vector<16xf32>,
    }
    %while3A_26 = arith.constant 1 : i32
    scf.for %while3A_33 = %while3A_24 to %while3A_20 step %while3A_26  : i32 {
      %get3A = arith.index_cast %while3A_33 : i32 to index
      %get3A_34 = arith.constant 0 : index
      %get3A_35 = tpu.vector_load %arg6[%get3A, %get3A_34] {strides = array<i32>} : memref<80x128xi32, #tpu.memory_space<vmem>>, vector<16xi32>,
      %and3A = arith.constant 65535 : i32
      %and3A_36 = vector.broadcast %and3A : i32 to vector<16xi32>
      %and3A_37 = arith.andi %get3A_35, %and3A_36 : vector<16xi32>
      %shift_right_logical3A = arith.constant 7 : i32
      %shift_right_logical3A_38 = vector.broadcast %shift_right_logical3A : i32 to vector<16xi32>
      %shift_right_logical3A_39 = arith.shrui %and3A_37, %shift_right_logical3A_38 : vector<16xi32>
      %and3A_40 = arith.constant 127 : i32
      %and3A_41 = vector.broadcast %and3A_40 : i32 to vector<16xi32>
      %and3A_42 = arith.andi %and3A_37, %and3A_41 : vector<16xi32>
      tpu.vector_store_idx %arg7[%shift_right_logical3A_39, %and3A_42], %broadcast_in_dim3A_14 {add = true} : memref<80x128xf32, #tpu.memory_space<vmem>>[vector<16xi32>, vector<16xi32>], vector<16xf32>,
      %shift_right_logical3A_43 = arith.constant 16 : i32
      %shift_right_logical3A_44 = vector.broadcast %shift_right_logical3A_43 : i32 to vector<16xi32>
      %shift_right_logical3A_45 = arith.shrui %get3A_35, %shift_right_logical3A_44 : vector<16xi32>
      %shift_right_logical3A_46 = arith.constant 7 : i32
      %shift_right_logical3A_47 = vector.broadcast %shift_right_logical3A_46 : i32 to vector<16xi32>
      %shift_right_logical3A_48 = arith.shrui %shift_right_logical3A_45, %shift_right_logical3A_47 : vector<16xi32>
      %and3A_49 = arith.constant 127 : i32
      %and3A_50 = vector.broadcast %and3A_49 : i32 to vector<16xi32>
      %and3A_51 = arith.andi %shift_right_logical3A_45, %and3A_50 : vector<16xi32>
      tpu.vector_store_idx %arg8[%shift_right_logical3A_48, %and3A_51], %broadcast_in_dim3A_14 {add = true} : memref<80x128xf32, #tpu.memory_space<vmem>>[vector<16xi32>, vector<16xi32>], vector<16xf32>,
      %get3A_52 = arith.index_cast %while3A_33 : i32 to index
      %get3A_53 = arith.constant 16 : index
      %get3A_54 = tpu.vector_load %arg6[%get3A_52, %get3A_53] {strides = array<i32>} : memref<80x128xi32, #tpu.memory_space<vmem>>, vector<16xi32>,
      %and3A_55 = arith.constant 65535 : i32
      %and3A_56 = vector.broadcast %and3A_55 : i32 to vector<16xi32>
      %and3A_57 = arith.andi %get3A_54, %and3A_56 : vector<16xi32>
      %shift_right_logical3A_58 = arith.constant 7 : i32
      %shift_right_logical3A_59 = vector.broadcast %shift_right_logical3A_58 : i32 to vector<16xi32>
      %shift_right_logical3A_60 = arith.shrui %and3A_57, %shift_right_logical3A_59 : vector<16xi32>
      %and3A_61 = arith.constant 127 : i32
      %and3A_62 = vector.broadcast %and3A_61 : i32 to vector<16xi32>
      %and3A_63 = arith.andi %and3A_57, %and3A_62 : vector<16xi32>
      tpu.vector_store_idx %arg7[%shift_right_logical3A_60, %and3A_63], %broadcast_in_dim3A_14 {add = true} : memref<80x128xf32, #tpu.memory_space<vmem>>[vector<16xi32>, vector<16xi32>], vector<16xf32>,
      %shift_right_logical3A_64 = arith.constant 16 : i32
      %shift_right_logical3A_65 = vector.broadcast %shift_right_logical3A_64 : i32 to vector<16xi32>
      %shift_right_logical3A_66 = arith.shrui %get3A_54, %shift_right_logical3A_65 : vector<16xi32>
      %shift_right_logical3A_67 = arith.constant 7 : i32
      %shift_right_logical3A_68 = vector.broadcast %shift_right_logical3A_67 : i32 to vector<16xi32>
      %shift_right_logical3A_69 = arith.shrui %shift_right_logical3A_66, %shift_right_logical3A_68 : vector<16xi32>
      %and3A_70 = arith.constant 127 : i32
      %and3A_71 = vector.broadcast %and3A_70 : i32 to vector<16xi32>
      %and3A_72 = arith.andi %shift_right_logical3A_66, %and3A_71 : vector<16xi32>
      tpu.vector_store_idx %arg8[%shift_right_logical3A_69, %and3A_72], %broadcast_in_dim3A_14 {add = true} : memref<80x128xf32, #tpu.memory_space<vmem>>[vector<16xi32>, vector<16xi32>], vector<16xf32>,
      %get3A_73 = arith.index_cast %while3A_33 : i32 to index
      %get3A_74 = arith.constant 32 : index
      %get3A_75 = tpu.vector_load %arg6[%get3A_73, %get3A_74] {strides = array<i32>} : memref<80x128xi32, #tpu.memory_space<vmem>>, vector<16xi32>,
      %and3A_76 = arith.constant 65535 : i32
      %and3A_77 = vector.broadcast %and3A_76 : i32 to vector<16xi32>
      %and3A_78 = arith.andi %get3A_75, %and3A_77 : vector<16xi32>
      %shift_right_logical3A_79 = arith.constant 7 : i32
      %shift_right_logical3A_80 = vector.broadcast %shift_right_logical3A_79 : i32 to vector<16xi32>
      %shift_right_logical3A_81 = arith.shrui %and3A_78, %shift_right_logical3A_80 : vector<16xi32>
      %and3A_82 = arith.constant 127 : i32
      %and3A_83 = vector.broadcast %and3A_82 : i32 to vector<16xi32>
      %and3A_84 = arith.andi %and3A_78, %and3A_83 : vector<16xi32>
      tpu.vector_store_idx %arg7[%shift_right_logical3A_81, %and3A_84], %broadcast_in_dim3A_14 {add = true} : memref<80x128xf32, #tpu.memory_space<vmem>>[vector<16xi32>, vector<16xi32>], vector<16xf32>,
      %shift_right_logical3A_85 = arith.constant 16 : i32
      %shift_right_logical3A_86 = vector.broadcast %shift_right_logical3A_85 : i32 to vector<16xi32>
      %shift_right_logical3A_87 = arith.shrui %get3A_75, %shift_right_logical3A_86 : vector<16xi32>
      %shift_right_logical3A_88 = arith.constant 7 : i32
      %shift_right_logical3A_89 = vector.broadcast %shift_right_logical3A_88 : i32 to vector<16xi32>
      %shift_right_logical3A_90 = arith.shrui %shift_right_logical3A_87, %shift_right_logical3A_89 : vector<16xi32>
      %and3A_91 = arith.constant 127 : i32
      %and3A_92 = vector.broadcast %and3A_91 : i32 to vector<16xi32>
      %and3A_93 = arith.andi %shift_right_logical3A_87, %and3A_92 : vector<16xi32>
      tpu.vector_store_idx %arg8[%shift_right_logical3A_90, %and3A_93], %broadcast_in_dim3A_14 {add = true} : memref<80x128xf32, #tpu.memory_space<vmem>>[vector<16xi32>, vector<16xi32>], vector<16xf32>,
      %get3A_94 = arith.index_cast %while3A_33 : i32 to index
      %get3A_95 = arith.constant 48 : index
      %get3A_96 = tpu.vector_load %arg6[%get3A_94, %get3A_95] {strides = array<i32>} : memref<80x128xi32, #tpu.memory_space<vmem>>, vector<16xi32>,
      %and3A_97 = arith.constant 65535 : i32
      %and3A_98 = vector.broadcast %and3A_97 : i32 to vector<16xi32>
      %and3A_99 = arith.andi %get3A_96, %and3A_98 : vector<16xi32>
      %shift_right_logical3A_100 = arith.constant 7 : i32
      %shift_right_logical3A_101 = vector.broadcast %shift_right_logical3A_100 : i32 to vector<16xi32>
      %shift_right_logical3A_102 = arith.shrui %and3A_99, %shift_right_logical3A_101 : vector<16xi32>
      %and3A_103 = arith.constant 127 : i32
      %and3A_104 = vector.broadcast %and3A_103 : i32 to vector<16xi32>
      %and3A_105 = arith.andi %and3A_99, %and3A_104 : vector<16xi32>
      tpu.vector_store_idx %arg7[%shift_right_logical3A_102, %and3A_105], %broadcast_in_dim3A_14 {add = true} : memref<80x128xf32, #tpu.memory_space<vmem>>[vector<16xi32>, vector<16xi32>], vector<16xf32>,
      %shift_right_logical3A_106 = arith.constant 16 : i32
      %shift_right_logical3A_107 = vector.broadcast %shift_right_logical3A_106 : i32 to vector<16xi32>
      %shift_right_logical3A_108 = arith.shrui %get3A_96, %shift_right_logical3A_107 : vector<16xi32>
      %shift_right_logical3A_109 = arith.constant 7 : i32
      %shift_right_logical3A_110 = vector.broadcast %shift_right_logical3A_109 : i32 to vector<16xi32>
      %shift_right_logical3A_111 = arith.shrui %shift_right_logical3A_108, %shift_right_logical3A_110 : vector<16xi32>
      %and3A_112 = arith.constant 127 : i32
      %and3A_113 = vector.broadcast %and3A_112 : i32 to vector<16xi32>
      %and3A_114 = arith.andi %shift_right_logical3A_108, %and3A_113 : vector<16xi32>
      tpu.vector_store_idx %arg8[%shift_right_logical3A_111, %and3A_114], %broadcast_in_dim3A_14 {add = true} : memref<80x128xf32, #tpu.memory_space<vmem>>[vector<16xi32>, vector<16xi32>], vector<16xf32>,
      %get3A_115 = arith.index_cast %while3A_33 : i32 to index
      %get3A_116 = arith.constant 64 : index
      %get3A_117 = tpu.vector_load %arg6[%get3A_115, %get3A_116] {strides = array<i32>} : memref<80x128xi32, #tpu.memory_space<vmem>>, vector<16xi32>,
      %and3A_118 = arith.constant 65535 : i32
      %and3A_119 = vector.broadcast %and3A_118 : i32 to vector<16xi32>
      %and3A_120 = arith.andi %get3A_117, %and3A_119 : vector<16xi32>
      %shift_right_logical3A_121 = arith.constant 7 : i32
      %shift_right_logical3A_122 = vector.broadcast %shift_right_logical3A_121 : i32 to vector<16xi32>
      %shift_right_logical3A_123 = arith.shrui %and3A_120, %shift_right_logical3A_122 : vector<16xi32>
      %and3A_124 = arith.constant 127 : i32
      %and3A_125 = vector.broadcast %and3A_124 : i32 to vector<16xi32>
      %and3A_126 = arith.andi %and3A_120, %and3A_125 : vector<16xi32>
      tpu.vector_store_idx %arg7[%shift_right_logical3A_123, %and3A_126], %broadcast_in_dim3A_14 {add = true} : memref<80x128xf32, #tpu.memory_space<vmem>>[vector<16xi32>, vector<16xi32>], vector<16xf32>,
      %shift_right_logical3A_127 = arith.constant 16 : i32
      %shift_right_logical3A_128 = vector.broadcast %shift_right_logical3A_127 : i32 to vector<16xi32>
      %shift_right_logical3A_129 = arith.shrui %get3A_117, %shift_right_logical3A_128 : vector<16xi32>
      %shift_right_logical3A_130 = arith.constant 7 : i32
      %shift_right_logical3A_131 = vector.broadcast %shift_right_logical3A_130 : i32 to vector<16xi32>
      %shift_right_logical3A_132 = arith.shrui %shift_right_logical3A_129, %shift_right_logical3A_131 : vector<16xi32>
      %and3A_133 = arith.constant 127 : i32
      %and3A_134 = vector.broadcast %and3A_133 : i32 to vector<16xi32>
      %and3A_135 = arith.andi %shift_right_logical3A_129, %and3A_134 : vector<16xi32>
      tpu.vector_store_idx %arg8[%shift_right_logical3A_132, %and3A_135], %broadcast_in_dim3A_14 {add = true} : memref<80x128xf32, #tpu.memory_space<vmem>>[vector<16xi32>, vector<16xi32>], vector<16xf32>,
      %get3A_136 = arith.index_cast %while3A_33 : i32 to index
      %get3A_137 = arith.constant 80 : index
      %get3A_138 = tpu.vector_load %arg6[%get3A_136, %get3A_137] {strides = array<i32>} : memref<80x128xi32, #tpu.memory_space<vmem>>, vector<16xi32>,
      %and3A_139 = arith.constant 65535 : i32
      %and3A_140 = vector.broadcast %and3A_139 : i32 to vector<16xi32>
      %and3A_141 = arith.andi %get3A_138, %and3A_140 : vector<16xi32>
      %shift_right_logical3A_142 = arith.constant 7 : i32
      %shift_right_logical3A_143 = vector.broadcast %shift_right_logical3A_142 : i32 to vector<16xi32>
      %shift_right_logical3A_144 = arith.shrui %and3A_141, %shift_right_logical3A_143 : vector<16xi32>
      %and3A_145 = arith.constant 127 : i32
      %and3A_146 = vector.broadcast %and3A_145 : i32 to vector<16xi32>
      %and3A_147 = arith.andi %and3A_141, %and3A_146 : vector<16xi32>
      tpu.vector_store_idx %arg7[%shift_right_logical3A_144, %and3A_147], %broadcast_in_dim3A_14 {add = true} : memref<80x128xf32, #tpu.memory_space<vmem>>[vector<16xi32>, vector<16xi32>], vector<16xf32>,
      %shift_right_logical3A_148 = arith.constant 16 : i32
      %shift_right_logical3A_149 = vector.broadcast %shift_right_logical3A_148 : i32 to vector<16xi32>
      %shift_right_logical3A_150 = arith.shrui %get3A_138, %shift_right_logical3A_149 : vector<16xi32>
      %shift_right_logical3A_151 = arith.constant 7 : i32
      %shift_right_logical3A_152 = vector.broadcast %shift_right_logical3A_151 : i32 to vector<16xi32>
      %shift_right_logical3A_153 = arith.shrui %shift_right_logical3A_150, %shift_right_logical3A_152 : vector<16xi32>
      %and3A_154 = arith.constant 127 : i32
      %and3A_155 = vector.broadcast %and3A_154 : i32 to vector<16xi32>
      %and3A_156 = arith.andi %shift_right_logical3A_150, %and3A_155 : vector<16xi32>
      tpu.vector_store_idx %arg8[%shift_right_logical3A_153, %and3A_156], %broadcast_in_dim3A_14 {add = true} : memref<80x128xf32, #tpu.memory_space<vmem>>[vector<16xi32>, vector<16xi32>], vector<16xf32>,
      %get3A_157 = arith.index_cast %while3A_33 : i32 to index
      %get3A_158 = arith.constant 96 : index
      %get3A_159 = tpu.vector_load %arg6[%get3A_157, %get3A_158] {strides = array<i32>} : memref<80x128xi32, #tpu.memory_space<vmem>>, vector<16xi32>,
      %and3A_160 = arith.constant 65535 : i32
      %and3A_161 = vector.broadcast %and3A_160 : i32 to vector<16xi32>
      %and3A_162 = arith.andi %get3A_159, %and3A_161 : vector<16xi32>
      %shift_right_logical3A_163 = arith.constant 7 : i32
      %shift_right_logical3A_164 = vector.broadcast %shift_right_logical3A_163 : i32 to vector<16xi32>
      %shift_right_logical3A_165 = arith.shrui %and3A_162, %shift_right_logical3A_164 : vector<16xi32>
      %and3A_166 = arith.constant 127 : i32
      %and3A_167 = vector.broadcast %and3A_166 : i32 to vector<16xi32>
      %and3A_168 = arith.andi %and3A_162, %and3A_167 : vector<16xi32>
      tpu.vector_store_idx %arg7[%shift_right_logical3A_165, %and3A_168], %broadcast_in_dim3A_14 {add = true} : memref<80x128xf32, #tpu.memory_space<vmem>>[vector<16xi32>, vector<16xi32>], vector<16xf32>,
      %shift_right_logical3A_169 = arith.constant 16 : i32
      %shift_right_logical3A_170 = vector.broadcast %shift_right_logical3A_169 : i32 to vector<16xi32>
      %shift_right_logical3A_171 = arith.shrui %get3A_159, %shift_right_logical3A_170 : vector<16xi32>
      %shift_right_logical3A_172 = arith.constant 7 : i32
      %shift_right_logical3A_173 = vector.broadcast %shift_right_logical3A_172 : i32 to vector<16xi32>
      %shift_right_logical3A_174 = arith.shrui %shift_right_logical3A_171, %shift_right_logical3A_173 : vector<16xi32>
      %and3A_175 = arith.constant 127 : i32
      %and3A_176 = vector.broadcast %and3A_175 : i32 to vector<16xi32>
      %and3A_177 = arith.andi %shift_right_logical3A_171, %and3A_176 : vector<16xi32>
      tpu.vector_store_idx %arg8[%shift_right_logical3A_174, %and3A_177], %broadcast_in_dim3A_14 {add = true} : memref<80x128xf32, #tpu.memory_space<vmem>>[vector<16xi32>, vector<16xi32>], vector<16xf32>,
      %get3A_178 = arith.index_cast %while3A_33 : i32 to index
      %get3A_179 = arith.constant 112 : index
      %get3A_180 = tpu.vector_load %arg6[%get3A_178, %get3A_179] {strides = array<i32>} : memref<80x128xi32, #tpu.memory_space<vmem>>, vector<16xi32>,
      %and3A_181 = arith.constant 65535 : i32
      %and3A_182 = vector.broadcast %and3A_181 : i32 to vector<16xi32>
      %and3A_183 = arith.andi %get3A_180, %and3A_182 : vector<16xi32>
      %shift_right_logical3A_184 = arith.constant 7 : i32
      %shift_right_logical3A_185 = vector.broadcast %shift_right_logical3A_184 : i32 to vector<16xi32>
      %shift_right_logical3A_186 = arith.shrui %and3A_183, %shift_right_logical3A_185 : vector<16xi32>
      %and3A_187 = arith.constant 127 : i32
      %and3A_188 = vector.broadcast %and3A_187 : i32 to vector<16xi32>
      %and3A_189 = arith.andi %and3A_183, %and3A_188 : vector<16xi32>
      tpu.vector_store_idx %arg7[%shift_right_logical3A_186, %and3A_189], %broadcast_in_dim3A_14 {add = true} : memref<80x128xf32, #tpu.memory_space<vmem>>[vector<16xi32>, vector<16xi32>], vector<16xf32>,
      %shift_right_logical3A_190 = arith.constant 16 : i32
      %shift_right_logical3A_191 = vector.broadcast %shift_right_logical3A_190 : i32 to vector<16xi32>
      %shift_right_logical3A_192 = arith.shrui %get3A_180, %shift_right_logical3A_191 : vector<16xi32>
      %shift_right_logical3A_193 = arith.constant 7 : i32
      %shift_right_logical3A_194 = vector.broadcast %shift_right_logical3A_193 : i32 to vector<16xi32>
      %shift_right_logical3A_195 = arith.shrui %shift_right_logical3A_192, %shift_right_logical3A_194 : vector<16xi32>
      %and3A_196 = arith.constant 127 : i32
      %and3A_197 = vector.broadcast %and3A_196 : i32 to vector<16xi32>
      %and3A_198 = arith.andi %shift_right_logical3A_192, %and3A_197 : vector<16xi32>
      tpu.vector_store_idx %arg8[%shift_right_logical3A_195, %and3A_198], %broadcast_in_dim3A_14 {add = true} : memref<80x128xf32, #tpu.memory_space<vmem>>[vector<16xi32>, vector<16xi32>], vector<16xf32>,
    }
    "tpu.region"() ({
      %run_scoped3A = tpu.sem_alloc : memref<!tpu.dma_semaphore, #tpu.memory_space<semaphore_mem>>
      %dma_start3A = arith.constant 0 : i32
      %dma_start3A_33 = arith.constant 0 : i32
      %dma_start3A_34 = tpu.memref_slice %arg10[%dma_start3A, %dma_start3A_33] : memref<80x128xf32, #tpu.memory_space<vmem_shared>> -> memref<80x128xf32, #tpu.memory_space<vmem_shared>>
      tpu.enqueue_indirect_dma source(%arg7 : memref<80x128xf32, #tpu.memory_space<vmem>>) target(%dma_start3A_34 : memref<80x128xf32, #tpu.memory_space<vmem_shared>>) offsets(%arg9 : memref<80xi32, #tpu.memory_space<vmem>>) semaphore(%run_scoped3A : memref<!tpu.dma_semaphore, #tpu.memory_space<semaphore_mem>>) {add = true}
      %dma_wait3A = arith.constant 0 : i32
      %dma_wait3A_35 = arith.constant 0 : i32
      %dma_wait3A_36 = tpu.memref_slice %arg10[%dma_wait3A, %dma_wait3A_35] : memref<80x128xf32, #tpu.memory_space<vmem_shared>> -> memref<80x128xf32, #tpu.memory_space<vmem_shared>>
      tpu.wait_indirect_dma semaphore(%run_scoped3A : memref<!tpu.dma_semaphore, #tpu.memory_space<semaphore_mem>>) src(%arg7 : memref<80x128xf32, #tpu.memory_space<vmem>>) dst(%dma_wait3A_36 : memref<80x128xf32, #tpu.memory_space<vmem_shared>>)
      tpu.yield
    }) : () -> ()
    "tpu.region"() ({
      %run_scoped3A = tpu.sem_alloc : memref<!tpu.dma_semaphore, #tpu.memory_space<semaphore_mem>>
      %dma_start3A = arith.constant 0 : i32
      %dma_start3A_33 = arith.constant 0 : i32
      %dma_start3A_34 = tpu.memref_slice %arg11[%dma_start3A, %dma_start3A_33] : memref<80x128xf32, #tpu.memory_space<vmem_shared>> -> memref<80x128xf32, #tpu.memory_space<vmem_shared>>
      tpu.enqueue_indirect_dma source(%arg8 : memref<80x128xf32, #tpu.memory_space<vmem>>) target(%dma_start3A_34 : memref<80x128xf32, #tpu.memory_space<vmem_shared>>) offsets(%arg9 : memref<80xi32, #tpu.memory_space<vmem>>) semaphore(%run_scoped3A : memref<!tpu.dma_semaphore, #tpu.memory_space<semaphore_mem>>) {add = true}
      %dma_wait3A = arith.constant 0 : i32
      %dma_wait3A_35 = arith.constant 0 : i32
      %dma_wait3A_36 = tpu.memref_slice %arg11[%dma_wait3A, %dma_wait3A_35] : memref<80x128xf32, #tpu.memory_space<vmem_shared>> -> memref<80x128xf32, #tpu.memory_space<vmem_shared>>
      tpu.wait_indirect_dma semaphore(%run_scoped3A : memref<!tpu.dma_semaphore, #tpu.memory_space<semaphore_mem>>) src(%arg8 : memref<80x128xf32, #tpu.memory_space<vmem>>) dst(%dma_wait3A_36 : memref<80x128xf32, #tpu.memory_space<vmem_shared>>)
      tpu.yield
    }) : () -> ()
    %barrier3A_27 = arith.constant 0 : index
    tpu.barrier barrier_id(%barrier3A_27)
    %lt3A_28 = arith.constant 10 : i32
    %lt3A_29 = arith.cmpi slt, %arg1, %lt3A_28 : i32
    %convert_element_type3A_30 = arith.extui %lt3A_29 : i1 to i32
    %cond3A_31 = arith.constant 0 : i32
    %cond3A_32 = arith.cmpi ne, %convert_element_type3A_30, %cond3A_31 : i32
    scf.if %cond3A_32 {
      %mul3A_33 = arith.constant 8 : i32
      %mul3A_34 = arith.muli %arg1, %mul3A_33 : i32
      %mul3A_35 = arith.constant 8 : i32
      %mul3A_36 = arith.muli %arg1, %mul3A_35 : i32
      %run_scoped3A = arith.constant 0 : i32
      "tpu.region"() ({
        %run_scoped3A_42 = tpu.sem_alloc : memref<!tpu.dma_semaphore, #tpu.memory_space<semaphore_mem>>
        %dma_start3A = arith.constant 0 : i32
        %dma_start3A_43 = tpu.memref_slice %arg5[%arg0, %run_scoped3A, %mul3A_36, %dma_start3A] : memref<2x2x80x128xf32, #tpu.memory_space<hbm>> -> memref<1x1x8x128xf32, #tpu.memory_space<hbm>>
        %dma_start3A_44 = tpu.memref_squeeze %dma_start3A_43 : memref<1x1x8x128xf32, #tpu.memory_space<hbm>> -> memref<8x128xf32, #tpu.memory_space<hbm>>
        %dma_start3A_45 = arith.constant 0 : i32
        %dma_start3A_46 = tpu.memref_slice %arg10[%mul3A_34, %dma_start3A_45] : memref<80x128xf32, #tpu.memory_space<vmem_shared>> -> memref<8x128xf32, #tpu.memory_space<vmem_shared>>
        tpu.enqueue_dma source(%dma_start3A_46 : memref<8x128xf32, #tpu.memory_space<vmem_shared>>) target(%dma_start3A_44 : memref<8x128xf32, #tpu.memory_space<hbm>>) target_semaphore(%run_scoped3A_42 : memref<!tpu.dma_semaphore, #tpu.memory_space<semaphore_mem>>)
        %dma_wait3A = arith.constant 0 : i32
        %dma_wait3A_47 = tpu.memref_slice %arg5[%arg0, %run_scoped3A, %mul3A_36, %dma_wait3A] : memref<2x2x80x128xf32, #tpu.memory_space<hbm>> -> memref<1x1x8x128xf32, #tpu.memory_space<hbm>>
        %dma_wait3A_48 = tpu.memref_squeeze %dma_wait3A_47 : memref<1x1x8x128xf32, #tpu.memory_space<hbm>> -> memref<8x128xf32, #tpu.memory_space<hbm>>
        %dma_wait3A_49 = arith.constant 0 : i32
        %dma_wait3A_50 = tpu.memref_slice %arg10[%mul3A_34, %dma_wait3A_49] : memref<80x128xf32, #tpu.memory_space<vmem_shared>> -> memref<8x128xf32, #tpu.memory_space<vmem_shared>>
        tpu.wait_dma2 semaphore(%run_scoped3A_42 : memref<!tpu.dma_semaphore, #tpu.memory_space<semaphore_mem>>) src(%dma_wait3A_50 : memref<8x128xf32, #tpu.memory_space<vmem_shared>>) dst(%dma_wait3A_48 : memref<8x128xf32, #tpu.memory_space<hbm>>)
        tpu.yield
      }) : () -> ()
      %mul3A_37 = arith.constant 8 : i32
      %mul3A_38 = arith.muli %arg1, %mul3A_37 : i32
      %mul3A_39 = arith.constant 8 : i32
      %mul3A_40 = arith.muli %arg1, %mul3A_39 : i32
      %run_scoped3A_41 = arith.constant 1 : i32
      "tpu.region"() ({
        %run_scoped3A_42 = tpu.sem_alloc : memref<!tpu.dma_semaphore, #tpu.memory_space<semaphore_mem>>
        %dma_start3A = arith.constant 0 : i32
        %dma_start3A_43 = tpu.memref_slice %arg5[%arg0, %run_scoped3A_41, %mul3A_40, %dma_start3A] : memref<2x2x80x128xf32, #tpu.memory_space<hbm>> -> memref<1x1x8x128xf32, #tpu.memory_space<hbm>>
        %dma_start3A_44 = tpu.memref_squeeze %dma_start3A_43 : memref<1x1x8x128xf32, #tpu.memory_space<hbm>> -> memref<8x128xf32, #tpu.memory_space<hbm>>
        %dma_start3A_45 = arith.constant 0 : i32
        %dma_start3A_46 = tpu.memref_slice %arg11[%mul3A_38, %dma_start3A_45] : memref<80x128xf32, #tpu.memory_space<vmem_shared>> -> memref<8x128xf32, #tpu.memory_space<vmem_shared>>
        tpu.enqueue_dma source(%dma_start3A_46 : memref<8x128xf32, #tpu.memory_space<vmem_shared>>) target(%dma_start3A_44 : memref<8x128xf32, #tpu.memory_space<hbm>>) target_semaphore(%run_scoped3A_42 : memref<!tpu.dma_semaphore, #tpu.memory_space<semaphore_mem>>)
        %dma_wait3A = arith.constant 0 : i32
        %dma_wait3A_47 = tpu.memref_slice %arg5[%arg0, %run_scoped3A_41, %mul3A_40, %dma_wait3A] : memref<2x2x80x128xf32, #tpu.memory_space<hbm>> -> memref<1x1x8x128xf32, #tpu.memory_space<hbm>>
        %dma_wait3A_48 = tpu.memref_squeeze %dma_wait3A_47 : memref<1x1x8x128xf32, #tpu.memory_space<hbm>> -> memref<8x128xf32, #tpu.memory_space<hbm>>
        %dma_wait3A_49 = arith.constant 0 : i32
        %dma_wait3A_50 = tpu.memref_slice %arg11[%mul3A_38, %dma_wait3A_49] : memref<80x128xf32, #tpu.memory_space<vmem_shared>> -> memref<8x128xf32, #tpu.memory_space<vmem_shared>>
        tpu.wait_dma2 semaphore(%run_scoped3A_42 : memref<!tpu.dma_semaphore, #tpu.memory_space<semaphore_mem>>) src(%dma_wait3A_50 : memref<8x128xf32, #tpu.memory_space<vmem_shared>>) dst(%dma_wait3A_48 : memref<8x128xf32, #tpu.memory_space<hbm>>)
        tpu.yield
      }) : () -> ()
    } else {
    }
    return
  }
}

#map = affine_map<(d0, d1) -> (0, 0)>
#map1 = affine_map<(d0, d1) -> (0, 0, 0)>
module attributes {stable_mosaic.version = 14 : i64} {
  func.func @_agg_body(%arg0: i32, %arg1: i32, %arg2: memref<2504x128xi32, #tpu.memory_space<hbm>>, %arg3: memref<10240x128xf32, #tpu.memory_space<hbm>>, %arg4: memref<624x128xf32, #tpu.memory_space<hbm>>, %arg5: memref<2x10000x128xf32, #tpu.memory_space<hbm>>, %arg6: memref<80x128xi32, #tpu.memory_space<vmem>>, %arg7: memref<128xi32, #tpu.memory_space<vmem>>, %arg8: memref<128xi32, #tpu.memory_space<vmem>>, %arg9: memref<128xi32, #tpu.memory_space<vmem>>, %arg10: memref<128xi32, #tpu.memory_space<vmem>>, %arg11: memref<128x128xf32, #tpu.memory_space<vmem>>, %arg12: memref<128x128xf32, #tpu.memory_space<vmem>>, %arg13: memref<10000x128xf32, #tpu.memory_space<vmem_shared>>, %arg14: memref<!tpu.dma_semaphore, #tpu.memory_space<semaphore_mem>>, %arg15: memref<!tpu.dma_semaphore, #tpu.memory_space<semaphore_mem>>) attributes {dimension_semantics = [#tpu.dimension_semantics<core_parallel>, #tpu.dimension_semantics<subcore_parallel>], iteration_bounds = array<i64: 2, 16>, scalar_prefetch = 0 : i64, scratch_operands = 10 : i64, tpu.core_type = #tpu.core_type<sc_vector_subcore>, window_params = [{transform_indices = #map}, {transform_indices = #map}, {transform_indices = #map}, {transform_indices = #map1}]} {
    %mul3A = arith.constant 2 : i32
    %mul3A_0 = arith.muli %arg1, %mul3A : i32
    %add3A = arith.addi %mul3A_0, %arg0 : i32
    %mul3A_1 = arith.constant 80 : i32
    %mul3A_2 = arith.muli %add3A, %mul3A_1 : i32
    %mul3A_3 = arith.constant 624 : i32
    %mul3A_4 = arith.muli %arg1, %mul3A_3 : i32
    "tpu.region"() ({
      %run_scoped3A = tpu.sem_alloc : memref<!tpu.dma_semaphore, #tpu.memory_space<semaphore_mem>>
      %dma_start3A = arith.constant 0 : i32
      %dma_start3A_50 = tpu.memref_slice %arg13[%mul3A_4, %dma_start3A] : memref<10000x128xf32, #tpu.memory_space<vmem_shared>> -> memref<624x128xf32, #tpu.memory_space<vmem_shared>>
      %dma_start3A_51 = arith.constant 0 : i32
      %dma_start3A_52 = arith.constant 0 : i32
      %dma_start3A_53 = tpu.memref_slice %arg4[%dma_start3A_51, %dma_start3A_52] : memref<624x128xf32, #tpu.memory_space<hbm>> -> memref<624x128xf32, #tpu.memory_space<hbm>>
      tpu.enqueue_dma source(%dma_start3A_53 : memref<624x128xf32, #tpu.memory_space<hbm>>) target(%dma_start3A_50 : memref<624x128xf32, #tpu.memory_space<vmem_shared>>) target_semaphore(%run_scoped3A : memref<!tpu.dma_semaphore, #tpu.memory_space<semaphore_mem>>)
      %dma_wait3A = arith.constant 0 : i32
      %dma_wait3A_54 = tpu.memref_slice %arg13[%mul3A_4, %dma_wait3A] : memref<10000x128xf32, #tpu.memory_space<vmem_shared>> -> memref<624x128xf32, #tpu.memory_space<vmem_shared>>
      %dma_wait3A_55 = arith.constant 0 : i32
      %dma_wait3A_56 = arith.constant 0 : i32
      %dma_wait3A_57 = tpu.memref_slice %arg4[%dma_wait3A_55, %dma_wait3A_56] : memref<624x128xf32, #tpu.memory_space<hbm>> -> memref<624x128xf32, #tpu.memory_space<hbm>>
      tpu.wait_dma2 semaphore(%run_scoped3A : memref<!tpu.dma_semaphore, #tpu.memory_space<semaphore_mem>>) src(%dma_wait3A_57 : memref<624x128xf32, #tpu.memory_space<hbm>>) dst(%dma_wait3A_54 : memref<624x128xf32, #tpu.memory_space<vmem_shared>>)
      tpu.yield
    }) : () -> ()
    %eq3A = arith.constant 15 : i32
    %eq3A_5 = arith.cmpi eq, %arg1, %eq3A : i32
    %convert_element_type3A = arith.extui %eq3A_5 : i1 to i32
    %cond3A = arith.constant 0 : i32
    %cond3A_6 = arith.cmpi ne, %convert_element_type3A, %cond3A : i32
    scf.if %cond3A_6 {
      "tpu.region"() ({
        %run_scoped3A = tpu.sem_alloc : memref<!tpu.dma_semaphore, #tpu.memory_space<semaphore_mem>>
        %dma_start3A = arith.constant 9984 : i32
        %dma_start3A_50 = arith.constant 0 : i32
        %dma_start3A_51 = tpu.memref_slice %arg13[%dma_start3A, %dma_start3A_50] : memref<10000x128xf32, #tpu.memory_space<vmem_shared>> -> memref<16x128xf32, #tpu.memory_space<vmem_shared>>
        %dma_start3A_52 = arith.constant 0 : i32
        %dma_start3A_53 = arith.constant 0 : i32
        %dma_start3A_54 = tpu.memref_slice %arg4[%dma_start3A_52, %dma_start3A_53] : memref<624x128xf32, #tpu.memory_space<hbm>> -> memref<16x128xf32, #tpu.memory_space<hbm>>
        tpu.enqueue_dma source(%dma_start3A_54 : memref<16x128xf32, #tpu.memory_space<hbm>>) target(%dma_start3A_51 : memref<16x128xf32, #tpu.memory_space<vmem_shared>>) target_semaphore(%run_scoped3A : memref<!tpu.dma_semaphore, #tpu.memory_space<semaphore_mem>>)
        %dma_wait3A = arith.constant 9984 : i32
        %dma_wait3A_55 = arith.constant 0 : i32
        %dma_wait3A_56 = tpu.memref_slice %arg13[%dma_wait3A, %dma_wait3A_55] : memref<10000x128xf32, #tpu.memory_space<vmem_shared>> -> memref<16x128xf32, #tpu.memory_space<vmem_shared>>
        %dma_wait3A_57 = arith.constant 0 : i32
        %dma_wait3A_58 = arith.constant 0 : i32
        %dma_wait3A_59 = tpu.memref_slice %arg4[%dma_wait3A_57, %dma_wait3A_58] : memref<624x128xf32, #tpu.memory_space<hbm>> -> memref<16x128xf32, #tpu.memory_space<hbm>>
        tpu.wait_dma2 semaphore(%run_scoped3A : memref<!tpu.dma_semaphore, #tpu.memory_space<semaphore_mem>>) src(%dma_wait3A_59 : memref<16x128xf32, #tpu.memory_space<hbm>>) dst(%dma_wait3A_56 : memref<16x128xf32, #tpu.memory_space<vmem_shared>>)
        tpu.yield
      }) : () -> ()
    } else {
    }
    %lt3A = arith.constant 31 : i32
    %lt3A_7 = arith.cmpi slt, %add3A, %lt3A : i32
    %convert_element_type3A_8 = arith.extui %lt3A_7 : i1 to i32
    %cond3A_9 = arith.constant 0 : i32
    %cond3A_10 = arith.cmpi ne, %convert_element_type3A_8, %cond3A_9 : i32
    scf.if %cond3A_10 {
      "tpu.region"() ({
        %run_scoped3A = tpu.sem_alloc : memref<!tpu.dma_semaphore, #tpu.memory_space<semaphore_mem>>
        %dma_start3A = arith.constant 0 : i32
        %dma_start3A_50 = arith.constant 0 : i32
        %dma_start3A_51 = tpu.memref_slice %arg6[%dma_start3A, %dma_start3A_50] : memref<80x128xi32, #tpu.memory_space<vmem>> -> memref<80x128xi32, #tpu.memory_space<vmem>>
        %dma_start3A_52 = arith.constant 0 : i32
        %dma_start3A_53 = tpu.memref_slice %arg2[%mul3A_2, %dma_start3A_52] : memref<2504x128xi32, #tpu.memory_space<hbm>> -> memref<80x128xi32, #tpu.memory_space<hbm>>
        %dma_start3A_54 = arith.constant 0 : i32
        %dma_start3A_55 = arith.constant 0 : i32
        %dma_start3A_56 = tpu.memref_slice %arg6[%dma_start3A_54, %dma_start3A_55] : memref<80x128xi32, #tpu.memory_space<vmem>> -> memref<80x128xi32, #tpu.memory_space<vmem>>
        %dma_start3A_57 = arith.constant 0 : i32
        %dma_start3A_58 = tpu.memref_slice %arg2[%mul3A_2, %dma_start3A_57] : memref<2504x128xi32, #tpu.memory_space<hbm>> -> memref<80x128xi32, #tpu.memory_space<hbm>>
        tpu.enqueue_dma source(%dma_start3A_58 : memref<80x128xi32, #tpu.memory_space<hbm>>) target(%dma_start3A_56 : memref<80x128xi32, #tpu.memory_space<vmem>>) target_semaphore(%run_scoped3A : memref<!tpu.dma_semaphore, #tpu.memory_space<semaphore_mem>>)
        %dma_wait3A = arith.constant 0 : i32
        %dma_wait3A_59 = arith.constant 0 : i32
        %dma_wait3A_60 = tpu.memref_slice %arg6[%dma_wait3A, %dma_wait3A_59] : memref<80x128xi32, #tpu.memory_space<vmem>> -> memref<80x128xi32, #tpu.memory_space<vmem>>
        %dma_wait3A_61 = arith.constant 0 : i32
        %dma_wait3A_62 = tpu.memref_slice %arg2[%mul3A_2, %dma_wait3A_61] : memref<2504x128xi32, #tpu.memory_space<hbm>> -> memref<80x128xi32, #tpu.memory_space<hbm>>
        %dma_wait3A_63 = arith.constant 0 : i32
        %dma_wait3A_64 = arith.constant 0 : i32
        %dma_wait3A_65 = tpu.memref_slice %arg6[%dma_wait3A_63, %dma_wait3A_64] : memref<80x128xi32, #tpu.memory_space<vmem>> -> memref<80x128xi32, #tpu.memory_space<vmem>>
        %dma_wait3A_66 = arith.constant 0 : i32
        %dma_wait3A_67 = tpu.memref_slice %arg2[%mul3A_2, %dma_wait3A_66] : memref<2504x128xi32, #tpu.memory_space<hbm>> -> memref<80x128xi32, #tpu.memory_space<hbm>>
        tpu.wait_dma2 semaphore(%run_scoped3A : memref<!tpu.dma_semaphore, #tpu.memory_space<semaphore_mem>>) src(%dma_wait3A_67 : memref<80x128xi32, #tpu.memory_space<hbm>>) dst(%dma_wait3A_65 : memref<80x128xi32, #tpu.memory_space<vmem>>)
        tpu.yield
      }) : () -> ()
    } else {
    }
    %eq3A_11 = arith.constant 31 : i32
    %eq3A_12 = arith.cmpi eq, %add3A, %eq3A_11 : i32
    %convert_element_type3A_13 = arith.extui %eq3A_12 : i1 to i32
    %cond3A_14 = arith.constant 0 : i32
    %cond3A_15 = arith.cmpi ne, %convert_element_type3A_13, %cond3A_14 : i32
    scf.if %cond3A_15 {
      "tpu.region"() ({
        %run_scoped3A = tpu.sem_alloc : memref<!tpu.dma_semaphore, #tpu.memory_space<semaphore_mem>>
        %dma_start3A = arith.constant 0 : i32
        %dma_start3A_50 = arith.constant 0 : i32
        %dma_start3A_51 = tpu.memref_slice %arg6[%dma_start3A, %dma_start3A_50] : memref<80x128xi32, #tpu.memory_space<vmem>> -> memref<24x128xi32, #tpu.memory_space<vmem>>
        %dma_start3A_52 = arith.constant 0 : i32
        %dma_start3A_53 = tpu.memref_slice %arg2[%mul3A_2, %dma_start3A_52] : memref<2504x128xi32, #tpu.memory_space<hbm>> -> memref<24x128xi32, #tpu.memory_space<hbm>>
        %dma_start3A_54 = arith.constant 0 : i32
        %dma_start3A_55 = arith.constant 0 : i32
        %dma_start3A_56 = tpu.memref_slice %arg6[%dma_start3A_54, %dma_start3A_55] : memref<80x128xi32, #tpu.memory_space<vmem>> -> memref<24x128xi32, #tpu.memory_space<vmem>>
        %dma_start3A_57 = arith.constant 0 : i32
        %dma_start3A_58 = tpu.memref_slice %arg2[%mul3A_2, %dma_start3A_57] : memref<2504x128xi32, #tpu.memory_space<hbm>> -> memref<24x128xi32, #tpu.memory_space<hbm>>
        tpu.enqueue_dma source(%dma_start3A_58 : memref<24x128xi32, #tpu.memory_space<hbm>>) target(%dma_start3A_56 : memref<24x128xi32, #tpu.memory_space<vmem>>) target_semaphore(%run_scoped3A : memref<!tpu.dma_semaphore, #tpu.memory_space<semaphore_mem>>)
        %dma_wait3A = arith.constant 0 : i32
        %dma_wait3A_59 = arith.constant 0 : i32
        %dma_wait3A_60 = tpu.memref_slice %arg6[%dma_wait3A, %dma_wait3A_59] : memref<80x128xi32, #tpu.memory_space<vmem>> -> memref<24x128xi32, #tpu.memory_space<vmem>>
        %dma_wait3A_61 = arith.constant 0 : i32
        %dma_wait3A_62 = tpu.memref_slice %arg2[%mul3A_2, %dma_wait3A_61] : memref<2504x128xi32, #tpu.memory_space<hbm>> -> memref<24x128xi32, #tpu.memory_space<hbm>>
        %dma_wait3A_63 = arith.constant 0 : i32
        %dma_wait3A_64 = arith.constant 0 : i32
        %dma_wait3A_65 = tpu.memref_slice %arg6[%dma_wait3A_63, %dma_wait3A_64] : memref<80x128xi32, #tpu.memory_space<vmem>> -> memref<24x128xi32, #tpu.memory_space<vmem>>
        %dma_wait3A_66 = arith.constant 0 : i32
        %dma_wait3A_67 = tpu.memref_slice %arg2[%mul3A_2, %dma_wait3A_66] : memref<2504x128xi32, #tpu.memory_space<hbm>> -> memref<24x128xi32, #tpu.memory_space<hbm>>
        tpu.wait_dma2 semaphore(%run_scoped3A : memref<!tpu.dma_semaphore, #tpu.memory_space<semaphore_mem>>) src(%dma_wait3A_67 : memref<24x128xi32, #tpu.memory_space<hbm>>) dst(%dma_wait3A_65 : memref<24x128xi32, #tpu.memory_space<vmem>>)
        tpu.yield
      }) : () -> ()
    } else {
    }
    %barrier3A = arith.constant 0 : index
    tpu.barrier barrier_id(%barrier3A)
    %sub3A = arith.constant 2504 : i32
    %sub3A_16 = arith.subi %sub3A, %mul3A_2 : i32
    %min3A = arith.constant 80 : i32
    %min3A_17 = arith.minsi %min3A, %sub3A_16 : i32
    %max3A = arith.constant 0 : i32
    %max3A_18 = arith.maxsi %max3A, %min3A_17 : i32
    %jit3A = arith.constant 2 : i32
    %div3A = arith.divsi %max3A_18, %jit3A : i32
    %sign3A = arith.constant 0 : i32
    %sign3A_19 = arith.cmpi sgt, %max3A_18, %sign3A : i32
    %sign3A_20 = arith.extui %sign3A_19 : i1 to i32
    %sign3A_21 = arith.constant 0 : i32
    %sign3A_22 = arith.cmpi slt, %max3A_18, %sign3A_21 : i32
    %sign3A_23 = arith.extui %sign3A_22 : i1 to i32
    %sign3A_24 = arith.subi %sign3A_20, %sign3A_23 : i32
    %sign3A_25 = arith.constant 0 : i32
    %sign3A_26 = arith.cmpi sgt, %jit3A, %sign3A_25 : i32
    %sign3A_27 = arith.extui %sign3A_26 : i1 to i32
    %sign3A_28 = arith.constant 0 : i32
    %sign3A_29 = arith.cmpi slt, %jit3A, %sign3A_28 : i32
    %sign3A_30 = arith.extui %sign3A_29 : i1 to i32
    %sign3A_31 = arith.subi %sign3A_27, %sign3A_30 : i32
    %ne3A = arith.cmpi ne, %sign3A_24, %sign3A_31 : i32
    %rem3A = arith.remsi %max3A_18, %jit3A : i32
    %ne3A_32 = arith.constant 0 : i32
    %ne3A_33 = arith.cmpi ne, %rem3A, %ne3A_32 : i32
    %and3A = arith.andi %ne3A, %ne3A_33 : i1
    %sub3A_34 = arith.constant 1 : i32
    %sub3A_35 = arith.subi %div3A, %sub3A_34 : i32
    %select_n3A = arith.select %and3A, %sub3A_35, %div3A : i32
    %gt3A = arith.constant 0 : i32
    %gt3A_36 = arith.cmpi sgt, %select_n3A, %gt3A : i32
    %convert_element_type3A_37 = arith.extui %gt3A_36 : i1 to i32
    %cond3A_38 = arith.constant 0 : i32
    %cond3A_39 = arith.cmpi ne, %convert_element_type3A_37, %cond3A_38 : i32
    scf.if %cond3A_39 {
      %get3A = arith.constant 0 : i32
      %get3A_50 = arith.index_cast %get3A : i32 to index
      %get3A_51 = arith.constant 0 : index
      %get3A_52 = tpu.vector_load %arg6[%get3A_50, %get3A_51] {strides = array<i32>} : memref<80x128xi32, #tpu.memory_space<vmem>>, vector<16xi32>,
      %and3A_53 = arith.constant 65535 : i32
      %and3A_54 = vector.broadcast %and3A_53 : i32 to vector<16xi32>
      %and3A_55 = arith.andi %get3A_52, %and3A_54 : vector<16xi32>
      %swap3A = arith.constant 0 : index
      %swap3A_56 = tpu.vector_load %arg7[%swap3A] {strides = array<i32>} : memref<128xi32, #tpu.memory_space<vmem>>, vector<16xi32>,
      tpu.vector_store %arg7[%swap3A], %and3A_55 {strides = array<i32>} : memref<128xi32, #tpu.memory_space<vmem>>, vector<16xi32>,
      %shift_right_logical3A = arith.constant 16 : i32
      %shift_right_logical3A_57 = vector.broadcast %shift_right_logical3A : i32 to vector<16xi32>
      %shift_right_logical3A_58 = arith.shrui %get3A_52, %shift_right_logical3A_57 : vector<16xi32>
      %min3A_59 = arith.constant 9999 : i32
      %min3A_60 = vector.broadcast %min3A_59 : i32 to vector<16xi32>
      %min3A_61 = arith.minsi %shift_right_logical3A_58, %min3A_60 : vector<16xi32>
      %swap3A_62 = arith.constant 0 : index
      %swap3A_63 = tpu.vector_load %arg8[%swap3A_62] {strides = array<i32>} : memref<128xi32, #tpu.memory_space<vmem>>, vector<16xi32>,
      tpu.vector_store %arg8[%swap3A_62], %min3A_61 {strides = array<i32>} : memref<128xi32, #tpu.memory_space<vmem>>, vector<16xi32>,
      %get3A_64 = arith.constant 0 : i32
      %get3A_65 = arith.index_cast %get3A_64 : i32 to index
      %get3A_66 = arith.constant 16 : index
      %get3A_67 = tpu.vector_load %arg6[%get3A_65, %get3A_66] {strides = array<i32>} : memref<80x128xi32, #tpu.memory_space<vmem>>, vector<16xi32>,
      %and3A_68 = arith.constant 65535 : i32
      %and3A_69 = vector.broadcast %and3A_68 : i32 to vector<16xi32>
      %and3A_70 = arith.andi %get3A_67, %and3A_69 : vector<16xi32>
      %swap3A_71 = arith.constant 16 : index
      %swap3A_72 = tpu.vector_load %arg7[%swap3A_71] {strides = array<i32>} : memref<128xi32, #tpu.memory_space<vmem>>, vector<16xi32>,
      tpu.vector_store %arg7[%swap3A_71], %and3A_70 {strides = array<i32>} : memref<128xi32, #tpu.memory_space<vmem>>, vector<16xi32>,
      %shift_right_logical3A_73 = arith.constant 16 : i32
      %shift_right_logical3A_74 = vector.broadcast %shift_right_logical3A_73 : i32 to vector<16xi32>
      %shift_right_logical3A_75 = arith.shrui %get3A_67, %shift_right_logical3A_74 : vector<16xi32>
      %min3A_76 = arith.constant 9999 : i32
      %min3A_77 = vector.broadcast %min3A_76 : i32 to vector<16xi32>
      %min3A_78 = arith.minsi %shift_right_logical3A_75, %min3A_77 : vector<16xi32>
      %swap3A_79 = arith.constant 16 : index
      %swap3A_80 = tpu.vector_load %arg8[%swap3A_79] {strides = array<i32>} : memref<128xi32, #tpu.memory_space<vmem>>, vector<16xi32>,
      tpu.vector_store %arg8[%swap3A_79], %min3A_78 {strides = array<i32>} : memref<128xi32, #tpu.memory_space<vmem>>, vector<16xi32>,
      %get3A_81 = arith.constant 0 : i32
      %get3A_82 = arith.index_cast %get3A_81 : i32 to index
      %get3A_83 = arith.constant 32 : index
      %get3A_84 = tpu.vector_load %arg6[%get3A_82, %get3A_83] {strides = array<i32>} : memref<80x128xi32, #tpu.memory_space<vmem>>, vector<16xi32>,
      %and3A_85 = arith.constant 65535 : i32
      %and3A_86 = vector.broadcast %and3A_85 : i32 to vector<16xi32>
      %and3A_87 = arith.andi %get3A_84, %and3A_86 : vector<16xi32>
      %swap3A_88 = arith.constant 32 : index
      %swap3A_89 = tpu.vector_load %arg7[%swap3A_88] {strides = array<i32>} : memref<128xi32, #tpu.memory_space<vmem>>, vector<16xi32>,
      tpu.vector_store %arg7[%swap3A_88], %and3A_87 {strides = array<i32>} : memref<128xi32, #tpu.memory_space<vmem>>, vector<16xi32>,
      %shift_right_logical3A_90 = arith.constant 16 : i32
      %shift_right_logical3A_91 = vector.broadcast %shift_right_logical3A_90 : i32 to vector<16xi32>
      %shift_right_logical3A_92 = arith.shrui %get3A_84, %shift_right_logical3A_91 : vector<16xi32>
      %min3A_93 = arith.constant 9999 : i32
      %min3A_94 = vector.broadcast %min3A_93 : i32 to vector<16xi32>
      %min3A_95 = arith.minsi %shift_right_logical3A_92, %min3A_94 : vector<16xi32>
      %swap3A_96 = arith.constant 32 : index
      %swap3A_97 = tpu.vector_load %arg8[%swap3A_96] {strides = array<i32>} : memref<128xi32, #tpu.memory_space<vmem>>, vector<16xi32>,
      tpu.vector_store %arg8[%swap3A_96], %min3A_95 {strides = array<i32>} : memref<128xi32, #tpu.memory_space<vmem>>, vector<16xi32>,
      %get3A_98 = arith.constant 0 : i32
      %get3A_99 = arith.index_cast %get3A_98 : i32 to index
      %get3A_100 = arith.constant 48 : index
      %get3A_101 = tpu.vector_load %arg6[%get3A_99, %get3A_100] {strides = array<i32>} : memref<80x128xi32, #tpu.memory_space<vmem>>, vector<16xi32>,
      %and3A_102 = arith.constant 65535 : i32
      %and3A_103 = vector.broadcast %and3A_102 : i32 to vector<16xi32>
      %and3A_104 = arith.andi %get3A_101, %and3A_103 : vector<16xi32>
      %swap3A_105 = arith.constant 48 : index
      %swap3A_106 = tpu.vector_load %arg7[%swap3A_105] {strides = array<i32>} : memref<128xi32, #tpu.memory_space<vmem>>, vector<16xi32>,
      tpu.vector_store %arg7[%swap3A_105], %and3A_104 {strides = array<i32>} : memref<128xi32, #tpu.memory_space<vmem>>, vector<16xi32>,
      %shift_right_logical3A_107 = arith.constant 16 : i32
      %shift_right_logical3A_108 = vector.broadcast %shift_right_logical3A_107 : i32 to vector<16xi32>
      %shift_right_logical3A_109 = arith.shrui %get3A_101, %shift_right_logical3A_108 : vector<16xi32>
      %min3A_110 = arith.constant 9999 : i32
      %min3A_111 = vector.broadcast %min3A_110 : i32 to vector<16xi32>
      %min3A_112 = arith.minsi %shift_right_logical3A_109, %min3A_111 : vector<16xi32>
      %swap3A_113 = arith.constant 48 : index
      %swap3A_114 = tpu.vector_load %arg8[%swap3A_113] {strides = array<i32>} : memref<128xi32, #tpu.memory_space<vmem>>, vector<16xi32>,
      tpu.vector_store %arg8[%swap3A_113], %min3A_112 {strides = array<i32>} : memref<128xi32, #tpu.memory_space<vmem>>, vector<16xi32>,
      %get3A_115 = arith.constant 0 : i32
      %get3A_116 = arith.index_cast %get3A_115 : i32 to index
      %get3A_117 = arith.constant 64 : index
      %get3A_118 = tpu.vector_load %arg6[%get3A_116, %get3A_117] {strides = array<i32>} : memref<80x128xi32, #tpu.memory_space<vmem>>, vector<16xi32>,
      %and3A_119 = arith.constant 65535 : i32
      %and3A_120 = vector.broadcast %and3A_119 : i32 to vector<16xi32>
      %and3A_121 = arith.andi %get3A_118, %and3A_120 : vector<16xi32>
      %swap3A_122 = arith.constant 64 : index
      %swap3A_123 = tpu.vector_load %arg7[%swap3A_122] {strides = array<i32>} : memref<128xi32, #tpu.memory_space<vmem>>, vector<16xi32>,
      tpu.vector_store %arg7[%swap3A_122], %and3A_121 {strides = array<i32>} : memref<128xi32, #tpu.memory_space<vmem>>, vector<16xi32>,
      %shift_right_logical3A_124 = arith.constant 16 : i32
      %shift_right_logical3A_125 = vector.broadcast %shift_right_logical3A_124 : i32 to vector<16xi32>
      %shift_right_logical3A_126 = arith.shrui %get3A_118, %shift_right_logical3A_125 : vector<16xi32>
      %min3A_127 = arith.constant 9999 : i32
      %min3A_128 = vector.broadcast %min3A_127 : i32 to vector<16xi32>
      %min3A_129 = arith.minsi %shift_right_logical3A_126, %min3A_128 : vector<16xi32>
      %swap3A_130 = arith.constant 64 : index
      %swap3A_131 = tpu.vector_load %arg8[%swap3A_130] {strides = array<i32>} : memref<128xi32, #tpu.memory_space<vmem>>, vector<16xi32>,
      tpu.vector_store %arg8[%swap3A_130], %min3A_129 {strides = array<i32>} : memref<128xi32, #tpu.memory_space<vmem>>, vector<16xi32>,
      %get3A_132 = arith.constant 0 : i32
      %get3A_133 = arith.index_cast %get3A_132 : i32 to index
      %get3A_134 = arith.constant 80 : index
      %get3A_135 = tpu.vector_load %arg6[%get3A_133, %get3A_134] {strides = array<i32>} : memref<80x128xi32, #tpu.memory_space<vmem>>, vector<16xi32>,
      %and3A_136 = arith.constant 65535 : i32
      %and3A_137 = vector.broadcast %and3A_136 : i32 to vector<16xi32>
      %and3A_138 = arith.andi %get3A_135, %and3A_137 : vector<16xi32>
      %swap3A_139 = arith.constant 80 : index
      %swap3A_140 = tpu.vector_load %arg7[%swap3A_139] {strides = array<i32>} : memref<128xi32, #tpu.memory_space<vmem>>, vector<16xi32>,
      tpu.vector_store %arg7[%swap3A_139], %and3A_138 {strides = array<i32>} : memref<128xi32, #tpu.memory_space<vmem>>, vector<16xi32>,
      %shift_right_logical3A_141 = arith.constant 16 : i32
      %shift_right_logical3A_142 = vector.broadcast %shift_right_logical3A_141 : i32 to vector<16xi32>
      %shift_right_logical3A_143 = arith.shrui %get3A_135, %shift_right_logical3A_142 : vector<16xi32>
      %min3A_144 = arith.constant 9999 : i32
      %min3A_145 = vector.broadcast %min3A_144 : i32 to vector<16xi32>
      %min3A_146 = arith.minsi %shift_right_logical3A_143, %min3A_145 : vector<16xi32>
      %swap3A_147 = arith.constant 80 : index
      %swap3A_148 = tpu.vector_load %arg8[%swap3A_147] {strides = array<i32>} : memref<128xi32, #tpu.memory_space<vmem>>, vector<16xi32>,
      tpu.vector_store %arg8[%swap3A_147], %min3A_146 {strides = array<i32>} : memref<128xi32, #tpu.memory_space<vmem>>, vector<16xi32>,
      %get3A_149 = arith.constant 0 : i32
      %get3A_150 = arith.index_cast %get3A_149 : i32 to index
      %get3A_151 = arith.constant 96 : index
      %get3A_152 = tpu.vector_load %arg6[%get3A_150, %get3A_151] {strides = array<i32>} : memref<80x128xi32, #tpu.memory_space<vmem>>, vector<16xi32>,
      %and3A_153 = arith.constant 65535 : i32
      %and3A_154 = vector.broadcast %and3A_153 : i32 to vector<16xi32>
      %and3A_155 = arith.andi %get3A_152, %and3A_154 : vector<16xi32>
      %swap3A_156 = arith.constant 96 : index
      %swap3A_157 = tpu.vector_load %arg7[%swap3A_156] {strides = array<i32>} : memref<128xi32, #tpu.memory_space<vmem>>, vector<16xi32>,
      tpu.vector_store %arg7[%swap3A_156], %and3A_155 {strides = array<i32>} : memref<128xi32, #tpu.memory_space<vmem>>, vector<16xi32>,
      %shift_right_logical3A_158 = arith.constant 16 : i32
      %shift_right_logical3A_159 = vector.broadcast %shift_right_logical3A_158 : i32 to vector<16xi32>
      %shift_right_logical3A_160 = arith.shrui %get3A_152, %shift_right_logical3A_159 : vector<16xi32>
      %min3A_161 = arith.constant 9999 : i32
      %min3A_162 = vector.broadcast %min3A_161 : i32 to vector<16xi32>
      %min3A_163 = arith.minsi %shift_right_logical3A_160, %min3A_162 : vector<16xi32>
      %swap3A_164 = arith.constant 96 : index
      %swap3A_165 = tpu.vector_load %arg8[%swap3A_164] {strides = array<i32>} : memref<128xi32, #tpu.memory_space<vmem>>, vector<16xi32>,
      tpu.vector_store %arg8[%swap3A_164], %min3A_163 {strides = array<i32>} : memref<128xi32, #tpu.memory_space<vmem>>, vector<16xi32>,
      %get3A_166 = arith.constant 0 : i32
      %get3A_167 = arith.index_cast %get3A_166 : i32 to index
      %get3A_168 = arith.constant 112 : index
      %get3A_169 = tpu.vector_load %arg6[%get3A_167, %get3A_168] {strides = array<i32>} : memref<80x128xi32, #tpu.memory_space<vmem>>, vector<16xi32>,
      %and3A_170 = arith.constant 65535 : i32
      %and3A_171 = vector.broadcast %and3A_170 : i32 to vector<16xi32>
      %and3A_172 = arith.andi %get3A_169, %and3A_171 : vector<16xi32>
      %swap3A_173 = arith.constant 112 : index
      %swap3A_174 = tpu.vector_load %arg7[%swap3A_173] {strides = array<i32>} : memref<128xi32, #tpu.memory_space<vmem>>, vector<16xi32>,
      tpu.vector_store %arg7[%swap3A_173], %and3A_172 {strides = array<i32>} : memref<128xi32, #tpu.memory_space<vmem>>, vector<16xi32>,
      %shift_right_logical3A_175 = arith.constant 16 : i32
      %shift_right_logical3A_176 = vector.broadcast %shift_right_logical3A_175 : i32 to vector<16xi32>
      %shift_right_logical3A_177 = arith.shrui %get3A_169, %shift_right_logical3A_176 : vector<16xi32>
      %min3A_178 = arith.constant 9999 : i32
      %min3A_179 = vector.broadcast %min3A_178 : i32 to vector<16xi32>
      %min3A_180 = arith.minsi %shift_right_logical3A_177, %min3A_179 : vector<16xi32>
      %swap3A_181 = arith.constant 112 : index
      %swap3A_182 = tpu.vector_load %arg8[%swap3A_181] {strides = array<i32>} : memref<128xi32, #tpu.memory_space<vmem>>, vector<16xi32>,
      tpu.vector_store %arg8[%swap3A_181], %min3A_180 {strides = array<i32>} : memref<128xi32, #tpu.memory_space<vmem>>, vector<16xi32>,
      %dma_start3A = arith.constant 0 : i32
      %dma_start3A_183 = arith.constant 0 : i32
      %dma_start3A_184 = tpu.memref_slice %arg3[%dma_start3A, %dma_start3A_183] : memref<10240x128xf32, #tpu.memory_space<hbm>> -> memref<10240x128xf32, #tpu.memory_space<hbm>>
      tpu.enqueue_indirect_dma source(%dma_start3A_184 : memref<10240x128xf32, #tpu.memory_space<hbm>>) target(%arg11 : memref<128x128xf32, #tpu.memory_space<vmem>>) offsets(%arg7 : memref<128xi32, #tpu.memory_space<vmem>>) semaphore(%arg14 : memref<!tpu.dma_semaphore, #tpu.memory_space<semaphore_mem>>)
      %while3A = arith.constant 0 : i32
      %while3A_185 = arith.constant 0 : i32
      %while3A_186 = arith.subi %select_n3A, %while3A_185 : i32
      %while3A_187 = arith.addi %while3A_185, %while3A_186 : i32
      %while3A_188 = arith.constant 1 : i32
      %while3A_189 = arith.divsi %while3A_186, %while3A_188 : i32
      %while3A_190 = arith.muli %while3A_189, %while3A_188 : i32
      %while3A_191 = arith.addi %while3A_185, %while3A_190 : i32
      %while3A_192 = arith.constant 1 : i32
      scf.for %while3A_194 = %while3A_185 to %while3A_191 step %while3A_192  : i32 {
        %mul3A_195 = arith.constant 2 : i32
        %mul3A_196 = arith.muli %mul3A_195, %while3A_194 : i32
        %add3A_197 = arith.constant 1 : i32
        %add3A_198 = arith.addi %mul3A_196, %add3A_197 : i32
        %get3A_199 = arith.index_cast %add3A_198 : i32 to index
        %get3A_200 = arith.constant 0 : index
        %get3A_201 = tpu.vector_load %arg6[%get3A_199, %get3A_200] {strides = array<i32>} : memref<80x128xi32, #tpu.memory_space<vmem>>, vector<16xi32>,
        %and3A_202 = arith.constant 65535 : i32
        %and3A_203 = vector.broadcast %and3A_202 : i32 to vector<16xi32>
        %and3A_204 = arith.andi %get3A_201, %and3A_203 : vector<16xi32>
        %swap3A_205 = arith.constant 0 : index
        %swap3A_206 = tpu.vector_load %arg9[%swap3A_205] {strides = array<i32>} : memref<128xi32, #tpu.memory_space<vmem>>, vector<16xi32>,
        tpu.vector_store %arg9[%swap3A_205], %and3A_204 {strides = array<i32>} : memref<128xi32, #tpu.memory_space<vmem>>, vector<16xi32>,
        %shift_right_logical3A_207 = arith.constant 16 : i32
        %shift_right_logical3A_208 = vector.broadcast %shift_right_logical3A_207 : i32 to vector<16xi32>
        %shift_right_logical3A_209 = arith.shrui %get3A_201, %shift_right_logical3A_208 : vector<16xi32>
        %min3A_210 = arith.constant 9999 : i32
        %min3A_211 = vector.broadcast %min3A_210 : i32 to vector<16xi32>
        %min3A_212 = arith.minsi %shift_right_logical3A_209, %min3A_211 : vector<16xi32>
        %swap3A_213 = arith.constant 0 : index
        %swap3A_214 = tpu.vector_load %arg10[%swap3A_213] {strides = array<i32>} : memref<128xi32, #tpu.memory_space<vmem>>, vector<16xi32>,
        tpu.vector_store %arg10[%swap3A_213], %min3A_212 {strides = array<i32>} : memref<128xi32, #tpu.memory_space<vmem>>, vector<16xi32>,
        %get3A_215 = arith.index_cast %add3A_198 : i32 to index
        %get3A_216 = arith.constant 16 : index
        %get3A_217 = tpu.vector_load %arg6[%get3A_215, %get3A_216] {strides = array<i32>} : memref<80x128xi32, #tpu.memory_space<vmem>>, vector<16xi32>,
        %and3A_218 = arith.constant 65535 : i32
        %and3A_219 = vector.broadcast %and3A_218 : i32 to vector<16xi32>
        %and3A_220 = arith.andi %get3A_217, %and3A_219 : vector<16xi32>
        %swap3A_221 = arith.constant 16 : index
        %swap3A_222 = tpu.vector_load %arg9[%swap3A_221] {strides = array<i32>} : memref<128xi32, #tpu.memory_space<vmem>>, vector<16xi32>,
        tpu.vector_store %arg9[%swap3A_221], %and3A_220 {strides = array<i32>} : memref<128xi32, #tpu.memory_space<vmem>>, vector<16xi32>,
        %shift_right_logical3A_223 = arith.constant 16 : i32
        %shift_right_logical3A_224 = vector.broadcast %shift_right_logical3A_223 : i32 to vector<16xi32>
        %shift_right_logical3A_225 = arith.shrui %get3A_217, %shift_right_logical3A_224 : vector<16xi32>
        %min3A_226 = arith.constant 9999 : i32
        %min3A_227 = vector.broadcast %min3A_226 : i32 to vector<16xi32>
        %min3A_228 = arith.minsi %shift_right_logical3A_225, %min3A_227 : vector<16xi32>
        %swap3A_229 = arith.constant 16 : index
        %swap3A_230 = tpu.vector_load %arg10[%swap3A_229] {strides = array<i32>} : memref<128xi32, #tpu.memory_space<vmem>>, vector<16xi32>,
        tpu.vector_store %arg10[%swap3A_229], %min3A_228 {strides = array<i32>} : memref<128xi32, #tpu.memory_space<vmem>>, vector<16xi32>,
        %get3A_231 = arith.index_cast %add3A_198 : i32 to index
        %get3A_232 = arith.constant 32 : index
        %get3A_233 = tpu.vector_load %arg6[%get3A_231, %get3A_232] {strides = array<i32>} : memref<80x128xi32, #tpu.memory_space<vmem>>, vector<16xi32>,
        %and3A_234 = arith.constant 65535 : i32
        %and3A_235 = vector.broadcast %and3A_234 : i32 to vector<16xi32>
        %and3A_236 = arith.andi %get3A_233, %and3A_235 : vector<16xi32>
        %swap3A_237 = arith.constant 32 : index
        %swap3A_238 = tpu.vector_load %arg9[%swap3A_237] {strides = array<i32>} : memref<128xi32, #tpu.memory_space<vmem>>, vector<16xi32>,
        tpu.vector_store %arg9[%swap3A_237], %and3A_236 {strides = array<i32>} : memref<128xi32, #tpu.memory_space<vmem>>, vector<16xi32>,
        %shift_right_logical3A_239 = arith.constant 16 : i32
        %shift_right_logical3A_240 = vector.broadcast %shift_right_logical3A_239 : i32 to vector<16xi32>
        %shift_right_logical3A_241 = arith.shrui %get3A_233, %shift_right_logical3A_240 : vector<16xi32>
        %min3A_242 = arith.constant 9999 : i32
        %min3A_243 = vector.broadcast %min3A_242 : i32 to vector<16xi32>
        %min3A_244 = arith.minsi %shift_right_logical3A_241, %min3A_243 : vector<16xi32>
        %swap3A_245 = arith.constant 32 : index
        %swap3A_246 = tpu.vector_load %arg10[%swap3A_245] {strides = array<i32>} : memref<128xi32, #tpu.memory_space<vmem>>, vector<16xi32>,
        tpu.vector_store %arg10[%swap3A_245], %min3A_244 {strides = array<i32>} : memref<128xi32, #tpu.memory_space<vmem>>, vector<16xi32>,
        %get3A_247 = arith.index_cast %add3A_198 : i32 to index
        %get3A_248 = arith.constant 48 : index
        %get3A_249 = tpu.vector_load %arg6[%get3A_247, %get3A_248] {strides = array<i32>} : memref<80x128xi32, #tpu.memory_space<vmem>>, vector<16xi32>,
        %and3A_250 = arith.constant 65535 : i32
        %and3A_251 = vector.broadcast %and3A_250 : i32 to vector<16xi32>
        %and3A_252 = arith.andi %get3A_249, %and3A_251 : vector<16xi32>
        %swap3A_253 = arith.constant 48 : index
        %swap3A_254 = tpu.vector_load %arg9[%swap3A_253] {strides = array<i32>} : memref<128xi32, #tpu.memory_space<vmem>>, vector<16xi32>,
        tpu.vector_store %arg9[%swap3A_253], %and3A_252 {strides = array<i32>} : memref<128xi32, #tpu.memory_space<vmem>>, vector<16xi32>,
        %shift_right_logical3A_255 = arith.constant 16 : i32
        %shift_right_logical3A_256 = vector.broadcast %shift_right_logical3A_255 : i32 to vector<16xi32>
        %shift_right_logical3A_257 = arith.shrui %get3A_249, %shift_right_logical3A_256 : vector<16xi32>
        %min3A_258 = arith.constant 9999 : i32
        %min3A_259 = vector.broadcast %min3A_258 : i32 to vector<16xi32>
        %min3A_260 = arith.minsi %shift_right_logical3A_257, %min3A_259 : vector<16xi32>
        %swap3A_261 = arith.constant 48 : index
        %swap3A_262 = tpu.vector_load %arg10[%swap3A_261] {strides = array<i32>} : memref<128xi32, #tpu.memory_space<vmem>>, vector<16xi32>,
        tpu.vector_store %arg10[%swap3A_261], %min3A_260 {strides = array<i32>} : memref<128xi32, #tpu.memory_space<vmem>>, vector<16xi32>,
        %get3A_263 = arith.index_cast %add3A_198 : i32 to index
        %get3A_264 = arith.constant 64 : index
        %get3A_265 = tpu.vector_load %arg6[%get3A_263, %get3A_264] {strides = array<i32>} : memref<80x128xi32, #tpu.memory_space<vmem>>, vector<16xi32>,
        %and3A_266 = arith.constant 65535 : i32
        %and3A_267 = vector.broadcast %and3A_266 : i32 to vector<16xi32>
        %and3A_268 = arith.andi %get3A_265, %and3A_267 : vector<16xi32>
        %swap3A_269 = arith.constant 64 : index
        %swap3A_270 = tpu.vector_load %arg9[%swap3A_269] {strides = array<i32>} : memref<128xi32, #tpu.memory_space<vmem>>, vector<16xi32>,
        tpu.vector_store %arg9[%swap3A_269], %and3A_268 {strides = array<i32>} : memref<128xi32, #tpu.memory_space<vmem>>, vector<16xi32>,
        %shift_right_logical3A_271 = arith.constant 16 : i32
        %shift_right_logical3A_272 = vector.broadcast %shift_right_logical3A_271 : i32 to vector<16xi32>
        %shift_right_logical3A_273 = arith.shrui %get3A_265, %shift_right_logical3A_272 : vector<16xi32>
        %min3A_274 = arith.constant 9999 : i32
        %min3A_275 = vector.broadcast %min3A_274 : i32 to vector<16xi32>
        %min3A_276 = arith.minsi %shift_right_logical3A_273, %min3A_275 : vector<16xi32>
        %swap3A_277 = arith.constant 64 : index
        %swap3A_278 = tpu.vector_load %arg10[%swap3A_277] {strides = array<i32>} : memref<128xi32, #tpu.memory_space<vmem>>, vector<16xi32>,
        tpu.vector_store %arg10[%swap3A_277], %min3A_276 {strides = array<i32>} : memref<128xi32, #tpu.memory_space<vmem>>, vector<16xi32>,
        %get3A_279 = arith.index_cast %add3A_198 : i32 to index
        %get3A_280 = arith.constant 80 : index
        %get3A_281 = tpu.vector_load %arg6[%get3A_279, %get3A_280] {strides = array<i32>} : memref<80x128xi32, #tpu.memory_space<vmem>>, vector<16xi32>,
        %and3A_282 = arith.constant 65535 : i32
        %and3A_283 = vector.broadcast %and3A_282 : i32 to vector<16xi32>
        %and3A_284 = arith.andi %get3A_281, %and3A_283 : vector<16xi32>
        %swap3A_285 = arith.constant 80 : index
        %swap3A_286 = tpu.vector_load %arg9[%swap3A_285] {strides = array<i32>} : memref<128xi32, #tpu.memory_space<vmem>>, vector<16xi32>,
        tpu.vector_store %arg9[%swap3A_285], %and3A_284 {strides = array<i32>} : memref<128xi32, #tpu.memory_space<vmem>>, vector<16xi32>,
        %shift_right_logical3A_287 = arith.constant 16 : i32
        %shift_right_logical3A_288 = vector.broadcast %shift_right_logical3A_287 : i32 to vector<16xi32>
        %shift_right_logical3A_289 = arith.shrui %get3A_281, %shift_right_logical3A_288 : vector<16xi32>
        %min3A_290 = arith.constant 9999 : i32
        %min3A_291 = vector.broadcast %min3A_290 : i32 to vector<16xi32>
        %min3A_292 = arith.minsi %shift_right_logical3A_289, %min3A_291 : vector<16xi32>
        %swap3A_293 = arith.constant 80 : index
        %swap3A_294 = tpu.vector_load %arg10[%swap3A_293] {strides = array<i32>} : memref<128xi32, #tpu.memory_space<vmem>>, vector<16xi32>,
        tpu.vector_store %arg10[%swap3A_293], %min3A_292 {strides = array<i32>} : memref<128xi32, #tpu.memory_space<vmem>>, vector<16xi32>,
        %get3A_295 = arith.index_cast %add3A_198 : i32 to index
        %get3A_296 = arith.constant 96 : index
        %get3A_297 = tpu.vector_load %arg6[%get3A_295, %get3A_296] {strides = array<i32>} : memref<80x128xi32, #tpu.memory_space<vmem>>, vector<16xi32>,
        %and3A_298 = arith.constant 65535 : i32
        %and3A_299 = vector.broadcast %and3A_298 : i32 to vector<16xi32>
        %and3A_300 = arith.andi %get3A_297, %and3A_299 : vector<16xi32>
        %swap3A_301 = arith.constant 96 : index
        %swap3A_302 = tpu.vector_load %arg9[%swap3A_301] {strides = array<i32>} : memref<128xi32, #tpu.memory_space<vmem>>, vector<16xi32>,
        tpu.vector_store %arg9[%swap3A_301], %and3A_300 {strides = array<i32>} : memref<128xi32, #tpu.memory_space<vmem>>, vector<16xi32>,
        %shift_right_logical3A_303 = arith.constant 16 : i32
        %shift_right_logical3A_304 = vector.broadcast %shift_right_logical3A_303 : i32 to vector<16xi32>
        %shift_right_logical3A_305 = arith.shrui %get3A_297, %shift_right_logical3A_304 : vector<16xi32>
        %min3A_306 = arith.constant 9999 : i32
        %min3A_307 = vector.broadcast %min3A_306 : i32 to vector<16xi32>
        %min3A_308 = arith.minsi %shift_right_logical3A_305, %min3A_307 : vector<16xi32>
        %swap3A_309 = arith.constant 96 : index
        %swap3A_310 = tpu.vector_load %arg10[%swap3A_309] {strides = array<i32>} : memref<128xi32, #tpu.memory_space<vmem>>, vector<16xi32>,
        tpu.vector_store %arg10[%swap3A_309], %min3A_308 {strides = array<i32>} : memref<128xi32, #tpu.memory_space<vmem>>, vector<16xi32>,
        %get3A_311 = arith.index_cast %add3A_198 : i32 to index
        %get3A_312 = arith.constant 112 : index
        %get3A_313 = tpu.vector_load %arg6[%get3A_311, %get3A_312] {strides = array<i32>} : memref<80x128xi32, #tpu.memory_space<vmem>>, vector<16xi32>,
        %and3A_314 = arith.constant 65535 : i32
        %and3A_315 = vector.broadcast %and3A_314 : i32 to vector<16xi32>
        %and3A_316 = arith.andi %get3A_313, %and3A_315 : vector<16xi32>
        %swap3A_317 = arith.constant 112 : index
        %swap3A_318 = tpu.vector_load %arg9[%swap3A_317] {strides = array<i32>} : memref<128xi32, #tpu.memory_space<vmem>>, vector<16xi32>,
        tpu.vector_store %arg9[%swap3A_317], %and3A_316 {strides = array<i32>} : memref<128xi32, #tpu.memory_space<vmem>>, vector<16xi32>,
        %shift_right_logical3A_319 = arith.constant 16 : i32
        %shift_right_logical3A_320 = vector.broadcast %shift_right_logical3A_319 : i32 to vector<16xi32>
        %shift_right_logical3A_321 = arith.shrui %get3A_313, %shift_right_logical3A_320 : vector<16xi32>
        %min3A_322 = arith.constant 9999 : i32
        %min3A_323 = vector.broadcast %min3A_322 : i32 to vector<16xi32>
        %min3A_324 = arith.minsi %shift_right_logical3A_321, %min3A_323 : vector<16xi32>
        %swap3A_325 = arith.constant 112 : index
        %swap3A_326 = tpu.vector_load %arg10[%swap3A_325] {strides = array<i32>} : memref<128xi32, #tpu.memory_space<vmem>>, vector<16xi32>,
        tpu.vector_store %arg10[%swap3A_325], %min3A_324 {strides = array<i32>} : memref<128xi32, #tpu.memory_space<vmem>>, vector<16xi32>,
        %dma_wait3A = arith.constant 0 : i32
        %dma_wait3A_327 = arith.constant 0 : i32
        %dma_wait3A_328 = tpu.memref_slice %arg3[%dma_wait3A, %dma_wait3A_327] : memref<10240x128xf32, #tpu.memory_space<hbm>> -> memref<10240x128xf32, #tpu.memory_space<hbm>>
        tpu.wait_indirect_dma semaphore(%arg14 : memref<!tpu.dma_semaphore, #tpu.memory_space<semaphore_mem>>) src(%dma_wait3A_328 : memref<10240x128xf32, #tpu.memory_space<hbm>>) dst(%arg11 : memref<128x128xf32, #tpu.memory_space<vmem>>)
        %dma_start3A_329 = arith.constant 0 : i32
        %dma_start3A_330 = arith.constant 0 : i32
        %dma_start3A_331 = tpu.memref_slice %arg13[%dma_start3A_329, %dma_start3A_330] : memref<10000x128xf32, #tpu.memory_space<vmem_shared>> -> memref<10000x128xf32, #tpu.memory_space<vmem_shared>>
        tpu.enqueue_indirect_dma source(%arg11 : memref<128x128xf32, #tpu.memory_space<vmem>>) target(%dma_start3A_331 : memref<10000x128xf32, #tpu.memory_space<vmem_shared>>) offsets(%arg8 : memref<128xi32, #tpu.memory_space<vmem>>) semaphore(%arg15 : memref<!tpu.dma_semaphore, #tpu.memory_space<semaphore_mem>>) {add = true}
        %dma_start3A_332 = arith.constant 0 : i32
        %dma_start3A_333 = arith.constant 0 : i32
        %dma_start3A_334 = tpu.memref_slice %arg3[%dma_start3A_332, %dma_start3A_333] : memref<10240x128xf32, #tpu.memory_space<hbm>> -> memref<10240x128xf32, #tpu.memory_space<hbm>>
        tpu.enqueue_indirect_dma source(%dma_start3A_334 : memref<10240x128xf32, #tpu.memory_space<hbm>>) target(%arg12 : memref<128x128xf32, #tpu.memory_space<vmem>>) offsets(%arg9 : memref<128xi32, #tpu.memory_space<vmem>>) semaphore(%arg14 : memref<!tpu.dma_semaphore, #tpu.memory_space<semaphore_mem>>)
        %dma_wait3A_335 = arith.constant 0 : i32
        %dma_wait3A_336 = arith.constant 0 : i32
        %dma_wait3A_337 = tpu.memref_slice %arg3[%dma_wait3A_335, %dma_wait3A_336] : memref<10240x128xf32, #tpu.memory_space<hbm>> -> memref<10240x128xf32, #tpu.memory_space<hbm>>
        tpu.wait_indirect_dma semaphore(%arg14 : memref<!tpu.dma_semaphore, #tpu.memory_space<semaphore_mem>>) src(%dma_wait3A_337 : memref<10240x128xf32, #tpu.memory_space<hbm>>) dst(%arg12 : memref<128x128xf32, #tpu.memory_space<vmem>>)
        %dma_wait3A_338 = arith.constant 0 : i32
        %dma_wait3A_339 = arith.constant 0 : i32
        %dma_wait3A_340 = tpu.memref_slice %arg13[%dma_wait3A_338, %dma_wait3A_339] : memref<10000x128xf32, #tpu.memory_space<vmem_shared>> -> memref<10000x128xf32, #tpu.memory_space<vmem_shared>>
        tpu.wait_indirect_dma semaphore(%arg15 : memref<!tpu.dma_semaphore, #tpu.memory_space<semaphore_mem>>) src(%arg11 : memref<128x128xf32, #tpu.memory_space<vmem>>) dst(%dma_wait3A_340 : memref<10000x128xf32, #tpu.memory_space<vmem_shared>>)
        %dma_start3A_341 = arith.constant 0 : i32
        %dma_start3A_342 = arith.constant 0 : i32
        %dma_start3A_343 = tpu.memref_slice %arg13[%dma_start3A_341, %dma_start3A_342] : memref<10000x128xf32, #tpu.memory_space<vmem_shared>> -> memref<10000x128xf32, #tpu.memory_space<vmem_shared>>
        tpu.enqueue_indirect_dma source(%arg12 : memref<128x128xf32, #tpu.memory_space<vmem>>) target(%dma_start3A_343 : memref<10000x128xf32, #tpu.memory_space<vmem_shared>>) offsets(%arg10 : memref<128xi32, #tpu.memory_space<vmem>>) semaphore(%arg15 : memref<!tpu.dma_semaphore, #tpu.memory_space<semaphore_mem>>) {add = true}
        %add3A_344 = arith.constant 1 : i32
        %add3A_345 = arith.addi %while3A_194, %add3A_344 : i32
        %lt3A_346 = arith.cmpi slt, %add3A_345, %select_n3A : i32
        %convert_element_type3A_347 = arith.extui %lt3A_346 : i1 to i32
        %cond3A_348 = arith.constant 0 : i32
        %cond3A_349 = arith.cmpi ne, %convert_element_type3A_347, %cond3A_348 : i32
        scf.if %cond3A_349 {
          %add3A_353 = arith.constant 2 : i32
          %add3A_354 = arith.addi %mul3A_196, %add3A_353 : i32
          %get3A_355 = arith.index_cast %add3A_354 : i32 to index
          %get3A_356 = arith.constant 0 : index
          %get3A_357 = tpu.vector_load %arg6[%get3A_355, %get3A_356] {strides = array<i32>} : memref<80x128xi32, #tpu.memory_space<vmem>>, vector<16xi32>,
          %and3A_358 = arith.constant 65535 : i32
          %and3A_359 = vector.broadcast %and3A_358 : i32 to vector<16xi32>
          %and3A_360 = arith.andi %get3A_357, %and3A_359 : vector<16xi32>
          %swap3A_361 = arith.constant 0 : index
          %swap3A_362 = tpu.vector_load %arg7[%swap3A_361] {strides = array<i32>} : memref<128xi32, #tpu.memory_space<vmem>>, vector<16xi32>,
          tpu.vector_store %arg7[%swap3A_361], %and3A_360 {strides = array<i32>} : memref<128xi32, #tpu.memory_space<vmem>>, vector<16xi32>,
          %shift_right_logical3A_363 = arith.constant 16 : i32
          %shift_right_logical3A_364 = vector.broadcast %shift_right_logical3A_363 : i32 to vector<16xi32>
          %shift_right_logical3A_365 = arith.shrui %get3A_357, %shift_right_logical3A_364 : vector<16xi32>
          %min3A_366 = arith.constant 9999 : i32
          %min3A_367 = vector.broadcast %min3A_366 : i32 to vector<16xi32>
          %min3A_368 = arith.minsi %shift_right_logical3A_365, %min3A_367 : vector<16xi32>
          %swap3A_369 = arith.constant 0 : index
          %swap3A_370 = tpu.vector_load %arg8[%swap3A_369] {strides = array<i32>} : memref<128xi32, #tpu.memory_space<vmem>>, vector<16xi32>,
          tpu.vector_store %arg8[%swap3A_369], %min3A_368 {strides = array<i32>} : memref<128xi32, #tpu.memory_space<vmem>>, vector<16xi32>,
          %get3A_371 = arith.index_cast %add3A_354 : i32 to index
          %get3A_372 = arith.constant 16 : index
          %get3A_373 = tpu.vector_load %arg6[%get3A_371, %get3A_372] {strides = array<i32>} : memref<80x128xi32, #tpu.memory_space<vmem>>, vector<16xi32>,
          %and3A_374 = arith.constant 65535 : i32
          %and3A_375 = vector.broadcast %and3A_374 : i32 to vector<16xi32>
          %and3A_376 = arith.andi %get3A_373, %and3A_375 : vector<16xi32>
          %swap3A_377 = arith.constant 16 : index
          %swap3A_378 = tpu.vector_load %arg7[%swap3A_377] {strides = array<i32>} : memref<128xi32, #tpu.memory_space<vmem>>, vector<16xi32>,
          tpu.vector_store %arg7[%swap3A_377], %and3A_376 {strides = array<i32>} : memref<128xi32, #tpu.memory_space<vmem>>, vector<16xi32>,
          %shift_right_logical3A_379 = arith.constant 16 : i32
          %shift_right_logical3A_380 = vector.broadcast %shift_right_logical3A_379 : i32 to vector<16xi32>
          %shift_right_logical3A_381 = arith.shrui %get3A_373, %shift_right_logical3A_380 : vector<16xi32>
          %min3A_382 = arith.constant 9999 : i32
          %min3A_383 = vector.broadcast %min3A_382 : i32 to vector<16xi32>
          %min3A_384 = arith.minsi %shift_right_logical3A_381, %min3A_383 : vector<16xi32>
          %swap3A_385 = arith.constant 16 : index
          %swap3A_386 = tpu.vector_load %arg8[%swap3A_385] {strides = array<i32>} : memref<128xi32, #tpu.memory_space<vmem>>, vector<16xi32>,
          tpu.vector_store %arg8[%swap3A_385], %min3A_384 {strides = array<i32>} : memref<128xi32, #tpu.memory_space<vmem>>, vector<16xi32>,
          %get3A_387 = arith.index_cast %add3A_354 : i32 to index
          %get3A_388 = arith.constant 32 : index
          %get3A_389 = tpu.vector_load %arg6[%get3A_387, %get3A_388] {strides = array<i32>} : memref<80x128xi32, #tpu.memory_space<vmem>>, vector<16xi32>,
          %and3A_390 = arith.constant 65535 : i32
          %and3A_391 = vector.broadcast %and3A_390 : i32 to vector<16xi32>
          %and3A_392 = arith.andi %get3A_389, %and3A_391 : vector<16xi32>
          %swap3A_393 = arith.constant 32 : index
          %swap3A_394 = tpu.vector_load %arg7[%swap3A_393] {strides = array<i32>} : memref<128xi32, #tpu.memory_space<vmem>>, vector<16xi32>,
          tpu.vector_store %arg7[%swap3A_393], %and3A_392 {strides = array<i32>} : memref<128xi32, #tpu.memory_space<vmem>>, vector<16xi32>,
          %shift_right_logical3A_395 = arith.constant 16 : i32
          %shift_right_logical3A_396 = vector.broadcast %shift_right_logical3A_395 : i32 to vector<16xi32>
          %shift_right_logical3A_397 = arith.shrui %get3A_389, %shift_right_logical3A_396 : vector<16xi32>
          %min3A_398 = arith.constant 9999 : i32
          %min3A_399 = vector.broadcast %min3A_398 : i32 to vector<16xi32>
          %min3A_400 = arith.minsi %shift_right_logical3A_397, %min3A_399 : vector<16xi32>
          %swap3A_401 = arith.constant 32 : index
          %swap3A_402 = tpu.vector_load %arg8[%swap3A_401] {strides = array<i32>} : memref<128xi32, #tpu.memory_space<vmem>>, vector<16xi32>,
          tpu.vector_store %arg8[%swap3A_401], %min3A_400 {strides = array<i32>} : memref<128xi32, #tpu.memory_space<vmem>>, vector<16xi32>,
          %get3A_403 = arith.index_cast %add3A_354 : i32 to index
          %get3A_404 = arith.constant 48 : index
          %get3A_405 = tpu.vector_load %arg6[%get3A_403, %get3A_404] {strides = array<i32>} : memref<80x128xi32, #tpu.memory_space<vmem>>, vector<16xi32>,
          %and3A_406 = arith.constant 65535 : i32
          %and3A_407 = vector.broadcast %and3A_406 : i32 to vector<16xi32>
          %and3A_408 = arith.andi %get3A_405, %and3A_407 : vector<16xi32>
          %swap3A_409 = arith.constant 48 : index
          %swap3A_410 = tpu.vector_load %arg7[%swap3A_409] {strides = array<i32>} : memref<128xi32, #tpu.memory_space<vmem>>, vector<16xi32>,
          tpu.vector_store %arg7[%swap3A_409], %and3A_408 {strides = array<i32>} : memref<128xi32, #tpu.memory_space<vmem>>, vector<16xi32>,
          %shift_right_logical3A_411 = arith.constant 16 : i32
          %shift_right_logical3A_412 = vector.broadcast %shift_right_logical3A_411 : i32 to vector<16xi32>
          %shift_right_logical3A_413 = arith.shrui %get3A_405, %shift_right_logical3A_412 : vector<16xi32>
          %min3A_414 = arith.constant 9999 : i32
          %min3A_415 = vector.broadcast %min3A_414 : i32 to vector<16xi32>
          %min3A_416 = arith.minsi %shift_right_logical3A_413, %min3A_415 : vector<16xi32>
          %swap3A_417 = arith.constant 48 : index
          %swap3A_418 = tpu.vector_load %arg8[%swap3A_417] {strides = array<i32>} : memref<128xi32, #tpu.memory_space<vmem>>, vector<16xi32>,
          tpu.vector_store %arg8[%swap3A_417], %min3A_416 {strides = array<i32>} : memref<128xi32, #tpu.memory_space<vmem>>, vector<16xi32>,
          %get3A_419 = arith.index_cast %add3A_354 : i32 to index
          %get3A_420 = arith.constant 64 : index
          %get3A_421 = tpu.vector_load %arg6[%get3A_419, %get3A_420] {strides = array<i32>} : memref<80x128xi32, #tpu.memory_space<vmem>>, vector<16xi32>,
          %and3A_422 = arith.constant 65535 : i32
          %and3A_423 = vector.broadcast %and3A_422 : i32 to vector<16xi32>
          %and3A_424 = arith.andi %get3A_421, %and3A_423 : vector<16xi32>
          %swap3A_425 = arith.constant 64 : index
          %swap3A_426 = tpu.vector_load %arg7[%swap3A_425] {strides = array<i32>} : memref<128xi32, #tpu.memory_space<vmem>>, vector<16xi32>,
          tpu.vector_store %arg7[%swap3A_425], %and3A_424 {strides = array<i32>} : memref<128xi32, #tpu.memory_space<vmem>>, vector<16xi32>,
          %shift_right_logical3A_427 = arith.constant 16 : i32
          %shift_right_logical3A_428 = vector.broadcast %shift_right_logical3A_427 : i32 to vector<16xi32>
          %shift_right_logical3A_429 = arith.shrui %get3A_421, %shift_right_logical3A_428 : vector<16xi32>
          %min3A_430 = arith.constant 9999 : i32
          %min3A_431 = vector.broadcast %min3A_430 : i32 to vector<16xi32>
          %min3A_432 = arith.minsi %shift_right_logical3A_429, %min3A_431 : vector<16xi32>
          %swap3A_433 = arith.constant 64 : index
          %swap3A_434 = tpu.vector_load %arg8[%swap3A_433] {strides = array<i32>} : memref<128xi32, #tpu.memory_space<vmem>>, vector<16xi32>,
          tpu.vector_store %arg8[%swap3A_433], %min3A_432 {strides = array<i32>} : memref<128xi32, #tpu.memory_space<vmem>>, vector<16xi32>,
          %get3A_435 = arith.index_cast %add3A_354 : i32 to index
          %get3A_436 = arith.constant 80 : index
          %get3A_437 = tpu.vector_load %arg6[%get3A_435, %get3A_436] {strides = array<i32>} : memref<80x128xi32, #tpu.memory_space<vmem>>, vector<16xi32>,
          %and3A_438 = arith.constant 65535 : i32
          %and3A_439 = vector.broadcast %and3A_438 : i32 to vector<16xi32>
          %and3A_440 = arith.andi %get3A_437, %and3A_439 : vector<16xi32>
          %swap3A_441 = arith.constant 80 : index
          %swap3A_442 = tpu.vector_load %arg7[%swap3A_441] {strides = array<i32>} : memref<128xi32, #tpu.memory_space<vmem>>, vector<16xi32>,
          tpu.vector_store %arg7[%swap3A_441], %and3A_440 {strides = array<i32>} : memref<128xi32, #tpu.memory_space<vmem>>, vector<16xi32>,
          %shift_right_logical3A_443 = arith.constant 16 : i32
          %shift_right_logical3A_444 = vector.broadcast %shift_right_logical3A_443 : i32 to vector<16xi32>
          %shift_right_logical3A_445 = arith.shrui %get3A_437, %shift_right_logical3A_444 : vector<16xi32>
          %min3A_446 = arith.constant 9999 : i32
          %min3A_447 = vector.broadcast %min3A_446 : i32 to vector<16xi32>
          %min3A_448 = arith.minsi %shift_right_logical3A_445, %min3A_447 : vector<16xi32>
          %swap3A_449 = arith.constant 80 : index
          %swap3A_450 = tpu.vector_load %arg8[%swap3A_449] {strides = array<i32>} : memref<128xi32, #tpu.memory_space<vmem>>, vector<16xi32>,
          tpu.vector_store %arg8[%swap3A_449], %min3A_448 {strides = array<i32>} : memref<128xi32, #tpu.memory_space<vmem>>, vector<16xi32>,
          %get3A_451 = arith.index_cast %add3A_354 : i32 to index
          %get3A_452 = arith.constant 96 : index
          %get3A_453 = tpu.vector_load %arg6[%get3A_451, %get3A_452] {strides = array<i32>} : memref<80x128xi32, #tpu.memory_space<vmem>>, vector<16xi32>,
          %and3A_454 = arith.constant 65535 : i32
          %and3A_455 = vector.broadcast %and3A_454 : i32 to vector<16xi32>
          %and3A_456 = arith.andi %get3A_453, %and3A_455 : vector<16xi32>
          %swap3A_457 = arith.constant 96 : index
          %swap3A_458 = tpu.vector_load %arg7[%swap3A_457] {strides = array<i32>} : memref<128xi32, #tpu.memory_space<vmem>>, vector<16xi32>,
          tpu.vector_store %arg7[%swap3A_457], %and3A_456 {strides = array<i32>} : memref<128xi32, #tpu.memory_space<vmem>>, vector<16xi32>,
          %shift_right_logical3A_459 = arith.constant 16 : i32
          %shift_right_logical3A_460 = vector.broadcast %shift_right_logical3A_459 : i32 to vector<16xi32>
          %shift_right_logical3A_461 = arith.shrui %get3A_453, %shift_right_logical3A_460 : vector<16xi32>
          %min3A_462 = arith.constant 9999 : i32
          %min3A_463 = vector.broadcast %min3A_462 : i32 to vector<16xi32>
          %min3A_464 = arith.minsi %shift_right_logical3A_461, %min3A_463 : vector<16xi32>
          %swap3A_465 = arith.constant 96 : index
          %swap3A_466 = tpu.vector_load %arg8[%swap3A_465] {strides = array<i32>} : memref<128xi32, #tpu.memory_space<vmem>>, vector<16xi32>,
          tpu.vector_store %arg8[%swap3A_465], %min3A_464 {strides = array<i32>} : memref<128xi32, #tpu.memory_space<vmem>>, vector<16xi32>,
          %get3A_467 = arith.index_cast %add3A_354 : i32 to index
          %get3A_468 = arith.constant 112 : index
          %get3A_469 = tpu.vector_load %arg6[%get3A_467, %get3A_468] {strides = array<i32>} : memref<80x128xi32, #tpu.memory_space<vmem>>, vector<16xi32>,
          %and3A_470 = arith.constant 65535 : i32
          %and3A_471 = vector.broadcast %and3A_470 : i32 to vector<16xi32>
          %and3A_472 = arith.andi %get3A_469, %and3A_471 : vector<16xi32>
          %swap3A_473 = arith.constant 112 : index
          %swap3A_474 = tpu.vector_load %arg7[%swap3A_473] {strides = array<i32>} : memref<128xi32, #tpu.memory_space<vmem>>, vector<16xi32>,
          tpu.vector_store %arg7[%swap3A_473], %and3A_472 {strides = array<i32>} : memref<128xi32, #tpu.memory_space<vmem>>, vector<16xi32>,
          %shift_right_logical3A_475 = arith.constant 16 : i32
          %shift_right_logical3A_476 = vector.broadcast %shift_right_logical3A_475 : i32 to vector<16xi32>
          %shift_right_logical3A_477 = arith.shrui %get3A_469, %shift_right_logical3A_476 : vector<16xi32>
          %min3A_478 = arith.constant 9999 : i32
          %min3A_479 = vector.broadcast %min3A_478 : i32 to vector<16xi32>
          %min3A_480 = arith.minsi %shift_right_logical3A_477, %min3A_479 : vector<16xi32>
          %swap3A_481 = arith.constant 112 : index
          %swap3A_482 = tpu.vector_load %arg8[%swap3A_481] {strides = array<i32>} : memref<128xi32, #tpu.memory_space<vmem>>, vector<16xi32>,
          tpu.vector_store %arg8[%swap3A_481], %min3A_480 {strides = array<i32>} : memref<128xi32, #tpu.memory_space<vmem>>, vector<16xi32>,
          %dma_start3A_483 = arith.constant 0 : i32
          %dma_start3A_484 = arith.constant 0 : i32
          %dma_start3A_485 = tpu.memref_slice %arg3[%dma_start3A_483, %dma_start3A_484] : memref<10240x128xf32, #tpu.memory_space<hbm>> -> memref<10240x128xf32, #tpu.memory_space<hbm>>
          tpu.enqueue_indirect_dma source(%dma_start3A_485 : memref<10240x128xf32, #tpu.memory_space<hbm>>) target(%arg11 : memref<128x128xf32, #tpu.memory_space<vmem>>) offsets(%arg7 : memref<128xi32, #tpu.memory_space<vmem>>) semaphore(%arg14 : memref<!tpu.dma_semaphore, #tpu.memory_space<semaphore_mem>>)
        } else {
        }
        %dma_wait3A_350 = arith.constant 0 : i32
        %dma_wait3A_351 = arith.constant 0 : i32
        %dma_wait3A_352 = tpu.memref_slice %arg13[%dma_wait3A_350, %dma_wait3A_351] : memref<10000x128xf32, #tpu.memory_space<vmem_shared>> -> memref<10000x128xf32, #tpu.memory_space<vmem_shared>>
        tpu.wait_indirect_dma semaphore(%arg15 : memref<!tpu.dma_semaphore, #tpu.memory_space<semaphore_mem>>) src(%arg12 : memref<128x128xf32, #tpu.memory_space<vmem>>) dst(%dma_wait3A_352 : memref<10000x128xf32, #tpu.memory_space<vmem_shared>>)
      }
      %while3A_193 = arith.constant 1 : i32
      scf.for %while3A_194 = %while3A_191 to %while3A_187 step %while3A_193  : i32 {
        %mul3A_195 = arith.constant 2 : i32
        %mul3A_196 = arith.muli %mul3A_195, %while3A_194 : i32
        %add3A_197 = arith.constant 1 : i32
        %add3A_198 = arith.addi %mul3A_196, %add3A_197 : i32
        %get3A_199 = arith.index_cast %add3A_198 : i32 to index
        %get3A_200 = arith.constant 0 : index
        %get3A_201 = tpu.vector_load %arg6[%get3A_199, %get3A_200] {strides = array<i32>} : memref<80x128xi32, #tpu.memory_space<vmem>>, vector<16xi32>,
        %and3A_202 = arith.constant 65535 : i32
        %and3A_203 = vector.broadcast %and3A_202 : i32 to vector<16xi32>
        %and3A_204 = arith.andi %get3A_201, %and3A_203 : vector<16xi32>
        %swap3A_205 = arith.constant 0 : index
        %swap3A_206 = tpu.vector_load %arg9[%swap3A_205] {strides = array<i32>} : memref<128xi32, #tpu.memory_space<vmem>>, vector<16xi32>,
        tpu.vector_store %arg9[%swap3A_205], %and3A_204 {strides = array<i32>} : memref<128xi32, #tpu.memory_space<vmem>>, vector<16xi32>,
        %shift_right_logical3A_207 = arith.constant 16 : i32
        %shift_right_logical3A_208 = vector.broadcast %shift_right_logical3A_207 : i32 to vector<16xi32>
        %shift_right_logical3A_209 = arith.shrui %get3A_201, %shift_right_logical3A_208 : vector<16xi32>
        %min3A_210 = arith.constant 9999 : i32
        %min3A_211 = vector.broadcast %min3A_210 : i32 to vector<16xi32>
        %min3A_212 = arith.minsi %shift_right_logical3A_209, %min3A_211 : vector<16xi32>
        %swap3A_213 = arith.constant 0 : index
        %swap3A_214 = tpu.vector_load %arg10[%swap3A_213] {strides = array<i32>} : memref<128xi32, #tpu.memory_space<vmem>>, vector<16xi32>,
        tpu.vector_store %arg10[%swap3A_213], %min3A_212 {strides = array<i32>} : memref<128xi32, #tpu.memory_space<vmem>>, vector<16xi32>,
        %get3A_215 = arith.index_cast %add3A_198 : i32 to index
        %get3A_216 = arith.constant 16 : index
        %get3A_217 = tpu.vector_load %arg6[%get3A_215, %get3A_216] {strides = array<i32>} : memref<80x128xi32, #tpu.memory_space<vmem>>, vector<16xi32>,
        %and3A_218 = arith.constant 65535 : i32
        %and3A_219 = vector.broadcast %and3A_218 : i32 to vector<16xi32>
        %and3A_220 = arith.andi %get3A_217, %and3A_219 : vector<16xi32>
        %swap3A_221 = arith.constant 16 : index
        %swap3A_222 = tpu.vector_load %arg9[%swap3A_221] {strides = array<i32>} : memref<128xi32, #tpu.memory_space<vmem>>, vector<16xi32>,
        tpu.vector_store %arg9[%swap3A_221], %and3A_220 {strides = array<i32>} : memref<128xi32, #tpu.memory_space<vmem>>, vector<16xi32>,
        %shift_right_logical3A_223 = arith.constant 16 : i32
        %shift_right_logical3A_224 = vector.broadcast %shift_right_logical3A_223 : i32 to vector<16xi32>
        %shift_right_logical3A_225 = arith.shrui %get3A_217, %shift_right_logical3A_224 : vector<16xi32>
        %min3A_226 = arith.constant 9999 : i32
        %min3A_227 = vector.broadcast %min3A_226 : i32 to vector<16xi32>
        %min3A_228 = arith.minsi %shift_right_logical3A_225, %min3A_227 : vector<16xi32>
        %swap3A_229 = arith.constant 16 : index
        %swap3A_230 = tpu.vector_load %arg10[%swap3A_229] {strides = array<i32>} : memref<128xi32, #tpu.memory_space<vmem>>, vector<16xi32>,
        tpu.vector_store %arg10[%swap3A_229], %min3A_228 {strides = array<i32>} : memref<128xi32, #tpu.memory_space<vmem>>, vector<16xi32>,
        %get3A_231 = arith.index_cast %add3A_198 : i32 to index
        %get3A_232 = arith.constant 32 : index
        %get3A_233 = tpu.vector_load %arg6[%get3A_231, %get3A_232] {strides = array<i32>} : memref<80x128xi32, #tpu.memory_space<vmem>>, vector<16xi32>,
        %and3A_234 = arith.constant 65535 : i32
        %and3A_235 = vector.broadcast %and3A_234 : i32 to vector<16xi32>
        %and3A_236 = arith.andi %get3A_233, %and3A_235 : vector<16xi32>
        %swap3A_237 = arith.constant 32 : index
        %swap3A_238 = tpu.vector_load %arg9[%swap3A_237] {strides = array<i32>} : memref<128xi32, #tpu.memory_space<vmem>>, vector<16xi32>,
        tpu.vector_store %arg9[%swap3A_237], %and3A_236 {strides = array<i32>} : memref<128xi32, #tpu.memory_space<vmem>>, vector<16xi32>,
        %shift_right_logical3A_239 = arith.constant 16 : i32
        %shift_right_logical3A_240 = vector.broadcast %shift_right_logical3A_239 : i32 to vector<16xi32>
        %shift_right_logical3A_241 = arith.shrui %get3A_233, %shift_right_logical3A_240 : vector<16xi32>
        %min3A_242 = arith.constant 9999 : i32
        %min3A_243 = vector.broadcast %min3A_242 : i32 to vector<16xi32>
        %min3A_244 = arith.minsi %shift_right_logical3A_241, %min3A_243 : vector<16xi32>
        %swap3A_245 = arith.constant 32 : index
        %swap3A_246 = tpu.vector_load %arg10[%swap3A_245] {strides = array<i32>} : memref<128xi32, #tpu.memory_space<vmem>>, vector<16xi32>,
        tpu.vector_store %arg10[%swap3A_245], %min3A_244 {strides = array<i32>} : memref<128xi32, #tpu.memory_space<vmem>>, vector<16xi32>,
        %get3A_247 = arith.index_cast %add3A_198 : i32 to index
        %get3A_248 = arith.constant 48 : index
        %get3A_249 = tpu.vector_load %arg6[%get3A_247, %get3A_248] {strides = array<i32>} : memref<80x128xi32, #tpu.memory_space<vmem>>, vector<16xi32>,
        %and3A_250 = arith.constant 65535 : i32
        %and3A_251 = vector.broadcast %and3A_250 : i32 to vector<16xi32>
        %and3A_252 = arith.andi %get3A_249, %and3A_251 : vector<16xi32>
        %swap3A_253 = arith.constant 48 : index
        %swap3A_254 = tpu.vector_load %arg9[%swap3A_253] {strides = array<i32>} : memref<128xi32, #tpu.memory_space<vmem>>, vector<16xi32>,
        tpu.vector_store %arg9[%swap3A_253], %and3A_252 {strides = array<i32>} : memref<128xi32, #tpu.memory_space<vmem>>, vector<16xi32>,
        %shift_right_logical3A_255 = arith.constant 16 : i32
        %shift_right_logical3A_256 = vector.broadcast %shift_right_logical3A_255 : i32 to vector<16xi32>
        %shift_right_logical3A_257 = arith.shrui %get3A_249, %shift_right_logical3A_256 : vector<16xi32>
        %min3A_258 = arith.constant 9999 : i32
        %min3A_259 = vector.broadcast %min3A_258 : i32 to vector<16xi32>
        %min3A_260 = arith.minsi %shift_right_logical3A_257, %min3A_259 : vector<16xi32>
        %swap3A_261 = arith.constant 48 : index
        %swap3A_262 = tpu.vector_load %arg10[%swap3A_261] {strides = array<i32>} : memref<128xi32, #tpu.memory_space<vmem>>, vector<16xi32>,
        tpu.vector_store %arg10[%swap3A_261], %min3A_260 {strides = array<i32>} : memref<128xi32, #tpu.memory_space<vmem>>, vector<16xi32>,
        %get3A_263 = arith.index_cast %add3A_198 : i32 to index
        %get3A_264 = arith.constant 64 : index
        %get3A_265 = tpu.vector_load %arg6[%get3A_263, %get3A_264] {strides = array<i32>} : memref<80x128xi32, #tpu.memory_space<vmem>>, vector<16xi32>,
        %and3A_266 = arith.constant 65535 : i32
        %and3A_267 = vector.broadcast %and3A_266 : i32 to vector<16xi32>
        %and3A_268 = arith.andi %get3A_265, %and3A_267 : vector<16xi32>
        %swap3A_269 = arith.constant 64 : index
        %swap3A_270 = tpu.vector_load %arg9[%swap3A_269] {strides = array<i32>} : memref<128xi32, #tpu.memory_space<vmem>>, vector<16xi32>,
        tpu.vector_store %arg9[%swap3A_269], %and3A_268 {strides = array<i32>} : memref<128xi32, #tpu.memory_space<vmem>>, vector<16xi32>,
        %shift_right_logical3A_271 = arith.constant 16 : i32
        %shift_right_logical3A_272 = vector.broadcast %shift_right_logical3A_271 : i32 to vector<16xi32>
        %shift_right_logical3A_273 = arith.shrui %get3A_265, %shift_right_logical3A_272 : vector<16xi32>
        %min3A_274 = arith.constant 9999 : i32
        %min3A_275 = vector.broadcast %min3A_274 : i32 to vector<16xi32>
        %min3A_276 = arith.minsi %shift_right_logical3A_273, %min3A_275 : vector<16xi32>
        %swap3A_277 = arith.constant 64 : index
        %swap3A_278 = tpu.vector_load %arg10[%swap3A_277] {strides = array<i32>} : memref<128xi32, #tpu.memory_space<vmem>>, vector<16xi32>,
        tpu.vector_store %arg10[%swap3A_277], %min3A_276 {strides = array<i32>} : memref<128xi32, #tpu.memory_space<vmem>>, vector<16xi32>,
        %get3A_279 = arith.index_cast %add3A_198 : i32 to index
        %get3A_280 = arith.constant 80 : index
        %get3A_281 = tpu.vector_load %arg6[%get3A_279, %get3A_280] {strides = array<i32>} : memref<80x128xi32, #tpu.memory_space<vmem>>, vector<16xi32>,
        %and3A_282 = arith.constant 65535 : i32
        %and3A_283 = vector.broadcast %and3A_282 : i32 to vector<16xi32>
        %and3A_284 = arith.andi %get3A_281, %and3A_283 : vector<16xi32>
        %swap3A_285 = arith.constant 80 : index
        %swap3A_286 = tpu.vector_load %arg9[%swap3A_285] {strides = array<i32>} : memref<128xi32, #tpu.memory_space<vmem>>, vector<16xi32>,
        tpu.vector_store %arg9[%swap3A_285], %and3A_284 {strides = array<i32>} : memref<128xi32, #tpu.memory_space<vmem>>, vector<16xi32>,
        %shift_right_logical3A_287 = arith.constant 16 : i32
        %shift_right_logical3A_288 = vector.broadcast %shift_right_logical3A_287 : i32 to vector<16xi32>
        %shift_right_logical3A_289 = arith.shrui %get3A_281, %shift_right_logical3A_288 : vector<16xi32>
        %min3A_290 = arith.constant 9999 : i32
        %min3A_291 = vector.broadcast %min3A_290 : i32 to vector<16xi32>
        %min3A_292 = arith.minsi %shift_right_logical3A_289, %min3A_291 : vector<16xi32>
        %swap3A_293 = arith.constant 80 : index
        %swap3A_294 = tpu.vector_load %arg10[%swap3A_293] {strides = array<i32>} : memref<128xi32, #tpu.memory_space<vmem>>, vector<16xi32>,
        tpu.vector_store %arg10[%swap3A_293], %min3A_292 {strides = array<i32>} : memref<128xi32, #tpu.memory_space<vmem>>, vector<16xi32>,
        %get3A_295 = arith.index_cast %add3A_198 : i32 to index
        %get3A_296 = arith.constant 96 : index
        %get3A_297 = tpu.vector_load %arg6[%get3A_295, %get3A_296] {strides = array<i32>} : memref<80x128xi32, #tpu.memory_space<vmem>>, vector<16xi32>,
        %and3A_298 = arith.constant 65535 : i32
        %and3A_299 = vector.broadcast %and3A_298 : i32 to vector<16xi32>
        %and3A_300 = arith.andi %get3A_297, %and3A_299 : vector<16xi32>
        %swap3A_301 = arith.constant 96 : index
        %swap3A_302 = tpu.vector_load %arg9[%swap3A_301] {strides = array<i32>} : memref<128xi32, #tpu.memory_space<vmem>>, vector<16xi32>,
        tpu.vector_store %arg9[%swap3A_301], %and3A_300 {strides = array<i32>} : memref<128xi32, #tpu.memory_space<vmem>>, vector<16xi32>,
        %shift_right_logical3A_303 = arith.constant 16 : i32
        %shift_right_logical3A_304 = vector.broadcast %shift_right_logical3A_303 : i32 to vector<16xi32>
        %shift_right_logical3A_305 = arith.shrui %get3A_297, %shift_right_logical3A_304 : vector<16xi32>
        %min3A_306 = arith.constant 9999 : i32
        %min3A_307 = vector.broadcast %min3A_306 : i32 to vector<16xi32>
        %min3A_308 = arith.minsi %shift_right_logical3A_305, %min3A_307 : vector<16xi32>
        %swap3A_309 = arith.constant 96 : index
        %swap3A_310 = tpu.vector_load %arg10[%swap3A_309] {strides = array<i32>} : memref<128xi32, #tpu.memory_space<vmem>>, vector<16xi32>,
        tpu.vector_store %arg10[%swap3A_309], %min3A_308 {strides = array<i32>} : memref<128xi32, #tpu.memory_space<vmem>>, vector<16xi32>,
        %get3A_311 = arith.index_cast %add3A_198 : i32 to index
        %get3A_312 = arith.constant 112 : index
        %get3A_313 = tpu.vector_load %arg6[%get3A_311, %get3A_312] {strides = array<i32>} : memref<80x128xi32, #tpu.memory_space<vmem>>, vector<16xi32>,
        %and3A_314 = arith.constant 65535 : i32
        %and3A_315 = vector.broadcast %and3A_314 : i32 to vector<16xi32>
        %and3A_316 = arith.andi %get3A_313, %and3A_315 : vector<16xi32>
        %swap3A_317 = arith.constant 112 : index
        %swap3A_318 = tpu.vector_load %arg9[%swap3A_317] {strides = array<i32>} : memref<128xi32, #tpu.memory_space<vmem>>, vector<16xi32>,
        tpu.vector_store %arg9[%swap3A_317], %and3A_316 {strides = array<i32>} : memref<128xi32, #tpu.memory_space<vmem>>, vector<16xi32>,
        %shift_right_logical3A_319 = arith.constant 16 : i32
        %shift_right_logical3A_320 = vector.broadcast %shift_right_logical3A_319 : i32 to vector<16xi32>
        %shift_right_logical3A_321 = arith.shrui %get3A_313, %shift_right_logical3A_320 : vector<16xi32>
        %min3A_322 = arith.constant 9999 : i32
        %min3A_323 = vector.broadcast %min3A_322 : i32 to vector<16xi32>
        %min3A_324 = arith.minsi %shift_right_logical3A_321, %min3A_323 : vector<16xi32>
        %swap3A_325 = arith.constant 112 : index
        %swap3A_326 = tpu.vector_load %arg10[%swap3A_325] {strides = array<i32>} : memref<128xi32, #tpu.memory_space<vmem>>, vector<16xi32>,
        tpu.vector_store %arg10[%swap3A_325], %min3A_324 {strides = array<i32>} : memref<128xi32, #tpu.memory_space<vmem>>, vector<16xi32>,
        %dma_wait3A = arith.constant 0 : i32
        %dma_wait3A_327 = arith.constant 0 : i32
        %dma_wait3A_328 = tpu.memref_slice %arg3[%dma_wait3A, %dma_wait3A_327] : memref<10240x128xf32, #tpu.memory_space<hbm>> -> memref<10240x128xf32, #tpu.memory_space<hbm>>
        tpu.wait_indirect_dma semaphore(%arg14 : memref<!tpu.dma_semaphore, #tpu.memory_space<semaphore_mem>>) src(%dma_wait3A_328 : memref<10240x128xf32, #tpu.memory_space<hbm>>) dst(%arg11 : memref<128x128xf32, #tpu.memory_space<vmem>>)
        %dma_start3A_329 = arith.constant 0 : i32
        %dma_start3A_330 = arith.constant 0 : i32
        %dma_start3A_331 = tpu.memref_slice %arg13[%dma_start3A_329, %dma_start3A_330] : memref<10000x128xf32, #tpu.memory_space<vmem_shared>> -> memref<10000x128xf32, #tpu.memory_space<vmem_shared>>
        tpu.enqueue_indirect_dma source(%arg11 : memref<128x128xf32, #tpu.memory_space<vmem>>) target(%dma_start3A_331 : memref<10000x128xf32, #tpu.memory_space<vmem_shared>>) offsets(%arg8 : memref<128xi32, #tpu.memory_space<vmem>>) semaphore(%arg15 : memref<!tpu.dma_semaphore, #tpu.memory_space<semaphore_mem>>) {add = true}
        %dma_start3A_332 = arith.constant 0 : i32
        %dma_start3A_333 = arith.constant 0 : i32
        %dma_start3A_334 = tpu.memref_slice %arg3[%dma_start3A_332, %dma_start3A_333] : memref<10240x128xf32, #tpu.memory_space<hbm>> -> memref<10240x128xf32, #tpu.memory_space<hbm>>
        tpu.enqueue_indirect_dma source(%dma_start3A_334 : memref<10240x128xf32, #tpu.memory_space<hbm>>) target(%arg12 : memref<128x128xf32, #tpu.memory_space<vmem>>) offsets(%arg9 : memref<128xi32, #tpu.memory_space<vmem>>) semaphore(%arg14 : memref<!tpu.dma_semaphore, #tpu.memory_space<semaphore_mem>>)
        %dma_wait3A_335 = arith.constant 0 : i32
        %dma_wait3A_336 = arith.constant 0 : i32
        %dma_wait3A_337 = tpu.memref_slice %arg3[%dma_wait3A_335, %dma_wait3A_336] : memref<10240x128xf32, #tpu.memory_space<hbm>> -> memref<10240x128xf32, #tpu.memory_space<hbm>>
        tpu.wait_indirect_dma semaphore(%arg14 : memref<!tpu.dma_semaphore, #tpu.memory_space<semaphore_mem>>) src(%dma_wait3A_337 : memref<10240x128xf32, #tpu.memory_space<hbm>>) dst(%arg12 : memref<128x128xf32, #tpu.memory_space<vmem>>)
        %dma_wait3A_338 = arith.constant 0 : i32
        %dma_wait3A_339 = arith.constant 0 : i32
        %dma_wait3A_340 = tpu.memref_slice %arg13[%dma_wait3A_338, %dma_wait3A_339] : memref<10000x128xf32, #tpu.memory_space<vmem_shared>> -> memref<10000x128xf32, #tpu.memory_space<vmem_shared>>
        tpu.wait_indirect_dma semaphore(%arg15 : memref<!tpu.dma_semaphore, #tpu.memory_space<semaphore_mem>>) src(%arg11 : memref<128x128xf32, #tpu.memory_space<vmem>>) dst(%dma_wait3A_340 : memref<10000x128xf32, #tpu.memory_space<vmem_shared>>)
        %dma_start3A_341 = arith.constant 0 : i32
        %dma_start3A_342 = arith.constant 0 : i32
        %dma_start3A_343 = tpu.memref_slice %arg13[%dma_start3A_341, %dma_start3A_342] : memref<10000x128xf32, #tpu.memory_space<vmem_shared>> -> memref<10000x128xf32, #tpu.memory_space<vmem_shared>>
        tpu.enqueue_indirect_dma source(%arg12 : memref<128x128xf32, #tpu.memory_space<vmem>>) target(%dma_start3A_343 : memref<10000x128xf32, #tpu.memory_space<vmem_shared>>) offsets(%arg10 : memref<128xi32, #tpu.memory_space<vmem>>) semaphore(%arg15 : memref<!tpu.dma_semaphore, #tpu.memory_space<semaphore_mem>>) {add = true}
        %add3A_344 = arith.constant 1 : i32
        %add3A_345 = arith.addi %while3A_194, %add3A_344 : i32
        %lt3A_346 = arith.cmpi slt, %add3A_345, %select_n3A : i32
        %convert_element_type3A_347 = arith.extui %lt3A_346 : i1 to i32
        %cond3A_348 = arith.constant 0 : i32
        %cond3A_349 = arith.cmpi ne, %convert_element_type3A_347, %cond3A_348 : i32
        scf.if %cond3A_349 {
          %add3A_353 = arith.constant 2 : i32
          %add3A_354 = arith.addi %mul3A_196, %add3A_353 : i32
          %get3A_355 = arith.index_cast %add3A_354 : i32 to index
          %get3A_356 = arith.constant 0 : index
          %get3A_357 = tpu.vector_load %arg6[%get3A_355, %get3A_356] {strides = array<i32>} : memref<80x128xi32, #tpu.memory_space<vmem>>, vector<16xi32>,
          %and3A_358 = arith.constant 65535 : i32
          %and3A_359 = vector.broadcast %and3A_358 : i32 to vector<16xi32>
          %and3A_360 = arith.andi %get3A_357, %and3A_359 : vector<16xi32>
          %swap3A_361 = arith.constant 0 : index
          %swap3A_362 = tpu.vector_load %arg7[%swap3A_361] {strides = array<i32>} : memref<128xi32, #tpu.memory_space<vmem>>, vector<16xi32>,
          tpu.vector_store %arg7[%swap3A_361], %and3A_360 {strides = array<i32>} : memref<128xi32, #tpu.memory_space<vmem>>, vector<16xi32>,
          %shift_right_logical3A_363 = arith.constant 16 : i32
          %shift_right_logical3A_364 = vector.broadcast %shift_right_logical3A_363 : i32 to vector<16xi32>
          %shift_right_logical3A_365 = arith.shrui %get3A_357, %shift_right_logical3A_364 : vector<16xi32>
          %min3A_366 = arith.constant 9999 : i32
          %min3A_367 = vector.broadcast %min3A_366 : i32 to vector<16xi32>
          %min3A_368 = arith.minsi %shift_right_logical3A_365, %min3A_367 : vector<16xi32>
          %swap3A_369 = arith.constant 0 : index
          %swap3A_370 = tpu.vector_load %arg8[%swap3A_369] {strides = array<i32>} : memref<128xi32, #tpu.memory_space<vmem>>, vector<16xi32>,
          tpu.vector_store %arg8[%swap3A_369], %min3A_368 {strides = array<i32>} : memref<128xi32, #tpu.memory_space<vmem>>, vector<16xi32>,
          %get3A_371 = arith.index_cast %add3A_354 : i32 to index
          %get3A_372 = arith.constant 16 : index
          %get3A_373 = tpu.vector_load %arg6[%get3A_371, %get3A_372] {strides = array<i32>} : memref<80x128xi32, #tpu.memory_space<vmem>>, vector<16xi32>,
          %and3A_374 = arith.constant 65535 : i32
          %and3A_375 = vector.broadcast %and3A_374 : i32 to vector<16xi32>
          %and3A_376 = arith.andi %get3A_373, %and3A_375 : vector<16xi32>
          %swap3A_377 = arith.constant 16 : index
          %swap3A_378 = tpu.vector_load %arg7[%swap3A_377] {strides = array<i32>} : memref<128xi32, #tpu.memory_space<vmem>>, vector<16xi32>,
          tpu.vector_store %arg7[%swap3A_377], %and3A_376 {strides = array<i32>} : memref<128xi32, #tpu.memory_space<vmem>>, vector<16xi32>,
          %shift_right_logical3A_379 = arith.constant 16 : i32
          %shift_right_logical3A_380 = vector.broadcast %shift_right_logical3A_379 : i32 to vector<16xi32>
          %shift_right_logical3A_381 = arith.shrui %get3A_373, %shift_right_logical3A_380 : vector<16xi32>
          %min3A_382 = arith.constant 9999 : i32
          %min3A_383 = vector.broadcast %min3A_382 : i32 to vector<16xi32>
          %min3A_384 = arith.minsi %shift_right_logical3A_381, %min3A_383 : vector<16xi32>
          %swap3A_385 = arith.constant 16 : index
          %swap3A_386 = tpu.vector_load %arg8[%swap3A_385] {strides = array<i32>} : memref<128xi32, #tpu.memory_space<vmem>>, vector<16xi32>,
          tpu.vector_store %arg8[%swap3A_385], %min3A_384 {strides = array<i32>} : memref<128xi32, #tpu.memory_space<vmem>>, vector<16xi32>,
          %get3A_387 = arith.index_cast %add3A_354 : i32 to index
          %get3A_388 = arith.constant 32 : index
          %get3A_389 = tpu.vector_load %arg6[%get3A_387, %get3A_388] {strides = array<i32>} : memref<80x128xi32, #tpu.memory_space<vmem>>, vector<16xi32>,
          %and3A_390 = arith.constant 65535 : i32
          %and3A_391 = vector.broadcast %and3A_390 : i32 to vector<16xi32>
          %and3A_392 = arith.andi %get3A_389, %and3A_391 : vector<16xi32>
          %swap3A_393 = arith.constant 32 : index
          %swap3A_394 = tpu.vector_load %arg7[%swap3A_393] {strides = array<i32>} : memref<128xi32, #tpu.memory_space<vmem>>, vector<16xi32>,
          tpu.vector_store %arg7[%swap3A_393], %and3A_392 {strides = array<i32>} : memref<128xi32, #tpu.memory_space<vmem>>, vector<16xi32>,
          %shift_right_logical3A_395 = arith.constant 16 : i32
          %shift_right_logical3A_396 = vector.broadcast %shift_right_logical3A_395 : i32 to vector<16xi32>
          %shift_right_logical3A_397 = arith.shrui %get3A_389, %shift_right_logical3A_396 : vector<16xi32>
          %min3A_398 = arith.constant 9999 : i32
          %min3A_399 = vector.broadcast %min3A_398 : i32 to vector<16xi32>
          %min3A_400 = arith.minsi %shift_right_logical3A_397, %min3A_399 : vector<16xi32>
          %swap3A_401 = arith.constant 32 : index
          %swap3A_402 = tpu.vector_load %arg8[%swap3A_401] {strides = array<i32>} : memref<128xi32, #tpu.memory_space<vmem>>, vector<16xi32>,
          tpu.vector_store %arg8[%swap3A_401], %min3A_400 {strides = array<i32>} : memref<128xi32, #tpu.memory_space<vmem>>, vector<16xi32>,
          %get3A_403 = arith.index_cast %add3A_354 : i32 to index
          %get3A_404 = arith.constant 48 : index
          %get3A_405 = tpu.vector_load %arg6[%get3A_403, %get3A_404] {strides = array<i32>} : memref<80x128xi32, #tpu.memory_space<vmem>>, vector<16xi32>,
          %and3A_406 = arith.constant 65535 : i32
          %and3A_407 = vector.broadcast %and3A_406 : i32 to vector<16xi32>
          %and3A_408 = arith.andi %get3A_405, %and3A_407 : vector<16xi32>
          %swap3A_409 = arith.constant 48 : index
          %swap3A_410 = tpu.vector_load %arg7[%swap3A_409] {strides = array<i32>} : memref<128xi32, #tpu.memory_space<vmem>>, vector<16xi32>,
          tpu.vector_store %arg7[%swap3A_409], %and3A_408 {strides = array<i32>} : memref<128xi32, #tpu.memory_space<vmem>>, vector<16xi32>,
          %shift_right_logical3A_411 = arith.constant 16 : i32
          %shift_right_logical3A_412 = vector.broadcast %shift_right_logical3A_411 : i32 to vector<16xi32>
          %shift_right_logical3A_413 = arith.shrui %get3A_405, %shift_right_logical3A_412 : vector<16xi32>
          %min3A_414 = arith.constant 9999 : i32
          %min3A_415 = vector.broadcast %min3A_414 : i32 to vector<16xi32>
          %min3A_416 = arith.minsi %shift_right_logical3A_413, %min3A_415 : vector<16xi32>
          %swap3A_417 = arith.constant 48 : index
          %swap3A_418 = tpu.vector_load %arg8[%swap3A_417] {strides = array<i32>} : memref<128xi32, #tpu.memory_space<vmem>>, vector<16xi32>,
          tpu.vector_store %arg8[%swap3A_417], %min3A_416 {strides = array<i32>} : memref<128xi32, #tpu.memory_space<vmem>>, vector<16xi32>,
          %get3A_419 = arith.index_cast %add3A_354 : i32 to index
          %get3A_420 = arith.constant 64 : index
          %get3A_421 = tpu.vector_load %arg6[%get3A_419, %get3A_420] {strides = array<i32>} : memref<80x128xi32, #tpu.memory_space<vmem>>, vector<16xi32>,
          %and3A_422 = arith.constant 65535 : i32
          %and3A_423 = vector.broadcast %and3A_422 : i32 to vector<16xi32>
          %and3A_424 = arith.andi %get3A_421, %and3A_423 : vector<16xi32>
          %swap3A_425 = arith.constant 64 : index
          %swap3A_426 = tpu.vector_load %arg7[%swap3A_425] {strides = array<i32>} : memref<128xi32, #tpu.memory_space<vmem>>, vector<16xi32>,
          tpu.vector_store %arg7[%swap3A_425], %and3A_424 {strides = array<i32>} : memref<128xi32, #tpu.memory_space<vmem>>, vector<16xi32>,
          %shift_right_logical3A_427 = arith.constant 16 : i32
          %shift_right_logical3A_428 = vector.broadcast %shift_right_logical3A_427 : i32 to vector<16xi32>
          %shift_right_logical3A_429 = arith.shrui %get3A_421, %shift_right_logical3A_428 : vector<16xi32>
          %min3A_430 = arith.constant 9999 : i32
          %min3A_431 = vector.broadcast %min3A_430 : i32 to vector<16xi32>
          %min3A_432 = arith.minsi %shift_right_logical3A_429, %min3A_431 : vector<16xi32>
          %swap3A_433 = arith.constant 64 : index
          %swap3A_434 = tpu.vector_load %arg8[%swap3A_433] {strides = array<i32>} : memref<128xi32, #tpu.memory_space<vmem>>, vector<16xi32>,
          tpu.vector_store %arg8[%swap3A_433], %min3A_432 {strides = array<i32>} : memref<128xi32, #tpu.memory_space<vmem>>, vector<16xi32>,
          %get3A_435 = arith.index_cast %add3A_354 : i32 to index
          %get3A_436 = arith.constant 80 : index
          %get3A_437 = tpu.vector_load %arg6[%get3A_435, %get3A_436] {strides = array<i32>} : memref<80x128xi32, #tpu.memory_space<vmem>>, vector<16xi32>,
          %and3A_438 = arith.constant 65535 : i32
          %and3A_439 = vector.broadcast %and3A_438 : i32 to vector<16xi32>
          %and3A_440 = arith.andi %get3A_437, %and3A_439 : vector<16xi32>
          %swap3A_441 = arith.constant 80 : index
          %swap3A_442 = tpu.vector_load %arg7[%swap3A_441] {strides = array<i32>} : memref<128xi32, #tpu.memory_space<vmem>>, vector<16xi32>,
          tpu.vector_store %arg7[%swap3A_441], %and3A_440 {strides = array<i32>} : memref<128xi32, #tpu.memory_space<vmem>>, vector<16xi32>,
          %shift_right_logical3A_443 = arith.constant 16 : i32
          %shift_right_logical3A_444 = vector.broadcast %shift_right_logical3A_443 : i32 to vector<16xi32>
          %shift_right_logical3A_445 = arith.shrui %get3A_437, %shift_right_logical3A_444 : vector<16xi32>
          %min3A_446 = arith.constant 9999 : i32
          %min3A_447 = vector.broadcast %min3A_446 : i32 to vector<16xi32>
          %min3A_448 = arith.minsi %shift_right_logical3A_445, %min3A_447 : vector<16xi32>
          %swap3A_449 = arith.constant 80 : index
          %swap3A_450 = tpu.vector_load %arg8[%swap3A_449] {strides = array<i32>} : memref<128xi32, #tpu.memory_space<vmem>>, vector<16xi32>,
          tpu.vector_store %arg8[%swap3A_449], %min3A_448 {strides = array<i32>} : memref<128xi32, #tpu.memory_space<vmem>>, vector<16xi32>,
          %get3A_451 = arith.index_cast %add3A_354 : i32 to index
          %get3A_452 = arith.constant 96 : index
          %get3A_453 = tpu.vector_load %arg6[%get3A_451, %get3A_452] {strides = array<i32>} : memref<80x128xi32, #tpu.memory_space<vmem>>, vector<16xi32>,
          %and3A_454 = arith.constant 65535 : i32
          %and3A_455 = vector.broadcast %and3A_454 : i32 to vector<16xi32>
          %and3A_456 = arith.andi %get3A_453, %and3A_455 : vector<16xi32>
          %swap3A_457 = arith.constant 96 : index
          %swap3A_458 = tpu.vector_load %arg7[%swap3A_457] {strides = array<i32>} : memref<128xi32, #tpu.memory_space<vmem>>, vector<16xi32>,
          tpu.vector_store %arg7[%swap3A_457], %and3A_456 {strides = array<i32>} : memref<128xi32, #tpu.memory_space<vmem>>, vector<16xi32>,
          %shift_right_logical3A_459 = arith.constant 16 : i32
          %shift_right_logical3A_460 = vector.broadcast %shift_right_logical3A_459 : i32 to vector<16xi32>
          %shift_right_logical3A_461 = arith.shrui %get3A_453, %shift_right_logical3A_460 : vector<16xi32>
          %min3A_462 = arith.constant 9999 : i32
          %min3A_463 = vector.broadcast %min3A_462 : i32 to vector<16xi32>
          %min3A_464 = arith.minsi %shift_right_logical3A_461, %min3A_463 : vector<16xi32>
          %swap3A_465 = arith.constant 96 : index
          %swap3A_466 = tpu.vector_load %arg8[%swap3A_465] {strides = array<i32>} : memref<128xi32, #tpu.memory_space<vmem>>, vector<16xi32>,
          tpu.vector_store %arg8[%swap3A_465], %min3A_464 {strides = array<i32>} : memref<128xi32, #tpu.memory_space<vmem>>, vector<16xi32>,
          %get3A_467 = arith.index_cast %add3A_354 : i32 to index
          %get3A_468 = arith.constant 112 : index
          %get3A_469 = tpu.vector_load %arg6[%get3A_467, %get3A_468] {strides = array<i32>} : memref<80x128xi32, #tpu.memory_space<vmem>>, vector<16xi32>,
          %and3A_470 = arith.constant 65535 : i32
          %and3A_471 = vector.broadcast %and3A_470 : i32 to vector<16xi32>
          %and3A_472 = arith.andi %get3A_469, %and3A_471 : vector<16xi32>
          %swap3A_473 = arith.constant 112 : index
          %swap3A_474 = tpu.vector_load %arg7[%swap3A_473] {strides = array<i32>} : memref<128xi32, #tpu.memory_space<vmem>>, vector<16xi32>,
          tpu.vector_store %arg7[%swap3A_473], %and3A_472 {strides = array<i32>} : memref<128xi32, #tpu.memory_space<vmem>>, vector<16xi32>,
          %shift_right_logical3A_475 = arith.constant 16 : i32
          %shift_right_logical3A_476 = vector.broadcast %shift_right_logical3A_475 : i32 to vector<16xi32>
          %shift_right_logical3A_477 = arith.shrui %get3A_469, %shift_right_logical3A_476 : vector<16xi32>
          %min3A_478 = arith.constant 9999 : i32
          %min3A_479 = vector.broadcast %min3A_478 : i32 to vector<16xi32>
          %min3A_480 = arith.minsi %shift_right_logical3A_477, %min3A_479 : vector<16xi32>
          %swap3A_481 = arith.constant 112 : index
          %swap3A_482 = tpu.vector_load %arg8[%swap3A_481] {strides = array<i32>} : memref<128xi32, #tpu.memory_space<vmem>>, vector<16xi32>,
          tpu.vector_store %arg8[%swap3A_481], %min3A_480 {strides = array<i32>} : memref<128xi32, #tpu.memory_space<vmem>>, vector<16xi32>,
          %dma_start3A_483 = arith.constant 0 : i32
          %dma_start3A_484 = arith.constant 0 : i32
          %dma_start3A_485 = tpu.memref_slice %arg3[%dma_start3A_483, %dma_start3A_484] : memref<10240x128xf32, #tpu.memory_space<hbm>> -> memref<10240x128xf32, #tpu.memory_space<hbm>>
          tpu.enqueue_indirect_dma source(%dma_start3A_485 : memref<10240x128xf32, #tpu.memory_space<hbm>>) target(%arg11 : memref<128x128xf32, #tpu.memory_space<vmem>>) offsets(%arg7 : memref<128xi32, #tpu.memory_space<vmem>>) semaphore(%arg14 : memref<!tpu.dma_semaphore, #tpu.memory_space<semaphore_mem>>)
        } else {
        }
        %dma_wait3A_350 = arith.constant 0 : i32
        %dma_wait3A_351 = arith.constant 0 : i32
        %dma_wait3A_352 = tpu.memref_slice %arg13[%dma_wait3A_350, %dma_wait3A_351] : memref<10000x128xf32, #tpu.memory_space<vmem_shared>> -> memref<10000x128xf32, #tpu.memory_space<vmem_shared>>
        tpu.wait_indirect_dma semaphore(%arg15 : memref<!tpu.dma_semaphore, #tpu.memory_space<semaphore_mem>>) src(%arg12 : memref<128x128xf32, #tpu.memory_space<vmem>>) dst(%dma_wait3A_352 : memref<10000x128xf32, #tpu.memory_space<vmem_shared>>)
      }
    } else {
    }
    %barrier3A_40 = arith.constant 0 : index
    tpu.barrier barrier_id(%barrier3A_40)
    %mul3A_41 = arith.constant 624 : i32
    %mul3A_42 = arith.muli %arg1, %mul3A_41 : i32
    %mul3A_43 = arith.constant 624 : i32
    %mul3A_44 = arith.muli %arg1, %mul3A_43 : i32
    "tpu.region"() ({
      %run_scoped3A = tpu.sem_alloc : memref<!tpu.dma_semaphore, #tpu.memory_space<semaphore_mem>>
      %dma_start3A = arith.constant 0 : i32
      %dma_start3A_50 = tpu.memref_slice %arg5[%arg0, %mul3A_44, %dma_start3A] : memref<2x10000x128xf32, #tpu.memory_space<hbm>> -> memref<1x624x128xf32, #tpu.memory_space<hbm>>
      %dma_start3A_51 = tpu.memref_squeeze %dma_start3A_50 : memref<1x624x128xf32, #tpu.memory_space<hbm>> -> memref<624x128xf32, #tpu.memory_space<hbm>>
      %dma_start3A_52 = arith.constant 0 : i32
      %dma_start3A_53 = tpu.memref_slice %arg13[%mul3A_42, %dma_start3A_52] : memref<10000x128xf32, #tpu.memory_space<vmem_shared>> -> memref<624x128xf32, #tpu.memory_space<vmem_shared>>
      tpu.enqueue_dma source(%dma_start3A_53 : memref<624x128xf32, #tpu.memory_space<vmem_shared>>) target(%dma_start3A_51 : memref<624x128xf32, #tpu.memory_space<hbm>>) target_semaphore(%run_scoped3A : memref<!tpu.dma_semaphore, #tpu.memory_space<semaphore_mem>>)
      %dma_wait3A = arith.constant 0 : i32
      %dma_wait3A_54 = tpu.memref_slice %arg5[%arg0, %mul3A_44, %dma_wait3A] : memref<2x10000x128xf32, #tpu.memory_space<hbm>> -> memref<1x624x128xf32, #tpu.memory_space<hbm>>
      %dma_wait3A_55 = tpu.memref_squeeze %dma_wait3A_54 : memref<1x624x128xf32, #tpu.memory_space<hbm>> -> memref<624x128xf32, #tpu.memory_space<hbm>>
      %dma_wait3A_56 = arith.constant 0 : i32
      %dma_wait3A_57 = tpu.memref_slice %arg13[%mul3A_42, %dma_wait3A_56] : memref<10000x128xf32, #tpu.memory_space<vmem_shared>> -> memref<624x128xf32, #tpu.memory_space<vmem_shared>>
      tpu.wait_dma2 semaphore(%run_scoped3A : memref<!tpu.dma_semaphore, #tpu.memory_space<semaphore_mem>>) src(%dma_wait3A_57 : memref<624x128xf32, #tpu.memory_space<vmem_shared>>) dst(%dma_wait3A_55 : memref<624x128xf32, #tpu.memory_space<hbm>>)
      tpu.yield
    }) : () -> ()
    %eq3A_45 = arith.constant 15 : i32
    %eq3A_46 = arith.cmpi eq, %arg1, %eq3A_45 : i32
    %convert_element_type3A_47 = arith.extui %eq3A_46 : i1 to i32
    %cond3A_48 = arith.constant 0 : i32
    %cond3A_49 = arith.cmpi ne, %convert_element_type3A_47, %cond3A_48 : i32
    scf.if %cond3A_49 {
      "tpu.region"() ({
        %run_scoped3A = tpu.sem_alloc : memref<!tpu.dma_semaphore, #tpu.memory_space<semaphore_mem>>
        %dma_start3A = arith.constant 9984 : i32
        %dma_start3A_50 = arith.constant 0 : i32
        %dma_start3A_51 = tpu.memref_slice %arg5[%arg0, %dma_start3A, %dma_start3A_50] : memref<2x10000x128xf32, #tpu.memory_space<hbm>> -> memref<1x16x128xf32, #tpu.memory_space<hbm>>
        %dma_start3A_52 = tpu.memref_squeeze %dma_start3A_51 : memref<1x16x128xf32, #tpu.memory_space<hbm>> -> memref<16x128xf32, #tpu.memory_space<hbm>>
        %dma_start3A_53 = arith.constant 9984 : i32
        %dma_start3A_54 = arith.constant 0 : i32
        %dma_start3A_55 = tpu.memref_slice %arg13[%dma_start3A_53, %dma_start3A_54] : memref<10000x128xf32, #tpu.memory_space<vmem_shared>> -> memref<16x128xf32, #tpu.memory_space<vmem_shared>>
        tpu.enqueue_dma source(%dma_start3A_55 : memref<16x128xf32, #tpu.memory_space<vmem_shared>>) target(%dma_start3A_52 : memref<16x128xf32, #tpu.memory_space<hbm>>) target_semaphore(%run_scoped3A : memref<!tpu.dma_semaphore, #tpu.memory_space<semaphore_mem>>)
        %dma_wait3A = arith.constant 9984 : i32
        %dma_wait3A_56 = arith.constant 0 : i32
        %dma_wait3A_57 = tpu.memref_slice %arg5[%arg0, %dma_wait3A, %dma_wait3A_56] : memref<2x10000x128xf32, #tpu.memory_space<hbm>> -> memref<1x16x128xf32, #tpu.memory_space<hbm>>
        %dma_wait3A_58 = tpu.memref_squeeze %dma_wait3A_57 : memref<1x16x128xf32, #tpu.memory_space<hbm>> -> memref<16x128xf32, #tpu.memory_space<hbm>>
        %dma_wait3A_59 = arith.constant 9984 : i32
        %dma_wait3A_60 = arith.constant 0 : i32
        %dma_wait3A_61 = tpu.memref_slice %arg13[%dma_wait3A_59, %dma_wait3A_60] : memref<10000x128xf32, #tpu.memory_space<vmem_shared>> -> memref<16x128xf32, #tpu.memory_space<vmem_shared>>
        tpu.wait_dma2 semaphore(%run_scoped3A : memref<!tpu.dma_semaphore, #tpu.memory_space<semaphore_mem>>) src(%dma_wait3A_61 : memref<16x128xf32, #tpu.memory_space<vmem_shared>>) dst(%dma_wait3A_58 : memref<16x128xf32, #tpu.memory_space<hbm>>)
        tpu.yield
      }) : () -> ()
    } else {
    }
    return
  }
}

module attributes {stable_mosaic.version = 14 : i64} {
  func.func @_scale_body(%arg0: i32, %arg1: memref<512x128xf32, #tpu.memory_space<vmem>>, %arg2: memref<2x2x1x512xf32, #tpu.memory_space<vmem>>, %arg3: memref<512x512xf32, #tpu.memory_space<vmem>>, %arg4: memref<512x128xf32, #tpu.memory_space<vmem>>) attributes {dimension_semantics = [#tpu.dimension_semantics<arbitrary>], iteration_bounds = array<i64: 20>, scalar_prefetch = 0 : i64, scratch_operands = 0 : i64, tpu.core_type = #tpu.core_type<tc>, window_params = [{transform_indices = @transform_0, window_bounds = array<i64: 512, 128>}, {transform_indices = @transform_1, window_bounds = array<i64: 2, 2, 1, 512>}, {pipeline_mode = #tpu.pipeline_mode<synchronous>, transform_indices = @transform_2, window_bounds = array<i64: 512, 512>}, {transform_indices = @transform_3, window_bounds = array<i64: 512, 128>}]} {
    %get3A = arith.constant 0 : index
    %get3A_0 = arith.constant 0 : index
    %get3A_1 = arith.constant 0 : index
    %get3A_2 = arith.constant 0 : index
    %get3A_3 = vector.load %arg2[%get3A, %get3A_0, %get3A_1, %get3A_2] : memref<2x2x1x512xf32, #tpu.memory_space<vmem>>, vector<1x1x1x512xf32>
    %get3A_4 = vector.shape_cast %get3A_3 : vector<1x1x1x512xf32> to vector<1x512xf32>
    %get3A_5 = arith.constant 1 : index
    %get3A_6 = arith.constant 0 : index
    %get3A_7 = arith.constant 0 : index
    %get3A_8 = arith.constant 0 : index
    %get3A_9 = vector.load %arg2[%get3A_5, %get3A_6, %get3A_7, %get3A_8] : memref<2x2x1x512xf32, #tpu.memory_space<vmem>>, vector<1x1x1x512xf32>
    %get3A_10 = vector.shape_cast %get3A_9 : vector<1x1x1x512xf32> to vector<1x512xf32>
    %add3A = arith.addf %get3A_4, %get3A_10 : vector<1x512xf32>
    %get3A_11 = arith.constant 0 : index
    %get3A_12 = arith.constant 0 : index
    %get3A_13 = vector.load %arg3[%get3A_11, %get3A_12] : memref<512x512xf32, #tpu.memory_space<vmem>>, vector<512x512xf32>
    %dot_general3A = arith.constant dense<0.000000e+00> : vector<512x1xf32>
    %dot_general3A_14 = tpu.matmul %get3A_13, %add3A, %dot_general3A {dimension_numbers = #tpu.dot_dimension_numbers<[1], [1], [0], [0], [0, 0, 1, 0], [], []>, transpose_lhs_hint = false} : vector<512x512xf32>, vector<1x512xf32>, vector<512x1xf32> -> vector<512x1xf32>
    %get3A_15 = arith.constant 0 : index
    %get3A_16 = arith.constant 0 : index
    %get3A_17 = vector.load %arg1[%get3A_15, %get3A_16] : memref<512x128xf32, #tpu.memory_space<vmem>>, vector<512x128xf32>
    %gt3A = arith.constant 0.000000e+00 : f32
    %gt3A_18 = vector.broadcast %gt3A : f32 to vector<512x1xf32>
    %gt3A_19 = arith.cmpf ogt, %dot_general3A_14, %gt3A_18 : vector<512x1xf32>
    %max3A = arith.constant 9.99999996E-13 : f32
    %max3A_20 = vector.broadcast %max3A : f32 to vector<512x1xf32>
    %max3A_21 = arith.maximumf %dot_general3A_14, %max3A_20 : vector<512x1xf32>
    %rsqrt3A = math.rsqrt %max3A_21 : vector<512x1xf32>
    %jit3A = arith.constant 0.000000e+00 : f32
    %broadcast_in_dim3A = vector.broadcast %jit3A : f32 to vector<512x1xf32>
    %select_n3A = arith.select %gt3A_19, %rsqrt3A, %broadcast_in_dim3A : vector<512x1xi1>, vector<512x1xf32>
    %mul3A = vector.broadcast %select_n3A : vector<512x1xf32> to vector<512x128xf32>
    %mul3A_22 = arith.mulf %get3A_17, %mul3A : vector<512x128xf32>
    %mul3A_23 = arith.constant 512 : i32
    %mul3A_24 = arith.muli %arg0, %mul3A_23 : i32
    %iota3A = tpu.iota {dimensions = array<i32: 0>} : vector<512x128xi32>
    %add3A_25 = vector.broadcast %mul3A_24 : i32 to vector<512x128xi32>
    %add3A_26 = arith.addi %add3A_25, %iota3A : vector<512x128xi32>
    %lt3A = arith.constant 10000 : i32
    %lt3A_27 = vector.broadcast %lt3A : i32 to vector<512x128xi32>
    %lt3A_28 = arith.cmpi slt, %add3A_26, %lt3A_27 : vector<512x128xi32>
    %jit3A_29 = arith.constant 0.000000e+00 : f32
    %broadcast_in_dim3A_30 = vector.broadcast %jit3A_29 : f32 to vector<512x128xf32>
    %select_n3A_31 = arith.select %lt3A_28, %mul3A_22, %broadcast_in_dim3A_30 : vector<512x128xi1>, vector<512x128xf32>
    %swap3A = arith.constant 0 : index
    %swap3A_32 = arith.constant 0 : index
    %swap3A_33 = vector.load %arg4[%swap3A, %swap3A_32] : memref<512x128xf32, #tpu.memory_space<vmem>>, vector<512x128xf32>
    tpu.vector_store %arg4[%swap3A, %swap3A_32], %select_n3A_31 {strides = array<i32>} : memref<512x128xf32, #tpu.memory_space<vmem>>, vector<512x128xf32>,
    return
  }
  func.func @transform_0(%arg0: i32) -> (i32, i32) {
    %c0_i32 = arith.constant 0 : i32
    %c0_i32_0 = arith.constant 0 : i32
    return %arg0, %c0_i32 : i32, i32
  }
  func.func @transform_1(%arg0: i32) -> (i32, i32, i32, i32) {
    %c0_i32 = arith.constant 0 : i32
    %c0_i32_0 = arith.constant 0 : i32
    %c0_i32_1 = arith.constant 0 : i32
    %c0_i32_2 = arith.constant 0 : i32
    return %c0_i32, %c0_i32_0, %c0_i32_1, %arg0 : i32, i32, i32, i32
  }
  func.func @transform_2(%arg0: i32) -> (i32, i32) {
    %c0_i32 = arith.constant 0 : i32
    %c0_i32_0 = arith.constant 0 : i32
    %c0_i32_1 = arith.constant 0 : i32
    return %c0_i32, %c0_i32_0 : i32, i32
  }
  func.func @transform_3(%arg0: i32) -> (i32, i32) {
    %c0_i32 = arith.constant 0 : i32
    %c0_i32_0 = arith.constant 0 : i32
    return %arg0, %c0_i32 : i32, i32
  }
}

module attributes {stable_mosaic.version = 14 : i64} {
  func.func @_matmul_body(%arg0: i32, %arg1: memref<2048x128xf32, #tpu.memory_space<vmem>>, %arg2: memref<128x128xf32, #tpu.memory_space<vmem>>, %arg3: memref<2048x128xf32, #tpu.memory_space<vmem>>) attributes {dimension_semantics = [#tpu.dimension_semantics<arbitrary>], iteration_bounds = array<i64: 5>, scalar_prefetch = 0 : i64, scratch_operands = 0 : i64, tpu.core_type = #tpu.core_type<tc>, window_params = [{transform_indices = @transform_0, window_bounds = array<i64: 2048, 128>}, {pipeline_mode = #tpu.pipeline_mode<synchronous>, transform_indices = @transform_1, window_bounds = array<i64: 128, 128>}, {transform_indices = @transform_2, window_bounds = array<i64: 2048, 128>}]} {
    %get3A = arith.constant 0 : index
    %get3A_0 = arith.constant 0 : index
    %get3A_1 = vector.load %arg1[%get3A, %get3A_0] : memref<2048x128xf32, #tpu.memory_space<vmem>>, vector<2048x128xf32>
    %get3A_2 = arith.constant 0 : index
    %get3A_3 = arith.constant 0 : index
    %get3A_4 = vector.load %arg2[%get3A_2, %get3A_3] : memref<128x128xf32, #tpu.memory_space<vmem>>, vector<128x128xf32>
    %dot_general3A = arith.constant dense<0.000000e+00> : vector<2048x128xf32>
    %dot_general3A_5 = tpu.matmul %get3A_1, %get3A_4, %dot_general3A {dimension_numbers = #tpu.dot_dimension_numbers<[1], [0], [0], [1], [0, 0, 1, 1], [], []>, transpose_lhs_hint = false} : vector<2048x128xf32>, vector<128x128xf32>, vector<2048x128xf32> -> vector<2048x128xf32>
    %swap3A = arith.constant 0 : index
    %swap3A_6 = arith.constant 0 : index
    %swap3A_7 = vector.load %arg3[%swap3A, %swap3A_6] : memref<2048x128xf32, #tpu.memory_space<vmem>>, vector<2048x128xf32>
    tpu.vector_store %arg3[%swap3A, %swap3A_6], %dot_general3A_5 {strides = array<i32>} : memref<2048x128xf32, #tpu.memory_space<vmem>>, vector<2048x128xf32>,
    return
  }
  func.func @transform_0(%arg0: i32) -> (i32, i32) {
    %c0_i32 = arith.constant 0 : i32
    %c0_i32_0 = arith.constant 0 : i32
    return %arg0, %c0_i32 : i32, i32
  }
  func.func @transform_1(%arg0: i32) -> (i32, i32) {
    %c0_i32 = arith.constant 0 : i32
    %c0_i32_0 = arith.constant 0 : i32
    %c0_i32_1 = arith.constant 0 : i32
    return %c0_i32, %c0_i32_0 : i32, i32
  }
  func.func @transform_2(%arg0: i32) -> (i32, i32) {
    %c0_i32 = arith.constant 0 : i32
    %c0_i32_0 = arith.constant 0 : i32
    return %arg0, %c0_i32 : i32, i32
  }
}

module attributes {stable_mosaic.version = 14 : i64} {
  func.func @_final_body(%arg0: i32, %arg1: memref<2x512x128xf32, #tpu.memory_space<vmem>>, %arg2: memref<2x2x1x512xf32, #tpu.memory_space<vmem>>, %arg3: memref<512x512xf32, #tpu.memory_space<vmem>>, %arg4: memref<1x128xf32, #tpu.memory_space<vmem>>, %arg5: memref<512x128xf32, #tpu.memory_space<vmem>>) attributes {dimension_semantics = [#tpu.dimension_semantics<arbitrary>], iteration_bounds = array<i64: 20>, scalar_prefetch = 0 : i64, scratch_operands = 0 : i64, tpu.core_type = #tpu.core_type<tc>, window_params = [{transform_indices = @transform_0, window_bounds = array<i64: 2, 512, 128>}, {transform_indices = @transform_1, window_bounds = array<i64: 2, 2, 1, 512>}, {pipeline_mode = #tpu.pipeline_mode<synchronous>, transform_indices = @transform_2, window_bounds = array<i64: 512, 512>}, {pipeline_mode = #tpu.pipeline_mode<synchronous>, transform_indices = @transform_3, window_bounds = array<i64: 1, 128>}, {transform_indices = @transform_4, window_bounds = array<i64: 512, 128>}]} {
    %get3A = arith.constant 0 : index
    %get3A_0 = arith.constant 1 : index
    %get3A_1 = arith.constant 0 : index
    %get3A_2 = arith.constant 0 : index
    %get3A_3 = vector.load %arg2[%get3A, %get3A_0, %get3A_1, %get3A_2] : memref<2x2x1x512xf32, #tpu.memory_space<vmem>>, vector<1x1x1x512xf32>
    %get3A_4 = vector.shape_cast %get3A_3 : vector<1x1x1x512xf32> to vector<1x512xf32>
    %get3A_5 = arith.constant 1 : index
    %get3A_6 = arith.constant 1 : index
    %get3A_7 = arith.constant 0 : index
    %get3A_8 = arith.constant 0 : index
    %get3A_9 = vector.load %arg2[%get3A_5, %get3A_6, %get3A_7, %get3A_8] : memref<2x2x1x512xf32, #tpu.memory_space<vmem>>, vector<1x1x1x512xf32>
    %get3A_10 = vector.shape_cast %get3A_9 : vector<1x1x1x512xf32> to vector<1x512xf32>
    %add3A = arith.addf %get3A_4, %get3A_10 : vector<1x512xf32>
    %get3A_11 = arith.constant 0 : index
    %get3A_12 = arith.constant 0 : index
    %get3A_13 = vector.load %arg3[%get3A_11, %get3A_12] : memref<512x512xf32, #tpu.memory_space<vmem>>, vector<512x512xf32>
    %dot_general3A = arith.constant dense<0.000000e+00> : vector<512x1xf32>
    %dot_general3A_14 = tpu.matmul %get3A_13, %add3A, %dot_general3A {dimension_numbers = #tpu.dot_dimension_numbers<[1], [1], [0], [0], [0, 0, 1, 0], [], []>, transpose_lhs_hint = false} : vector<512x512xf32>, vector<1x512xf32>, vector<512x1xf32> -> vector<512x1xf32>
    %get3A_15 = arith.constant 0 : index
    %get3A_16 = arith.constant 0 : index
    %get3A_17 = arith.constant 0 : index
    %get3A_18 = vector.load %arg1[%get3A_15, %get3A_16, %get3A_17] : memref<2x512x128xf32, #tpu.memory_space<vmem>>, vector<1x512x128xf32>
    %get3A_19 = vector.shape_cast %get3A_18 : vector<1x512x128xf32> to vector<512x128xf32>
    %get3A_20 = arith.constant 1 : index
    %get3A_21 = arith.constant 0 : index
    %get3A_22 = arith.constant 0 : index
    %get3A_23 = vector.load %arg1[%get3A_20, %get3A_21, %get3A_22] : memref<2x512x128xf32, #tpu.memory_space<vmem>>, vector<1x512x128xf32>
    %get3A_24 = vector.shape_cast %get3A_23 : vector<1x512x128xf32> to vector<512x128xf32>
    %add3A_25 = arith.addf %get3A_19, %get3A_24 : vector<512x128xf32>
    %gt3A = arith.constant 0.000000e+00 : f32
    %gt3A_26 = vector.broadcast %gt3A : f32 to vector<512x1xf32>
    %gt3A_27 = arith.cmpf ogt, %dot_general3A_14, %gt3A_26 : vector<512x1xf32>
    %max3A = arith.constant 9.99999996E-13 : f32
    %max3A_28 = vector.broadcast %max3A : f32 to vector<512x1xf32>
    %max3A_29 = arith.maximumf %dot_general3A_14, %max3A_28 : vector<512x1xf32>
    %rsqrt3A = math.rsqrt %max3A_29 : vector<512x1xf32>
    %jit3A = arith.constant 0.000000e+00 : f32
    %broadcast_in_dim3A = vector.broadcast %jit3A : f32 to vector<512x1xf32>
    %select_n3A = arith.select %gt3A_27, %rsqrt3A, %broadcast_in_dim3A : vector<512x1xi1>, vector<512x1xf32>
    %mul3A = vector.broadcast %select_n3A : vector<512x1xf32> to vector<512x128xf32>
    %mul3A_30 = arith.mulf %add3A_25, %mul3A : vector<512x128xf32>
    %get3A_31 = arith.constant 0 : index
    %get3A_32 = arith.constant 0 : index
    %get3A_33 = vector.load %arg4[%get3A_31, %get3A_32] : memref<1x128xf32, #tpu.memory_space<vmem>>, vector<1x128xf32>
    %add3A_34 = vector.broadcast %get3A_33 : vector<1x128xf32> to vector<512x128xf32>
    %add3A_35 = arith.addf %mul3A_30, %add3A_34 : vector<512x128xf32>
    %swap3A = arith.constant 0 : index
    %swap3A_36 = arith.constant 0 : index
    %swap3A_37 = vector.load %arg5[%swap3A, %swap3A_36] : memref<512x128xf32, #tpu.memory_space<vmem>>, vector<512x128xf32>
    tpu.vector_store %arg5[%swap3A, %swap3A_36], %add3A_35 {strides = array<i32>} : memref<512x128xf32, #tpu.memory_space<vmem>>, vector<512x128xf32>,
    return
  }
  func.func @transform_0(%arg0: i32) -> (i32, i32, i32) {
    %c0_i32 = arith.constant 0 : i32
    %c0_i32_0 = arith.constant 0 : i32
    %c0_i32_1 = arith.constant 0 : i32
    return %c0_i32, %arg0, %c0_i32_0 : i32, i32, i32
  }
  func.func @transform_1(%arg0: i32) -> (i32, i32, i32, i32) {
    %c0_i32 = arith.constant 0 : i32
    %c0_i32_0 = arith.constant 0 : i32
    %c0_i32_1 = arith.constant 0 : i32
    %c0_i32_2 = arith.constant 0 : i32
    return %c0_i32, %c0_i32_0, %c0_i32_1, %arg0 : i32, i32, i32, i32
  }
  func.func @transform_2(%arg0: i32) -> (i32, i32) {
    %c0_i32 = arith.constant 0 : i32
    %c0_i32_0 = arith.constant 0 : i32
    %c0_i32_1 = arith.constant 0 : i32
    return %c0_i32, %c0_i32_0 : i32, i32
  }
  func.func @transform_3(%arg0: i32) -> (i32, i32) {
    %c0_i32 = arith.constant 0 : i32
    %c0_i32_0 = arith.constant 0 : i32
    %c0_i32_1 = arith.constant 0 : i32
    return %c0_i32, %c0_i32_0 : i32, i32
  }
  func.func @transform_4(%arg0: i32) -> (i32, i32) {
    %c0_i32 = arith.constant 0 : i32
    %c0_i32_0 = arith.constant 0 : i32
    return %arg0, %c0_i32 : i32, i32
  }
}

</mosaic_0001>

<sc_bundles>
// kernel: kernel.10.cloned.1.call-start
scs
__scs_entry_jumppad:
0x0: {  	(pc) =	sbr.rel $0x88, $3  }
0x1: {  	(tag) =	ssettag $0x0;
	lr =	simm.s32 $0x1  }
0x2: {  	[smem:$0x3F9D] =	sst lr;
	_ =	strace $0xD0000000  }
0x3: {  	_ = 	snop  }
0x4: {  	_ = 	snop  }
0x5: {  	_ = 	snop  }
0x6: {  	_ = 	snop  }
0x7: {  	_ = 	snop  }
__scs_overlays_trampoline_lowered:
0x8: {  	[smem:$0x3FAC] =	sst s0  }
0x9: {  	[smem:$0x3FAD] =	sst s1  }
0xa: {  	[smem:$0x3FAE] =	sst s2  }
0xb: {  	[smem:$0x3FAF] =	sst s3  }
0xc: {  	[smem:$0x3FB0] =	sst s4  }
0xd: {  	[smem:$0x3FB1] =	sst s5  }
0xe: {  	[smem:$0x3FB2] =	sst s6  }
0xf: {  	[smem:$0x3FB3] =	sst s7  }
0x10: {  	[smem:$0x3FB4] =	sst s8  }
0x11: {  	[smem:$0x3FB5] =	sst s9;
	s0 =	simm.s32 @!p0 $0x0  }
0x12: {  	s1 =	sld [smem:$0x3F9B];
	s0 =	simm.s32 @p0 $0x1  }
0x13: {  	[smem:$0x3FB6] =	sst s0;
	s0 =	simm.s32 @!p1 $0x0  }
0x14: {  	s2 =	sld [smem:$0x3F9A];
	s0 =	simm.s32 @p1 $0x1  }
0x15: {  	[smem:$0x3FB7] =	sst s0;
	s0 =	simm.s32 @!p2 $0x0  }
0x16: {  	s3 =	sld [smem:$0x3FDB];
	s0 =	simm.s32 @p2 $0x1  }
0x17: {  	s4 =	simm.s32 $0x1BF5;
	[smem:$0x3FB9] =	sst s0  }
0x18: {  	s0 =	sld [smem:$0x3F9C];
	_ =	swait.ge [sflag:s4], $0x0  }
0x19: {  	s7 =	sld [smem:$0x3F9D]  }
0x1a: {  	s8 =	sadd.s32 $0xFFFFE003, lr  }
0x1b: {  	s9 =	sadd.s32 $0xFFFFFEF7, lr;
	s5 =	simm.s32 $0xFFFFFFFF;
	p2 =	slt.u32 s8, $0xFFFFF086  }
0x1c: {  	p1 =	slt.u32 s9, $0xF7A;
	s5 =	simm.s32 @!p2 $0x0  }
0x1d: {  	s5 =	simm.s32 @p1 $0x1;
	p0 =	seq.s32 s7, s2  }
0x1e: {  	s7 =	smul.u32 @!p0 $0xF7A, s2;
	p2 =	seq.s32 @!p0 s5, $0x0  }
0x1f: {  	s9 =	smul.u32 $0xF7A, s1;
	s8 =	simm.s32 @!p0 $0x1BF5;
	p2 =	por !p2, p0  }
0x20: {  	[sflag:s8] =	ssyncset.s32 @!p0 $0xFFFFF086;
	s6 =	sadd.s32 @!p0 s3, s7;
	s7 =	simm.s32 @!p0 $0x108  }
0x21: {  	s3 =	sadd.s32 s3, s9;
	s6 =	sadd.s32 @!p0 $0x88, s6;
	s7 =	simm.s32 @p2 $0x1082  }
0x22: {  	[simem:s7], [sflag:s8] =	dma.local @!p0 [hbm:s6], $0xF7A  }
0x23: {  	s9 =	sor.u32 $0xD0000000, s2;
	s6 =	simm.s32 $0x108;
	_ =	swait.ge @!p0 [sflag:s8], $0x0  }
0x24: {  	s3 =	sadd.s32 $0x88, s3;
	s6 =	simm.s32 @!p1 $0x1082;
	[sflag:s4] =	ssyncset.s32 $0xFFFFF086  }
0x25: {  	[simem:s6], [sflag:s4] =	dma.local [hbm:s3], $0xF7A  }
0x26: {  	[smem:$0x3F9D] =	sst s1;
	(tag) =	ssettag s2;
	_ =	strace s9  }
0x27: {  	s1 =	sld [smem:$0x3FAD]  }
0x28: {  	s2 =	sld [smem:$0x3FAE]  }
0x29: {  	s4 =	sld [smem:$0x3FB0]  }
0x2a: {  	p0 =	seq.s32 s5, $0x0;
	s5 =	sld [smem:$0x3FB1]  }
0x2b: {  	s6 =	sld [smem:$0x3FB2]  }
0x2c: {  	s7 =	sld [smem:$0x3FB3]  }
0x2d: {  	s3 =	simm.s32 $0x108;
	s8 =	sld [smem:$0x3FB4]  }
0x2e: {  	s3 =	simm.s32 @!p0 $0x1082;
	s9 =	sld [smem:$0x3FB5]  }
0x2f: {  	lr =	sadd.s32 s0, s3;
	s0 =	sld [smem:$0x3FAC]  }
0x30: {  	s3 =	sld [smem:$0x3FAF]  }
0x31: {  	[smem:$0x3FB8] =	sst s10  }
0x32: {  	s10 =	sld [smem:$0x3FB6];
	_ =	sdelay $0x3  }
0x33: {  	p0 =	seq.s32 s10, $0x1;
	s10 =	sld [smem:$0x3FB8];
	_ =	sdelay $0x3  }
0x34: {  	[smem:$0x3FB8] =	sst s10  }
0x35: {  	s10 =	sld [smem:$0x3FB7];
	_ =	sdelay $0x3  }
0x36: {  	p1 =	seq.s32 s10, $0x1;
	s10 =	sld [smem:$0x3FB8];
	_ =	sdelay $0x3  }
0x37: {  	[smem:$0x3FB8] =	sst s10  }
0x38: {  	s10 =	sld [smem:$0x3FB9]  }
0x39: {  	_ = 	snop;
	(pc) =	sbr.ind lr, $3  }
0x3a: {  	_ = 	snop  }
0x3b: {  	_ = 	snop  }
0x3c: {  	p2 =	seq.s32 s10, $0x1;
	s10 =	sld [smem:$0x3FB8]  }
0x3d: {  	_ =	shalt  }
0x3e: {  	_ =	shalt  }
0x3f: {  	_ =	shalt  }
0x40: {  	_ =	shalt  }
0x41: {  	_ =	shalt  }
0x42: {  	_ =	shalt  }
0x43: {  	_ =	shalt  }
0x44: {  	_ =	shalt  }
0x45: {  	_ =	shalt  }
0x46: {  	_ =	shalt  }
0x47: {  	_ =	shalt  }
0x48: {  	_ =	shalt  }
0x49: {  	_ =	shalt  }
0x4a: {  	_ =	shalt  }
0x4b: {  	_ =	shalt  }
0x4c: {  	_ =	shalt  }
0x4d: {  	_ =	shalt  }
0x4e: {  	_ =	shalt  }
0x4f: {  	_ =	shalt  }
0x50: {  	_ =	shalt  }
0x51: {  	_ =	shalt  }
0x52: {  	_ =	shalt  }
0x53: {  	_ =	shalt  }
0x54: {  	_ =	shalt  }
0x55: {  	_ =	shalt  }
0x56: {  	_ =	shalt  }
0x57: {  	_ =	shalt  }
0x58: {  	_ =	shalt  }
0x59: {  	_ =	shalt  }
0x5a: {  	_ =	shalt  }
0x5b: {  	_ =	shalt  }
0x5c: {  	_ =	shalt  }
0x5d: {  	_ =	shalt  }
0x5e: {  	_ =	shalt  }
0x5f: {  	_ =	shalt  }
0x60: {  	_ =	shalt  }
0x61: {  	_ =	shalt  }
0x62: {  	_ =	shalt  }
0x63: {  	_ =	shalt  }
0x64: {  	_ =	shalt  }
0x65: {  	_ =	shalt  }
0x66: {  	_ =	shalt  }
0x67: {  	_ =	shalt  }
0x68: {  	_ =	shalt  }
0x69: {  	_ =	shalt  }
0x6a: {  	_ =	shalt  }
0x6b: {  	_ =	shalt  }
0x6c: {  	_ =	shalt  }
0x6d: {  	_ =	shalt  }
0x6e: {  	_ =	shalt  }
0x6f: {  	_ =	shalt  }
0x70: {  	_ =	shalt  }
0x71: {  	_ =	shalt  }
0x72: {  	_ =	shalt  }
0x73: {  	_ =	shalt  }
0x74: {  	_ =	shalt  }
0x75: {  	_ =	shalt  }
0x76: {  	_ =	shalt  }
0x77: {  	_ =	shalt  }
0x78: {  	_ =	shalt  }
0x79: {  	_ =	shalt  }
0x7a: {  	_ =	shalt  }
0x7b: {  	_ =	shalt  }
0x7c: {  	_ =	shalt  }
0x7d: {  	_ =	shalt  }
0x7e: {  	_ =	shalt  }
0x7f: {  	_ =	shalt  }
0x80: {  	_ =	shalt  }
0x81: {  	_ =	shalt  }
0x82: {  	_ =	shalt  }
0x83: {  	_ =	shalt  }
0x84: {  	_ =	shalt  }
0x85: {  	_ =	shalt  }
0x86: {  	_ =	shalt  }
0x87: {  	_ =	shalt  }
.Lfunc_end0:
.L_simem_size_0:
called_computation.1_lowered:
.L_overlay_start_0:
0x88: {  	s2 =	sld [smem:$0x3FD9]  }
0x89: {  	s3 =	sld [smem:$0x3FFE];
	_ =	sdelay $0x1  }
0x8a: {  	s1 =	srdreg.scid  }
0x8b: {  	s0 =	sand.u32 $0x1, s1  }
0x8c: {  	s17 =	sshll.u32 s0, $0xA;
	s2 =	sadd.s32 s3, s2  }
0x8d: {  	s2 =	sadd.s32 s2, s17  }
0x8e: {  	[smem:$0x3FC4] =	sst s2  }
0x8f: {  	_ = 	snop  }
0x90: {  	s2 =	sld [smem:$0x3FD0];
	(tm) =	ssettm $0x1  }
0x91: {  	s18 =	sld [smem:$0x3FFB];
	_ =	sdelay $0x3  }
0x92: {  	_ =	strace s18  }
0x93: {  	s3 =	sld [smem:$0x3FFC];
	_ =	sdelay $0x3  }
0x94: {  	_ =	strace s3  }
0x95: {  	s3 =	sld [smem:$0x3FFD];
	_ =	sdelay $0x3  }
0x96: {  	_ =	strace s3  }
0x97: {  	_ =	strace $0x8FFFFFFF  }
0x98: {  	s19 =	sld [smem:$0x3FDB];
	_ =	sdelay $0x1  }
0x99: {  	s4 =	simm.s32 $_scs_section_size  }
0x9a: {  	s5 =	simm.s32 $_size__tile_overlayer_lowered;
	s6 =	simm.s32 $_tile_overlayer_lowered  }
0x9b: {  	s22 =	simm.s32 $0x1BFF;
	s21 =	sshll.u32 s6, $0x1;
	s3 =	sadd.s32 s4, s19  }
0x9c: {  	s7 =	simm.s32 $0x0;
	s20 =	sshll.u32 s5, $0x1;
	s5 =	sadd.s32 s21, s3  }
0x9d: {  	[timem:s7], [sflag:s22] =	dma.local [hbm:s5], s20  }
0x9e: {  	_ =	swait.ge [sflag:s22], s20  }
0x9f: {  	s4 =	ssub.s32 $0x0, s20;
	[sflag:s22] =	ssyncset.done $0x0  }
0xa0: {  	[sflag:s22] =	ssyncadd.s32 s4;
	_ =	sdelay $0x1  }
0xa1: {  	s23 =	simm.s32 $0x1B8B  }
0xa2: {  	_ =	swait.ge [sflag:s23], $0x1  }
0xa3: {  	[sflag:s23] =	ssyncset.done $0x0  }
0xa4: {  	s25 =	simm.s32 $0x1B8E;
	s24 =	sld [smem:$0x3FFE];
	[sflag:s23] =	ssyncadd.s32 $0xFFFFFFFF  }
0xa5: {  	s26 =	simm.s32 $execute0_lowered;
	[smem:$0x3FD2] =	sst s25  }
0xa6: {  	s5 =	sshll.u32 s26, $0x1;
	_ =	strace $0x80000049;
	[dreg:$0x1] =	wrdreg $0xFFFFFFFF  }
0xa7: {  	s28 =	simm.s32 $_size_execute0_lowered;
	s3 =	sadd.s32 s3, s5;
	[dreg:$0x0] =	wrdreg $0x0  }
0xa8: {  	s5 =	sshll.u32 s28, $0x1;
	[dreg:$0x2] =	wrdreg s3  }
0xa9: {  	[dreg:$0x3] =	wrdreg s5  }
0xaa: {  	[dreg:$0x4] =	wrdreg $0xC0  }
0xab: {  	_ =	task [dreg:s7], $0x5FFFF  }
0xac: {  	[dreg:$0x1] =	wrdreg $0xFFFFFFFF  }
0xad: {  	[dreg:$0x0] =	wrdreg $0x60  }
0xae: {  	[dreg:$0x2] =	wrdreg s2  }
0xaf: {  	[dreg:$0x3] =	wrdreg s24  }
0xb0: {  	[dreg:$0x4] =	wrdreg $0xAA000  }
0xb1: {  	[dreg:$0x5] =	wrdreg $0x9  }
0xb2: {  	_ =	task.clear_ibuf [dreg:s7], $0x6FFFF;
	_ =	strace $0x90000049  }
0xb3: {  	s29 =	simm.s32 $0x9;
	_ =	strace $0x8000004B  }
0xb4: {  	_ =	swait.ge [sflag:s29], $0x1  }
0xb5: {  	[sflag:s29] =	ssyncadd.s32 $0xFFFFFFFF  }
0xb6: {  	_ =	strace $0x9000004B  }
0xb7: {  	_ =	sfence  }
0xb8: {  	s30 =	sld [smem:$0x0];
	_ =	sdelay $0x2  }
0xb9: {  	s31 =	sshll.u32 s1, $0xD;
	s1 =	sshrl.u32 s1, $0x2  }
0xba: {  	s3 =	sand.u32 $0x4000, s31;
	s1 =	sadd.s32 s1, s30  }
0xbb: {  	s0 =	sor.u32 s3, s0;
	s1 =	sshll.u32 s1, $0x11  }
0xbc: {  	s0 =	sor.u32 s1, s0  }
0xbd: {  	s0 =	sadd.s32 $0x8F2B, s0  }
0xbe: {  	[sflag:s0] =	ssyncadd.remote.s32 $0x1  }
0xbf: {  	_ =	sfence.sel $0xFFFF  }
0xc0: {  	[dreg:$0x0] =	wrdreg $0xFFFFFFFF;
	(pc) =	sbr.abs _section_cstart, $3  }
0xc1: {  	[dreg:$0x1] =	wrdreg $0xFFFFFFFF  }
0xc2: {  	_ =	task.clear_ibuf [dreg:s7], $0x2FFFF;
	_ =	strace $0x9FFFFFFF  }
0xc3: {  	(tm) =	ssettm $0x7FFFFFFF  }
tec
execute0_lowered:
.L_overlay_start_1:
0x0: {  	(tag) =	ssettag $0x1  }
0x1: {  	s8 =	rddreg [dreg:$0x0]  }
0x2: {  	s6 =	rddreg [dreg:$0x1]  }
0x3: {  	s1 =	rddreg [dreg:$0x2];
	s2 =	simm.s32 $0x0  }
0x4: {  	s5 =	srdreg.scid;
	s3 =	stileid.u32;
	s19 =	simm.s32 $0x2A00  }
0x5: {  	s20 =	simm.s32 $0x1;
	s21 =	simm.s32 $0x2880;
	s22 =	simm.s32 $0x2900  }
0x6: {  	[smem:$0x7FF] =	sst s2;
	s4 =	sadd.s32 $0x1000, s6;
	s9 =	sand.u32 $0x1, s5  }
0x7: {  	s5 =	sadd.s32 $0x29000, s6;
	s10 =	sshll.u32 s3, $0x1;
	s23 =	smul.u32 $0x4E000, s3  }
0x8: {  	s12 =	sadd.s32 $0x2B800, s6;
	s25 =	sshll.u32 s3, $0x6;
	s18 =	smul.u32 $0xFFFFFF60, s3  }
0x9: {  	s16 =	sadd.s32 $0x138000, s1;
	s30 =	smul.u32 $0x13800, s3;
	_ =	strace $0x8000004A  }
0xa: {  	s7 =	ssub.s32 $0x2, s9;
	s17 =	sor.u32 s9, s10;
	s15 =	smul.u32 $0xFFFFFFB0, s9  }
0xb: {  	s6 =	sor.u32 $0x1C03, s25;
	s28 =	smul.u32 $0x138800, s9;
	s25 =	simm.s32 $0x2980  }
0xc: {  	s11 =	sshrl.u32 s7, $0x1;
	s24 =	sshrl.u32 s23, $0x2;
	s26 =	smul.u32 $0x500, s17  }
0xd: {  	p1 =	seq.s32 s17, $0x1F;
	s23 =	simm.s32 $0x6A00;
	s13 =	ssub.s32 s7, s11  }
0xe: {  	s11 =	smul.u32 $0xFFFFFFB0, s17;
	s14 =	sadd.s32 s24, s1;
	s15 =	sadd.s32 s15, s18  }
0xf: {  	s10 =	sshrl.u32 s28, $0x3;
	s17 =	simm.s32 $0x80;
	s18 =	simm.s32 $0x2800  }
0x10: {  	s24 =	simm.s32 $0x2;
	s7 =	sadd.s32 s8, s26;
	s8 =	sadd.s32 $0x9B00, s8  }
0x11: {  	s31 =	sadd.s32 s12, s10;
	s13 =	smax.u32 s13, $0x1;
	p0 =	slt.s32 s11, $0xFFFFF688  }
0x12: {  	s14 =	sshrl.u32 s14, $0x3;
	s11 =	simm.s32 @!p0 $0xFFFFF688;
	p0 =	slt.s32 s15, $0xFFFFF688  }
0x13: {  	s29 =	sadd.s32 $0x9C8, s11;
	s11 =	sadd.s32 s30, s28;
	s15 =	simm.s32 @!p0 $0xFFFFF688  }
0x14: {  	p0 =	sne.s32 s3, $0xF;
	s9 =	sshrl.u32 s29, $0x1;
	s11 =	sshrl.u32 s11, $0x3  }
0x15: {  	s15 =	sadd.s32 $0x9C8, s15;
	s16 =	sshrl.u32 @!p0 s16, $0x3;
	s10 =	sadd.s32 s12, s11  }
0x16: {  	s11 =	sadd.s32 $0x27000, s31;
	s12 =	sshrl.u32 s15, $0x1;
	s15 =	simm.s32 $0x3  }
.LBB2_1:
0x17: {  	[spmem:s14], [sflag:s6] =	dma.local [hbm:s5], $0x2700  }
0x18: {  	_ =	swait.ge [sflag:s15], $0x2700  }
0x19: {  	[sflag:s15] =	ssyncset.done $0x0  }
0x1a: {  	s26 =	simm.s32 @!p0 $0x3;
	[sflag:s15] =	ssyncadd.s32 $0xFFFFD900  }
0x1b: {  	[spmem:s16], [sflag:s6] =	dma.local @!p0 [hbm:s5], $0x100  }
0x1c: {  	_ =	swait.ge @!p0 [sflag:s26], $0x100  }
0x1d: {  	[sflag:s26] =	ssyncset.done @!p0 $0x0  }
0x1e: {  	s28 =	simm.s32 @p1 $0x0;
	[sflag:s26] =	ssyncadd.s32 @!p0 $0xFFFFFF00  }
0x1f: {  	[tilespmem:s28], [sflag:$0x3] =	stream.linear.gather @p1 [hbm4b:s8+s28], $0xC00, $0x38;
	[tilespmem:$0x1E280] =	vst v63  }
0x20: {  	s28 =	simm.s32 @p1 $0x3  }
0x21: {  	_ =	swait.ge @p1 [sflag:s28], $0xC00  }
0x22: {  	[sflag:s28] =	ssyncset.done @p1 $0x0  }
0x23: {  	[sflag:s28] =	ssyncadd.s32 @p1 $0xFFFFF400;
	s28 =	simm.s32 @!p1 $0x0  }
0x24: {  	[tilespmem:s28], [sflag:$0x3] =	stream.linear.gather @!p1 [hbm4b:s7+s28], $0x2800, $0x38;
	[tilespmem:$0x1E280] =	vst v63  }
0x25: {  	s28 =	simm.s32 @!p1 $0x3  }
0x26: {  	_ =	swait.ge @!p1 [sflag:s28], $0x2800  }
0x27: {  	[sflag:s28] =	ssyncset.done @!p1 $0x0  }
0x28: {  	[sflag:s28] =	ssyncadd.s32 @!p1 $0xFFFFD800  }
0x29: {  	[bflag:$0x0] =	sbarrier.arrive $0xFFFF  }
0x2a: {  	v0 =	vld [tilespmem:$0x0]  }
0x2b: {  	v1 =	vld [tilespmem:$0x10]  }
0x2c: {  	v2 =	vld [tilespmem:$0x20]  }
0x2d: {  	v36 =	vld [tilespmem:$0x30]  }
0x2e: {  	v39 =	vld [tilespmem:$0x40]  }
0x2f: {  	v42 =	vld [tilespmem:$0x50];
	v3 =	vand.u32 $0xFFFF, v0  }
0x30: {  	v45 =	vld [tilespmem:$0x60];
	v37 =	vand.u32 $0xFFFF, v1;
	[tilespmem:$0x2800] =	vst v3  }
0x31: {  	v48 =	vld [tilespmem:$0x70];
	v40 =	vand.u32 $0xFFFF, v2;
	[tilespmem:$0x2810] =	vst v37  }
0x32: {  	v43 =	vand.u32 $0xFFFF, v36;
	[tilespmem:$0x2820] =	vst v40  }
0x33: {  	v46 =	vand.u32 $0xFFFF, v39;
	[tilespmem:$0x2830] =	vst v43  }
0x34: {  	v49 =	vand.u32 $0xFFFF, v42;
	[tilespmem:$0x2840] =	vst v46  }
0x35: {  	v51 =	vand.u32 $0xFFFF, v45;
	[tilespmem:$0x2850] =	vst v49  }
0x36: {  	v0 =	vshrl.u32 v0, $0x10;
	v54 =	vand.u32 $0xFFFF, v48;
	[tilespmem:$0x2860] =	vst v51  }
0x37: {  	v1 =	vshrl.u32 v1, $0x10;
	v0 =	vmin.u32 v0, $0x270F;
	[tilespmem:$0x2870] =	vst v54  }
0x38: {  	v2 =	vshrl.u32 v2, $0x10;
	v38 =	vmin.u32 v1, $0x270F;
	[tilespmem:$0x2880] =	vst v0  }
0x39: {  	v52 =	vshrl.u32 v45, $0x10;
	v41 =	vmin.u32 v2, $0x270F;
	[tilespmem:$0x2890] =	vst v38  }
0x3a: {  	v3 =	vshrl.u32 v36, $0x10;
	v53 =	vmin.u32 v52, $0x270F;
	[tilespmem:$0x28A0] =	vst v41  }
0x3b: {  	v1 =	vshrl.u32 v39, $0x10;
	v44 =	vmin.u32 v3, $0x270F;
	[tilespmem:$0x28E0] =	vst v53  }
0x3c: {  	v2 =	vshrl.u32 v42, $0x10;
	v47 =	vmin.u32 v1, $0x270F;
	[tilespmem:$0x28B0] =	vst v44  }
0x3d: {  	v50 =	vmin.u32 v2, $0x270F;
	v1 =	vshrl.u32 v48, $0x10;
	[tilespmem:$0x28C0] =	vst v47  }
0x3e: {  	[tilespmem:$0x28D0] =	vst v50;
	v55 =	vmin.u32 v1, $0x270F  }
0x3f: {  	s28 =	simm.s32 $0xC0;
	[tilespmem:$0x28F0] =	vst v55  }
0x40: {  	[tilespmem:s19], [sflag:$0x1] =	stream.indirect.gather [hbm4b:s4+s17], $0x80, s18, s17, $0xb8;
	[tilespmem:$0x1E280] =	vst v63  }
0x41: {  	v0 =	vld [tilespmem:s28+$0xFFFFFFC0];
	_ =	sdelay $0x4  }
0x42: {  	v56 =	vand.u32 $0xFFFF, v0;
	v0 =	vshrl.u32 v0, $0x10  }
0x43: {  	[tilespmem:$0x2900] =	vst v56;
	v0 =	vmin.u32 v0, $0x270F  }
0x44: {  	[tilespmem:$0x2980] =	vst v0  }
0x45: {  	v0 =	vld [tilespmem:s28+$0xFFFFFFD0];
	_ =	sdelay $0x4  }
0x46: {  	v57 =	vand.u32 $0xFFFF, v0;
	v0 =	vshrl.u32 v0, $0x10  }
0x47: {  	[tilespmem:$0x2910] =	vst v57;
	v0 =	vmin.u32 v0, $0x270F  }
0x48: {  	[tilespmem:$0x2990] =	vst v0  }
0x49: {  	v0 =	vld [tilespmem:s28+$0xFFFFFFE0];
	_ =	sdelay $0x4  }
0x4a: {  	v58 =	vand.u32 $0xFFFF, v0;
	v0 =	vshrl.u32 v0, $0x10  }
0x4b: {  	[tilespmem:$0x2920] =	vst v58;
	v0 =	vmin.u32 v0, $0x270F  }
0x4c: {  	[tilespmem:$0x29A0] =	vst v0  }
0x4d: {  	v0 =	vld [tilespmem:s28+$0xFFFFFFF0];
	_ =	sdelay $0x4  }
0x4e: {  	v59 =	vand.u32 $0xFFFF, v0;
	v0 =	vshrl.u32 v0, $0x10  }
0x4f: {  	[tilespmem:$0x2930] =	vst v59;
	v0 =	vmin.u32 v0, $0x270F  }
0x50: {  	[tilespmem:$0x29B0] =	vst v0  }
0x51: {  	v0 =	vld [tilespmem:s28+$0x0];
	_ =	sdelay $0x4  }
0x52: {  	v60 =	vand.u32 $0xFFFF, v0;
	v0 =	vshrl.u32 v0, $0x10  }
0x53: {  	[tilespmem:$0x2940] =	vst v60;
	v0 =	vmin.u32 v0, $0x270F  }
0x54: {  	[tilespmem:$0x29C0] =	vst v0  }
0x55: {  	v0 =	vld [tilespmem:s28+$0x10];
	_ =	sdelay $0x4  }
0x56: {  	v61 =	vand.u32 $0xFFFF, v0;
	v0 =	vshrl.u32 v0, $0x10  }
0x57: {  	[tilespmem:$0x2950] =	vst v61;
	v0 =	vmin.u32 v0, $0x270F  }
0x58: {  	[tilespmem:$0x29D0] =	vst v0  }
0x59: {  	v0 =	vld [tilespmem:s28+$0x20];
	_ =	sdelay $0x4  }
0x5a: {  	v62 =	vand.u32 $0xFFFF, v0;
	v0 =	vshrl.u32 v0, $0x10  }
0x5b: {  	[tilespmem:$0x2960] =	vst v62;
	v0 =	vmin.u32 v0, $0x270F  }
0x5c: {  	[tilespmem:$0x29E0] =	vst v0  }
0x5d: {  	v0 =	vld [tilespmem:s28+$0x30];
	_ =	sdelay $0x4  }
0x5e: {  	v63 =	vand.u32 $0xFFFF, v0;
	v0 =	vshrl.u32 v0, $0x10  }
0x5f: {  	[tilespmem:$0x2970] =	vst v63;
	v0 =	vmin.u32 v0, $0x270F  }
0x60: {  	[tilespmem:$0x29F0] =	vst v0  }
0x61: {  	_ =	swait.ge [sflag:s20], $0x4000  }
0x62: {  	[sflag:s20] =	ssyncset.done $0x0  }
0x63: {  	[sflag:s20] =	ssyncadd.s32 $0xFFFFC000  }
0x64: {  	[spmem:s1] =	stream.indirect.scatter.add.f32 [tilespmem:s19], [sflag:$0x2], $0x80, s21, s17, $0xb8;
	[tilespmem:$0x1E280] =	vst v63  }
0x65: {  	_ = 	snop  }
0x66: {  	[tilespmem:s23], [sflag:$0x1] =	stream.indirect.gather [hbm4b:s4+s17], $0x80, s22, s17, $0xb8;
	[tilespmem:$0x1E280] =	vst v63  }
0x67: {  	_ =	swait.ge [sflag:s20], $0x4000  }
0x68: {  	[sflag:s20] =	ssyncset.done $0x0  }
0x69: {  	[sflag:s20] =	ssyncadd.s32 $0xFFFFC000  }
0x6a: {  	_ =	swait.ge [sflag:s24], $0x4000  }
0x6b: {  	[sflag:s24] =	ssyncset.done $0x0  }
0x6c: {  	p2 =	sle.u32 s9, $0x1;
	[sflag:s24] =	ssyncadd.s32 $0xFFFFC000  }
0x6d: {  	[spmem:s1] =	stream.indirect.scatter.add.f32 [tilespmem:s23], [sflag:$0x2], $0x80, s25, s17, $0xb8;
	[tilespmem:$0x1E280] =	vst v63  }
0x6e: {  	v0 =	vld @!p2 [tilespmem:s28+$0x40];
	_ =	sdelay $0x4  }
0x6f: {  	v1 =	vand.u32 @!p2 $0xFFFF, v0;
	v0 =	vshrl.u32 @!p2 v0, $0x10  }
0x70: {  	[tilespmem:$0x2800] =	vst @!p2 v1;
	v0 =	vmin.u32 @!p2 v0, $0x270F  }
0x71: {  	[tilespmem:$0x2880] =	vst @!p2 v0  }
0x72: {  	v0 =	vld @!p2 [tilespmem:s28+$0x50];
	_ =	sdelay $0x4  }
0x73: {  	v1 =	vand.u32 @!p2 $0xFFFF, v0;
	v0 =	vshrl.u32 @!p2 v0, $0x10  }
0x74: {  	[tilespmem:$0x2810] =	vst @!p2 v1;
	v0 =	vmin.u32 @!p2 v0, $0x270F  }
0x75: {  	[tilespmem:$0x2890] =	vst @!p2 v0  }
0x76: {  	v0 =	vld @!p2 [tilespmem:s28+$0x60];
	_ =	sdelay $0x4  }
0x77: {  	v1 =	vand.u32 @!p2 $0xFFFF, v0;
	v0 =	vshrl.u32 @!p2 v0, $0x10  }
0x78: {  	[tilespmem:$0x2820] =	vst @!p2 v1;
	v0 =	vmin.u32 @!p2 v0, $0x270F  }
0x79: {  	[tilespmem:$0x28A0] =	vst @!p2 v0  }
0x7a: {  	v0 =	vld @!p2 [tilespmem:s28+$0x70];
	_ =	sdelay $0x4  }
0x7b: {  	v1 =	vand.u32 @!p2 $0xFFFF, v0;
	v0 =	vshrl.u32 @!p2 v0, $0x10  }
0x7c: {  	[tilespmem:$0x2830] =	vst @!p2 v1;
	v0 =	vmin.u32 @!p2 v0, $0x270F  }
0x7d: {  	[tilespmem:$0x28B0] =	vst @!p2 v0  }
0x7e: {  	v0 =	vld @!p2 [tilespmem:s28+$0x80];
	_ =	sdelay $0x4  }
0x7f: {  	v1 =	vand.u32 @!p2 $0xFFFF, v0;
	v0 =	vshrl.u32 @!p2 v0, $0x10  }
0x80: {  	[tilespmem:$0x2840] =	vst @!p2 v1;
	v0 =	vmin.u32 @!p2 v0, $0x270F  }
0x81: {  	[tilespmem:$0x28C0] =	vst @!p2 v0  }
0x82: {  	v0 =	vld @!p2 [tilespmem:s28+$0x90];
	_ =	sdelay $0x4  }
0x83: {  	v1 =	vand.u32 @!p2 $0xFFFF, v0;
	v0 =	vshrl.u32 @!p2 v0, $0x10  }
0x84: {  	[tilespmem:$0x2850] =	vst @!p2 v1;
	v0 =	vmin.u32 @!p2 v0, $0x270F  }
0x85: {  	[tilespmem:$0x28D0] =	vst @!p2 v0  }
0x86: {  	v0 =	vld @!p2 [tilespmem:s28+$0xA0];
	_ =	sdelay $0x4  }
0x87: {  	v1 =	vand.u32 @!p2 $0xFFFF, v0;
	v0 =	vshrl.u32 @!p2 v0, $0x10  }
0x88: {  	[tilespmem:$0x2860] =	vst @!p2 v1;
	v0 =	vmin.u32 @!p2 v0, $0x270F  }
0x89: {  	[tilespmem:$0x28E0] =	vst @!p2 v0  }
0x8a: {  	v0 =	vld @!p2 [tilespmem:s28+$0xB0];
	_ =	sdelay $0x4  }
0x8b: {  	v1 =	vand.u32 @!p2 $0xFFFF, v0;
	v0 =	vshrl.u32 @!p2 v0, $0x10  }
0x8c: {  	[tilespmem:$0x2870] =	vst @!p2 v1;
	v0 =	vmin.u32 @!p2 v0, $0x270F  }
0x8d: {  	s29 =	simm.s32 @!p2 $0x80;
	s30 =	simm.s32 @!p2 $0x2800;
	s31 =	simm.s32 @!p2 $0x2A00;
	[tilespmem:$0x28F0] =	vst @!p2 v0  }
0x8e: {  	[tilespmem:s31], [sflag:$0x1] =	stream.indirect.gather @!p2 [hbm4b:s4+s29], $0x80, s30, s29, $0xb8;
	[tilespmem:$0x1E280] =	vst v63  }
0x8f: {  	p2 =	sne.s32 s12, $0x1  }
.Ltmp0:
0x90: {  	_ = 	snop;
	(pc) =	sbr.rel @!p2 .LBB2_3-.Ltmp0, $3  }
0x91: {  	_ =	sdelay $0x1  }
0x92: {  	_ =	swait.ge [sflag:s24], $0x4000  }
0x93: {  	s29 =	simm.s32 $0x1;
	[sflag:s24] =	ssyncset.done $0x0  }
.LBB2_2:
0x94: {  	s29 =	sadd.s32 $0x1, s29;
	[sflag:s24] =	ssyncadd.s32 $0xFFFFC000;
	s28 =	sadd.s32 $0x100, s28  }
0x95: {  	v0 =	vld [tilespmem:s28+$0xFFFFFFC0];
	p2 =	sne.s32 s12, s29;
	_ =	sdelay $0x4  }
0x96: {  	v1 =	vand.u32 $0xFFFF, v0;
	v0 =	vshrl.u32 v0, $0x10  }
0x97: {  	[tilespmem:$0x2900] =	vst v1;
	v0 =	vmin.u32 v0, $0x270F  }
0x98: {  	[tilespmem:$0x2980] =	vst v0  }
0x99: {  	v0 =	vld [tilespmem:s28+$0xFFFFFFD0];
	_ =	sdelay $0x4  }
0x9a: {  	v1 =	vand.u32 $0xFFFF, v0;
	v0 =	vshrl.u32 v0, $0x10  }
0x9b: {  	[tilespmem:$0x2910] =	vst v1;
	v0 =	vmin.u32 v0, $0x270F  }
0x9c: {  	[tilespmem:$0x2990] =	vst v0  }
0x9d: {  	v0 =	vld [tilespmem:s28+$0xFFFFFFE0];
	_ =	sdelay $0x4  }
0x9e: {  	v1 =	vand.u32 $0xFFFF, v0;
	v0 =	vshrl.u32 v0, $0x10  }
0x9f: {  	[tilespmem:$0x2920] =	vst v1;
	v0 =	vmin.u32 v0, $0x270F  }
0xa0: {  	[tilespmem:$0x29A0] =	vst v0  }
0xa1: {  	v0 =	vld [tilespmem:s28+$0xFFFFFFF0];
	_ =	sdelay $0x4  }
0xa2: {  	v1 =	vand.u32 $0xFFFF, v0;
	v0 =	vshrl.u32 v0, $0x10  }
0xa3: {  	[tilespmem:$0x2930] =	vst v1;
	v0 =	vmin.u32 v0, $0x270F  }
0xa4: {  	[tilespmem:$0x29B0] =	vst v0  }
0xa5: {  	v0 =	vld [tilespmem:s28+$0x0];
	_ =	sdelay $0x4  }
0xa6: {  	v1 =	vand.u32 $0xFFFF, v0;
	v0 =	vshrl.u32 v0, $0x10  }
0xa7: {  	[tilespmem:$0x2940] =	vst v1;
	v0 =	vmin.u32 v0, $0x270F  }
0xa8: {  	[tilespmem:$0x29C0] =	vst v0  }
0xa9: {  	v0 =	vld [tilespmem:s28+$0x10];
	_ =	sdelay $0x4  }
0xaa: {  	v1 =	vand.u32 $0xFFFF, v0;
	v0 =	vshrl.u32 v0, $0x10  }
0xab: {  	[tilespmem:$0x2950] =	vst v1;
	v0 =	vmin.u32 v0, $0x270F  }
0xac: {  	[tilespmem:$0x29D0] =	vst v0  }
0xad: {  	v0 =	vld [tilespmem:s28+$0x20];
	_ =	sdelay $0x4  }
0xae: {  	v1 =	vand.u32 $0xFFFF, v0;
	v0 =	vshrl.u32 v0, $0x10  }
0xaf: {  	[tilespmem:$0x2960] =	vst v1;
	v0 =	vmin.u32 v0, $0x270F  }
0xb0: {  	[tilespmem:$0x29E0] =	vst v0  }
0xb1: {  	v0 =	vld [tilespmem:s28+$0x30];
	_ =	sdelay $0x4  }
0xb2: {  	v1 =	vand.u32 $0xFFFF, v0;
	v0 =	vshrl.u32 v0, $0x10  }
0xb3: {  	[tilespmem:$0x2970] =	vst v1;
	v0 =	vmin.u32 v0, $0x270F  }
0xb4: {  	[tilespmem:$0x29F0] =	vst v0  }
0xb5: {  	_ =	swait.ge [sflag:s20], $0x4000  }
0xb6: {  	[sflag:s20] =	ssyncset.done $0x0  }
0xb7: {  	[sflag:s20] =	ssyncadd.s32 $0xFFFFC000  }
0xb8: {  	[spmem:s1] =	stream.indirect.scatter.add.f32 [tilespmem:s19], [sflag:$0x2], $0x80, s21, s17, $0xb8;
	[tilespmem:$0x1E280] =	vst v63  }
0xb9: {  	_ = 	snop  }
0xba: {  	[tilespmem:s23], [sflag:$0x1] =	stream.indirect.gather [hbm4b:s4+s17], $0x80, s22, s17, $0xb8;
	[tilespmem:$0x1E280] =	vst v63  }
0xbb: {  	_ =	swait.ge [sflag:s20], $0x4000  }
0xbc: {  	[sflag:s20] =	ssyncset.done $0x0  }
0xbd: {  	[sflag:s20] =	ssyncadd.s32 $0xFFFFC000  }
0xbe: {  	_ =	swait.ge [sflag:s24], $0x4000  }
0xbf: {  	[sflag:s24] =	ssyncset.done $0x0  }
0xc0: {  	p3 =	sge.u32 s29, s9;
	[sflag:s24] =	ssyncadd.s32 $0xFFFFC000  }
0xc1: {  	[spmem:s1] =	stream.indirect.scatter.add.f32 [tilespmem:s23], [sflag:$0x2], $0x80, s25, s17, $0xb8;
	[tilespmem:$0x1E280] =	vst v63  }
0xc2: {  	v0 =	vld @!p3 [tilespmem:s28+$0x40];
	_ =	sdelay $0x4  }
0xc3: {  	v1 =	vand.u32 @!p3 $0xFFFF, v0;
	v0 =	vshrl.u32 @!p3 v0, $0x10  }
0xc4: {  	[tilespmem:$0x2800] =	vst @!p3 v1;
	v0 =	vmin.u32 @!p3 v0, $0x270F  }
0xc5: {  	[tilespmem:$0x2880] =	vst @!p3 v0  }
0xc6: {  	v0 =	vld @!p3 [tilespmem:s28+$0x50];
	_ =	sdelay $0x4  }
0xc7: {  	v1 =	vand.u32 @!p3 $0xFFFF, v0;
	v0 =	vshrl.u32 @!p3 v0, $0x10  }
0xc8: {  	[tilespmem:$0x2810] =	vst @!p3 v1;
	v0 =	vmin.u32 @!p3 v0, $0x270F  }
0xc9: {  	[tilespmem:$0x2890] =	vst @!p3 v0  }
0xca: {  	v0 =	vld @!p3 [tilespmem:s28+$0x60];
	_ =	sdelay $0x4  }
0xcb: {  	v1 =	vand.u32 @!p3 $0xFFFF, v0;
	v0 =	vshrl.u32 @!p3 v0, $0x10  }
0xcc: {  	[tilespmem:$0x2820] =	vst @!p3 v1;
	v0 =	vmin.u32 @!p3 v0, $0x270F  }
0xcd: {  	[tilespmem:$0x28A0] =	vst @!p3 v0  }
0xce: {  	v0 =	vld @!p3 [tilespmem:s28+$0x70];
	_ =	sdelay $0x4  }
0xcf: {  	v1 =	vand.u32 @!p3 $0xFFFF, v0;
	v0 =	vshrl.u32 @!p3 v0, $0x10  }
0xd0: {  	[tilespmem:$0x2830] =	vst @!p3 v1;
	v0 =	vmin.u32 @!p3 v0, $0x270F  }
0xd1: {  	[tilespmem:$0x28B0] =	vst @!p3 v0  }
0xd2: {  	v0 =	vld @!p3 [tilespmem:s28+$0x80];
	_ =	sdelay $0x4  }
0xd3: {  	v1 =	vand.u32 @!p3 $0xFFFF, v0;
	v0 =	vshrl.u32 @!p3 v0, $0x10  }
0xd4: {  	[tilespmem:$0x2840] =	vst @!p3 v1;
	v0 =	vmin.u32 @!p3 v0, $0x270F  }
0xd5: {  	[tilespmem:$0x28C0] =	vst @!p3 v0  }
0xd6: {  	v0 =	vld @!p3 [tilespmem:s28+$0x90];
	_ =	sdelay $0x4  }
0xd7: {  	v1 =	vand.u32 @!p3 $0xFFFF, v0;
	v0 =	vshrl.u32 @!p3 v0, $0x10  }
0xd8: {  	[tilespmem:$0x2850] =	vst @!p3 v1;
	v0 =	vmin.u32 @!p3 v0, $0x270F  }
0xd9: {  	[tilespmem:$0x28D0] =	vst @!p3 v0  }
0xda: {  	v0 =	vld @!p3 [tilespmem:s28+$0xA0];
	_ =	sdelay $0x4  }
0xdb: {  	v1 =	vand.u32 @!p3 $0xFFFF, v0;
	v0 =	vshrl.u32 @!p3 v0, $0x10  }
0xdc: {  	[tilespmem:$0x2860] =	vst @!p3 v1;
	v0 =	vmin.u32 @!p3 v0, $0x270F  }
0xdd: {  	[tilespmem:$0x28E0] =	vst @!p3 v0  }
0xde: {  	v0 =	vld @!p3 [tilespmem:s28+$0xB0];
	_ =	sdelay $0x4  }
0xdf: {  	v1 =	vand.u32 @!p3 $0xFFFF, v0;
	v0 =	vshrl.u32 @!p3 v0, $0x10  }
.Ltmp1:
0xe0: {  	[tilespmem:$0x2870] =	vst @!p3 v1;
	v0 =	vmin.u32 @!p3 v0, $0x270F;
	(pc) =	sbr.rel @p2 .LBB2_2-.Ltmp1, $4  }
0xe1: {  	s30 =	simm.s32 @!p3 $0x80;
	s31 =	simm.s32 @!p3 $0x2800;
	s0 =	simm.s32 @!p3 $0x2A00;
	[tilespmem:$0x28F0] =	vst @!p3 v0  }
0xe2: {  	[tilespmem:s0], [sflag:$0x1] =	stream.indirect.gather @!p3 [hbm4b:s4+s30], $0x80, s31, s30, $0xb8;
	[tilespmem:$0x1E280] =	vst v63  }
0xe3: {  	_ =	swait.ge [sflag:s24], $0x4000  }
0xe4: {  	[sflag:s24] =	ssyncset.done $0x0  }
.LBB2_3:
0xe5: {  	[sflag:s24] =	ssyncadd.s32 $0xFFFFC000  }
0xe6: {  	[bflag:$0x0] =	sbarrier.arrive $0xFFFF  }
0xe7: {  	[hbm:s10], [sflag:s6] =	dma.local [spmem:s14], $0x2700  }
0xe8: {  	s2 =	sadd.s32 $0x1, s2;
	_ =	swait.ge [sflag:s15], $0x2700  }
0xe9: {  	p2 =	sne.s32 s2, s13;
	[sflag:s15] =	ssyncset.done $0x0  }
.Ltmp2:
0xea: {  	[sflag:s15] =	ssyncadd.s32 $0xFFFFD900;
	(pc) =	sbr.rel @p2 .LBB2_1-.Ltmp2, $4  }
0xeb: {  	[hbm:s11], [sflag:s6] =	dma.local @!p0 [spmem:s16], $0x100  }
0xec: {  	_ =	swait.ge @!p0 [sflag:s26], $0x100  }
0xed: {  	[sflag:s26] =	ssyncset.done @!p0 $0x0  }
0xee: {  	[sflag:s26] =	ssyncadd.s32 @!p0 $0xFFFFFF00  }
0xef: {  	_ =	sfence.sel $0x180000  }
0xf0: {  	[bflag:$0x0] =	sbarrier.arrive $0xFFFF  }
0xf1: {  	_ =	strace $0x9000004A  }
0xf2: {  	[bflag:$0x2] =	sbarrier.arrive $0xFFFF  }
0xf3: {  	p0 =	sne.s32 s3, $0x0;
	s0 =	rddreg [dreg:$0x3]  }
0xf4: {  	s0 =	sadd.s32 @!p0 $0x100000, s0  }
0xf5: {  	[sflag:s0] =	ssyncadd.tile.s32 @!p0 $0x1;
	_ =	shalt  }
.Lfunc_end2:
_tile_overlayer_lowered:
.L_overlay_start_2:
0xf6: {  	(tag) =	ssettag $0x2  }
0xf7: {  	s0 =	rddreg [dreg:$0x0];
	s2 =	stileid.u32  }
0xf8: {  	s1 =	rddreg [dreg:$0x1];
	p0 =	sne.s32 s2, $0x0  }
0xf9: {  	s3 =	rddreg [dreg:$0x2];
	[bflag:$0x3] =	sbarrier.arrive $0xFFFF;
	s2 =	simm.s32 @!p0 $0x1C03  }
0xfa: {  	[timem:s3], [sflag:s2] =	dma.local @!p0 [hbm:s0], s1  }
0xfb: {  	s0 =	simm.s32 @!p0 $0x3  }
0xfc: {  	_ =	swait.ge @!p0 [sflag:s0], s1  }
0xfd: {  	s1 =	ssub.s32 @!p0 $0x0, s1;
	[sflag:s0] =	ssyncset.done @!p0 $0x0  }
0xfe: {  	[sflag:s0] =	ssyncadd.s32 @!p0 s1  }
0xff: {  	[bflag:$0x3] =	sbarrier.arrive $0xFFFF  }
0x100: {  	_ =	shalt  }

// kernel: kernel.7.cloned.1.call-start
scs
__scs_entry_jumppad:
0x0: {  	(pc) =	sbr.rel $0x88, $3  }
0x1: {  	(tag) =	ssettag $0x0;
	lr =	simm.s32 $0x1  }
0x2: {  	[smem:$0x3F9D] =	sst lr;
	_ =	strace $0xD0000000  }
0x3: {  	_ = 	snop  }
0x4: {  	_ = 	snop  }
0x5: {  	_ = 	snop  }
0x6: {  	_ = 	snop  }
0x7: {  	_ = 	snop  }
__scs_overlays_trampoline_lowered:
0x8: {  	[smem:$0x3FAC] =	sst s0  }
0x9: {  	[smem:$0x3FAD] =	sst s1  }
0xa: {  	[smem:$0x3FAE] =	sst s2  }
0xb: {  	[smem:$0x3FAF] =	sst s3  }
0xc: {  	[smem:$0x3FB0] =	sst s4  }
0xd: {  	[smem:$0x3FB1] =	sst s5  }
0xe: {  	[smem:$0x3FB2] =	sst s6  }
0xf: {  	[smem:$0x3FB3] =	sst s7  }
0x10: {  	[smem:$0x3FB4] =	sst s8  }
0x11: {  	[smem:$0x3FB5] =	sst s9;
	s0 =	simm.s32 @!p0 $0x0  }
0x12: {  	s1 =	sld [smem:$0x3F9B];
	s0 =	simm.s32 @p0 $0x1  }
0x13: {  	[smem:$0x3FB6] =	sst s0;
	s0 =	simm.s32 @!p1 $0x0  }
0x14: {  	s2 =	sld [smem:$0x3F9A];
	s0 =	simm.s32 @p1 $0x1  }
0x15: {  	[smem:$0x3FB7] =	sst s0;
	s0 =	simm.s32 @!p2 $0x0  }
0x16: {  	s3 =	sld [smem:$0x3FDB];
	s0 =	simm.s32 @p2 $0x1  }
0x17: {  	s4 =	simm.s32 $0x1BF5;
	[smem:$0x3FB9] =	sst s0  }
0x18: {  	s0 =	sld [smem:$0x3F9C];
	_ =	swait.ge [sflag:s4], $0x0  }
0x19: {  	s7 =	sld [smem:$0x3F9D]  }
0x1a: {  	s8 =	sadd.s32 $0xFFFFE003, lr  }
0x1b: {  	s9 =	sadd.s32 $0xFFFFFEF7, lr;
	s5 =	simm.s32 $0xFFFFFFFF;
	p2 =	slt.u32 s8, $0xFFFFF086  }
0x1c: {  	p1 =	slt.u32 s9, $0xF7A;
	s5 =	simm.s32 @!p2 $0x0  }
0x1d: {  	s5 =	simm.s32 @p1 $0x1;
	p0 =	seq.s32 s7, s2  }
0x1e: {  	s7 =	smul.u32 @!p0 $0xF7A, s2;
	p2 =	seq.s32 @!p0 s5, $0x0  }
0x1f: {  	s9 =	smul.u32 $0xF7A, s1;
	s8 =	simm.s32 @!p0 $0x1BF5;
	p2 =	por !p2, p0  }
0x20: {  	[sflag:s8] =	ssyncset.s32 @!p0 $0xFFFFF086;
	s6 =	sadd.s32 @!p0 s3, s7;
	s7 =	simm.s32 @!p0 $0x108  }
0x21: {  	s3 =	sadd.s32 s3, s9;
	s6 =	sadd.s32 @!p0 $0x88, s6;
	s7 =	simm.s32 @p2 $0x1082  }
0x22: {  	[simem:s7], [sflag:s8] =	dma.local @!p0 [hbm:s6], $0xF7A  }
0x23: {  	s9 =	sor.u32 $0xD0000000, s2;
	s6 =	simm.s32 $0x108;
	_ =	swait.ge @!p0 [sflag:s8], $0x0  }
0x24: {  	s3 =	sadd.s32 $0x88, s3;
	s6 =	simm.s32 @!p1 $0x1082;
	[sflag:s4] =	ssyncset.s32 $0xFFFFF086  }
0x25: {  	[simem:s6], [sflag:s4] =	dma.local [hbm:s3], $0xF7A  }
0x26: {  	[smem:$0x3F9D] =	sst s1;
	(tag) =	ssettag s2;
	_ =	strace s9  }
0x27: {  	s1 =	sld [smem:$0x3FAD]  }
0x28: {  	s2 =	sld [smem:$0x3FAE]  }
0x29: {  	s4 =	sld [smem:$0x3FB0]  }
0x2a: {  	p0 =	seq.s32 s5, $0x0;
	s5 =	sld [smem:$0x3FB1]  }
0x2b: {  	s6 =	sld [smem:$0x3FB2]  }
0x2c: {  	s7 =	sld [smem:$0x3FB3]  }
0x2d: {  	s3 =	simm.s32 $0x108;
	s8 =	sld [smem:$0x3FB4]  }
0x2e: {  	s3 =	simm.s32 @!p0 $0x1082;
	s9 =	sld [smem:$0x3FB5]  }
0x2f: {  	lr =	sadd.s32 s0, s3;
	s0 =	sld [smem:$0x3FAC]  }
0x30: {  	s3 =	sld [smem:$0x3FAF]  }
0x31: {  	[smem:$0x3FB8] =	sst s10  }
0x32: {  	s10 =	sld [smem:$0x3FB6];
	_ =	sdelay $0x3  }
0x33: {  	p0 =	seq.s32 s10, $0x1;
	s10 =	sld [smem:$0x3FB8];
	_ =	sdelay $0x3  }
0x34: {  	[smem:$0x3FB8] =	sst s10  }
0x35: {  	s10 =	sld [smem:$0x3FB7];
	_ =	sdelay $0x3  }
0x36: {  	p1 =	seq.s32 s10, $0x1;
	s10 =	sld [smem:$0x3FB8];
	_ =	sdelay $0x3  }
0x37: {  	[smem:$0x3FB8] =	sst s10  }
0x38: {  	s10 =	sld [smem:$0x3FB9]  }
0x39: {  	_ = 	snop;
	(pc) =	sbr.ind lr, $3  }
0x3a: {  	_ = 	snop  }
0x3b: {  	_ = 	snop  }
0x3c: {  	p2 =	seq.s32 s10, $0x1;
	s10 =	sld [smem:$0x3FB8]  }
0x3d: {  	_ =	shalt  }
0x3e: {  	_ =	shalt  }
0x3f: {  	_ =	shalt  }
0x40: {  	_ =	shalt  }
0x41: {  	_ =	shalt  }
0x42: {  	_ =	shalt  }
0x43: {  	_ =	shalt  }
0x44: {  	_ =	shalt  }
0x45: {  	_ =	shalt  }
0x46: {  	_ =	shalt  }
0x47: {  	_ =	shalt  }
0x48: {  	_ =	shalt  }
0x49: {  	_ =	shalt  }
0x4a: {  	_ =	shalt  }
0x4b: {  	_ =	shalt  }
0x4c: {  	_ =	shalt  }
0x4d: {  	_ =	shalt  }
0x4e: {  	_ =	shalt  }
0x4f: {  	_ =	shalt  }
0x50: {  	_ =	shalt  }
0x51: {  	_ =	shalt  }
0x52: {  	_ =	shalt  }
0x53: {  	_ =	shalt  }
0x54: {  	_ =	shalt  }
0x55: {  	_ =	shalt  }
0x56: {  	_ =	shalt  }
0x57: {  	_ =	shalt  }
0x58: {  	_ =	shalt  }
0x59: {  	_ =	shalt  }
0x5a: {  	_ =	shalt  }
0x5b: {  	_ =	shalt  }
0x5c: {  	_ =	shalt  }
0x5d: {  	_ =	shalt  }
0x5e: {  	_ =	shalt  }
0x5f: {  	_ =	shalt  }
0x60: {  	_ =	shalt  }
0x61: {  	_ =	shalt  }
0x62: {  	_ =	shalt  }
0x63: {  	_ =	shalt  }
0x64: {  	_ =	shalt  }
0x65: {  	_ =	shalt  }
0x66: {  	_ =	shalt  }
0x67: {  	_ =	shalt  }
0x68: {  	_ =	shalt  }
0x69: {  	_ =	shalt  }
0x6a: {  	_ =	shalt  }
0x6b: {  	_ =	shalt  }
0x6c: {  	_ =	shalt  }
0x6d: {  	_ =	shalt  }
0x6e: {  	_ =	shalt  }
0x6f: {  	_ =	shalt  }
0x70: {  	_ =	shalt  }
0x71: {  	_ =	shalt  }
0x72: {  	_ =	shalt  }
0x73: {  	_ =	shalt  }
0x74: {  	_ =	shalt  }
0x75: {  	_ =	shalt  }
0x76: {  	_ =	shalt  }
0x77: {  	_ =	shalt  }
0x78: {  	_ =	shalt  }
0x79: {  	_ =	shalt  }
0x7a: {  	_ =	shalt  }
0x7b: {  	_ =	shalt  }
0x7c: {  	_ =	shalt  }
0x7d: {  	_ =	shalt  }
0x7e: {  	_ =	shalt  }
0x7f: {  	_ =	shalt  }
0x80: {  	_ =	shalt  }
0x81: {  	_ =	shalt  }
0x82: {  	_ =	shalt  }
0x83: {  	_ =	shalt  }
0x84: {  	_ =	shalt  }
0x85: {  	_ =	shalt  }
0x86: {  	_ =	shalt  }
0x87: {  	_ =	shalt  }
.Lfunc_end0:
.L_simem_size_0:
called_computation_lowered:
.L_overlay_start_0:
0x88: {  	s2 =	sld [smem:$0x3FD9]  }
0x89: {  	s3 =	sld [smem:$0x3FFE];
	_ =	sdelay $0x1  }
0x8a: {  	s1 =	srdreg.scid  }
0x8b: {  	s0 =	sand.u32 $0x1, s1  }
0x8c: {  	s17 =	sshll.u32 s0, $0xA;
	s2 =	sadd.s32 s3, s2  }
0x8d: {  	s2 =	sadd.s32 s2, s17  }
0x8e: {  	[smem:$0x3FC4] =	sst s2  }
0x8f: {  	_ = 	snop  }
0x90: {  	s2 =	sld [smem:$0x3FD0];
	(tm) =	ssettm $0x1  }
0x91: {  	s18 =	sld [smem:$0x3FFB];
	_ =	sdelay $0x3  }
0x92: {  	_ =	strace s18  }
0x93: {  	s3 =	sld [smem:$0x3FFC];
	_ =	sdelay $0x3  }
0x94: {  	_ =	strace s3  }
0x95: {  	s3 =	sld [smem:$0x3FFD];
	_ =	sdelay $0x3  }
0x96: {  	_ =	strace s3  }
0x97: {  	_ =	strace $0x8FFFFFFF  }
0x98: {  	s19 =	sld [smem:$0x3FDB];
	_ =	sdelay $0x1  }
0x99: {  	s4 =	simm.s32 $_scs_section_size  }
0x9a: {  	s5 =	simm.s32 $_size__tile_overlayer_lowered;
	s6 =	simm.s32 $_tile_overlayer_lowered  }
0x9b: {  	s22 =	simm.s32 $0x1BFF;
	s21 =	sshll.u32 s6, $0x1;
	s3 =	sadd.s32 s4, s19  }
0x9c: {  	s7 =	simm.s32 $0x0;
	s20 =	sshll.u32 s5, $0x1;
	s5 =	sadd.s32 s21, s3  }
0x9d: {  	[timem:s7], [sflag:s22] =	dma.local [hbm:s5], s20  }
0x9e: {  	_ =	swait.ge [sflag:s22], s20  }
0x9f: {  	s4 =	ssub.s32 $0x0, s20;
	[sflag:s22] =	ssyncset.done $0x0  }
0xa0: {  	[sflag:s22] =	ssyncadd.s32 s4;
	_ =	sdelay $0x1  }
0xa1: {  	s23 =	simm.s32 $0x1B8B  }
0xa2: {  	_ =	swait.ge [sflag:s23], $0x1  }
0xa3: {  	[sflag:s23] =	ssyncset.done $0x0  }
0xa4: {  	s25 =	simm.s32 $0x1B8E;
	s24 =	sld [smem:$0x3FFE];
	[sflag:s23] =	ssyncadd.s32 $0xFFFFFFFF  }
0xa5: {  	s26 =	simm.s32 $execute0_lowered;
	[smem:$0x3FD2] =	sst s25  }
0xa6: {  	s5 =	sshll.u32 s26, $0x1;
	_ =	strace $0x80000046;
	[dreg:$0x1] =	wrdreg $0xFFFFFFFF  }
0xa7: {  	s28 =	simm.s32 $_size_execute0_lowered;
	s3 =	sadd.s32 s3, s5;
	[dreg:$0x0] =	wrdreg $0x0  }
0xa8: {  	s5 =	sshll.u32 s28, $0x1;
	[dreg:$0x2] =	wrdreg s3  }
0xa9: {  	[dreg:$0x3] =	wrdreg s5  }
0xaa: {  	[dreg:$0x4] =	wrdreg $0xC0  }
0xab: {  	_ =	task [dreg:s7], $0x5FFFF  }
0xac: {  	[dreg:$0x1] =	wrdreg $0xFFFFFFFF  }
0xad: {  	[dreg:$0x0] =	wrdreg $0x60  }
0xae: {  	[dreg:$0x2] =	wrdreg s2  }
0xaf: {  	[dreg:$0x3] =	wrdreg s24  }
0xb0: {  	[dreg:$0x4] =	wrdreg $0x78800  }
0xb1: {  	[dreg:$0x5] =	wrdreg $0x7B000  }
0xb2: {  	[dreg:$0x6] =	wrdreg $0x9  }
0xb3: {  	_ =	task.clear_ibuf [dreg:s7], $0x7FFFF;
	_ =	strace $0x90000046  }
0xb4: {  	s29 =	simm.s32 $0x9;
	_ =	strace $0x80000048  }
0xb5: {  	_ =	swait.ge [sflag:s29], $0x1  }
0xb6: {  	[sflag:s29] =	ssyncadd.s32 $0xFFFFFFFF  }
0xb7: {  	_ =	strace $0x90000048  }
0xb8: {  	_ =	sfence  }
0xb9: {  	s30 =	sld [smem:$0x0];
	_ =	sdelay $0x2  }
0xba: {  	s31 =	sshll.u32 s1, $0xD;
	s1 =	sshrl.u32 s1, $0x2  }
0xbb: {  	s3 =	sand.u32 $0x4000, s31;
	s1 =	sadd.s32 s1, s30  }
0xbc: {  	s0 =	sor.u32 s3, s0;
	s1 =	sshll.u32 s1, $0x11  }
0xbd: {  	s0 =	sor.u32 s1, s0  }
0xbe: {  	s0 =	sadd.s32 $0x8F2B, s0  }
0xbf: {  	[sflag:s0] =	ssyncadd.remote.s32 $0x1  }
0xc0: {  	_ =	sfence.sel $0xFFFF  }
0xc1: {  	[dreg:$0x0] =	wrdreg $0xFFFFFFFF;
	(pc) =	sbr.abs _section_cstart, $3  }
0xc2: {  	[dreg:$0x1] =	wrdreg $0xFFFFFFFF  }
0xc3: {  	_ =	task.clear_ibuf [dreg:s7], $0x2FFFF;
	_ =	strace $0x9FFFFFFF  }
0xc4: {  	(tm) =	ssettm $0x7FFFFFFF  }
0xc5: {  	_ =	shalt  }
tec
execute0_lowered:
.L_overlay_start_1:
0x0: {  	(tag) =	ssettag $0x1  }
0x1: {  	s8 =	rddreg [dreg:$0x0]  }
0x2: {  	s7 =	rddreg [dreg:$0x1]  }
0x3: {  	s1 =	rddreg [dreg:$0x2]  }
0x4: {  	s2 =	rddreg [dreg:$0x3]  }
0x5: {  	s0 =	rddreg [dreg:$0x4]  }
0x6: {  	s4 =	simm.s32 $0x0;
	s5 =	srdreg.scid;
	s3 =	stileid.u32  }
0x7: {  	s15 =	simm.s32 $0x5000;
	s20 =	simm.s32 $0x50;
	s21 =	simm.s32 $0x0  }
0x8: {  	[smem:$0x7FF] =	sst s4;
	s9 =	sand.u32 $0x1, s5;
	s5 =	sadd.s32 $0x1200, s7  }
0x9: {  	s11 =	sshll.u32 s3, $0x1;
	s6 =	sadd.s32 $0x1000, s7;
	s12 =	sshll.u32 s3, $0xA  }
0xa: {  	_ =	strace $0x80000047;
	s10 =	smul.u32 $0x5000, s9;
	s19 =	sor.u32 s9, s11  }
0xb: {  	s9 =	ssub.s32 $0x2, s9;
	s17 =	sadd.s32 s12, s1;
	s13 =	smul.u32 $0xFFFFFFB0, s19  }
0xc: {  	s18 =	sadd.s32 s12, s2;
	s31 =	sshrl.u32 s9, $0x1;
	s14 =	smul.u32 $0x500, s19  }
0xd: {  	p1 =	seq.s32 s19, $0x1F;
	s19 =	simm.s32 $0x7800;
	s10 =	sadd.s32 s12, s10  }
0xe: {  	s11 =	ssub.s32 s9, s31;
	s10 =	sshrl.u32 s10, $0x3;
	p0 =	slt.s32 s13, $0xFFFFF688  }
0xf: {  	s11 =	smax.u32 s11, $0x1;
	s10 =	sadd.s32 s10, s7;
	s7 =	sadd.s32 s8, s14  }
0x10: {  	s8 =	sadd.s32 $0x9B00, s8;
	s13 =	simm.s32 @!p0 $0xFFFFF688;
	p0 =	sgt.u32 s3, $0x9  }
0x11: {  	s14 =	simm.s32 $0x1;
	s9 =	sadd.s32 $0x1800, s10;
	s10 =	sadd.s32 $0x1D00, s10  }
0x12: {  	s12 =	sadd.s32 $0x9C7, s13;
	s13 =	simm.s32 $0x2800;
	s16 =	sshll.u32 @!p0 s3, $0x6  }
0x13: {  	v0 =	vimm.f32 $1.000000000e+00;
	s17 =	sshrl.u32 @!p0 s17, $0x3;
	s18 =	sshrl.u32 @!p0 s18, $0x3;
	s16 =	sor.u32 @!p0 $0x1C01, s16  }
.LBB2_1:
0x14: {  	[tilespmem:s13], [sflag:$0x1] =	stream.linear.gather [hbm4b:s5+s4], $0x2800, $0x38;
	[tilespmem:$0x7D80] =	vst v63  }
0x15: {  	_ =	swait.ge [sflag:s14], $0x2800  }
0x16: {  	[sflag:s14] =	ssyncset.done $0x0  }
0x17: {  	[sflag:s14] =	ssyncadd.s32 $0xFFFFD800  }
0x18: {  	[tilespmem:s15], [sflag:$0x1] =	stream.linear.gather [hbm4b:s5+s4], $0x2800, $0x38;
	[tilespmem:$0x7D80] =	vst v63  }
0x19: {  	_ =	swait.ge [sflag:s14], $0x2800  }
0x1a: {  	[sflag:s14] =	ssyncset.done $0x0  }
0x1b: {  	s22 =	simm.s32 @!p0 $0x1;
	[sflag:s14] =	ssyncadd.s32 $0xFFFFD800  }
0x1c: {  	[spmem:s17], [sflag:s16] =	dma.local @!p0 [hbm:s5], $0x80  }
0x1d: {  	_ =	swait.ge @!p0 [sflag:s22], $0x80  }
0x1e: {  	[sflag:s22] =	ssyncset.done @!p0 $0x0  }
0x1f: {  	[sflag:s22] =	ssyncadd.s32 @!p0 $0xFFFFFF80  }
0x20: {  	[spmem:s18], [sflag:s16] =	dma.local @!p0 [hbm:s5], $0x80  }
0x21: {  	_ =	swait.ge @!p0 [sflag:s22], $0x80  }
0x22: {  	[sflag:s22] =	ssyncset.done @!p0 $0x0  }
0x23: {  	[sflag:s22] =	ssyncadd.s32 @!p0 $0xFFFFFF80  }
0x24: {  	[tilespmem:s19], [sflag:$0x1] =	stream.linear.gather [hbm4b:s6+s4], $0x80, $0x38;
	[tilespmem:$0x7D80] =	vst v63  }
0x25: {  	_ =	swait.ge [sflag:s14], $0x80  }
0x26: {  	[sflag:s14] =	ssyncset.done $0x0  }
0x27: {  	s22 =	simm.s32 @p1 $0x0;
	[sflag:s14] =	ssyncadd.s32 $0xFFFFFF80  }
0x28: {  	[tilespmem:s22], [sflag:$0x1] =	stream.linear.gather @p1 [hbm4b:s8+s22], $0xC00, $0x38;
	[tilespmem:$0x7D80] =	vst v63  }
0x29: {  	s22 =	simm.s32 @p1 $0x1  }
0x2a: {  	_ =	swait.ge @p1 [sflag:s22], $0xC00  }
0x2b: {  	[sflag:s22] =	ssyncset.done @p1 $0x0  }
0x2c: {  	[sflag:s22] =	ssyncadd.s32 @p1 $0xFFFFF400;
	s22 =	simm.s32 @!p1 $0x0  }
0x2d: {  	[tilespmem:s22], [sflag:$0x1] =	stream.linear.gather @!p1 [hbm4b:s7+s22], $0x2800, $0x38;
	[tilespmem:$0x7D80] =	vst v63  }
0x2e: {  	s22 =	simm.s32 @!p1 $0x1  }
0x2f: {  	_ =	swait.ge @!p1 [sflag:s22], $0x2800  }
0x30: {  	[sflag:s22] =	ssyncset.done @!p1 $0x0  }
0x31: {  	[sflag:s22] =	ssyncadd.s32 @!p1 $0xFFFFD800  }
0x32: {  	s23 =	simm.s32 $0x40;
	s22 =	simm.s32 $0xFFFFFFFF;
	[bflag:$0x0] =	sbarrier.arrive $0xFFFF  }
.LBB2_2:
0x33: {  	v1 =	vld [tilespmem:s23+$0xFFFFFFC0];
	_ =	sdelay $0x4  }
0x34: {  	v2 =	vand.u32 $0xFFFF, v1  }
0x35: {  	v1 =	vshrl.u32 v1, $0x10;
	_ =	sdelay $0x3  }
0x36: {  	[tilespmem:v2+s13+$0x0] =	vst.idx.add.f32.msk $0xffff, v0  }
0x37: {  	[tilespmem:v1+s15+$0x0] =	vst.idx.add.f32.msk $0xffff, v0  }
0x38: {  	v1 =	vld [tilespmem:s23+$0xFFFFFFD0];
	_ =	sdelay $0x4  }
0x39: {  	v2 =	vand.u32 $0xFFFF, v1  }
0x3a: {  	v1 =	vshrl.u32 v1, $0x10;
	_ =	sdelay $0x3  }
0x3b: {  	[tilespmem:v2+s13+$0x0] =	vst.idx.add.f32.msk $0xffff, v0  }
0x3c: {  	[tilespmem:v1+s15+$0x0] =	vst.idx.add.f32.msk $0xffff, v0  }
0x3d: {  	v1 =	vld [tilespmem:s23+$0xFFFFFFE0];
	_ =	sdelay $0x4  }
0x3e: {  	v2 =	vand.u32 $0xFFFF, v1  }
0x3f: {  	v1 =	vshrl.u32 v1, $0x10;
	_ =	sdelay $0x3  }
0x40: {  	[tilespmem:v2+s13+$0x0] =	vst.idx.add.f32.msk $0xffff, v0  }
0x41: {  	[tilespmem:v1+s15+$0x0] =	vst.idx.add.f32.msk $0xffff, v0  }
0x42: {  	v1 =	vld [tilespmem:s23+$0xFFFFFFF0];
	_ =	sdelay $0x4  }
0x43: {  	v2 =	vand.u32 $0xFFFF, v1  }
0x44: {  	v1 =	vshrl.u32 v1, $0x10;
	_ =	sdelay $0x3  }
0x45: {  	[tilespmem:v2+s13+$0x0] =	vst.idx.add.f32.msk $0xffff, v0  }
0x46: {  	[tilespmem:v1+s15+$0x0] =	vst.idx.add.f32.msk $0xffff, v0  }
0x47: {  	v1 =	vld [tilespmem:s23+$0x0];
	_ =	sdelay $0x4  }
0x48: {  	v2 =	vand.u32 $0xFFFF, v1  }
0x49: {  	v1 =	vshrl.u32 v1, $0x10;
	_ =	sdelay $0x3  }
0x4a: {  	[tilespmem:v2+s13+$0x0] =	vst.idx.add.f32.msk $0xffff, v0  }
0x4b: {  	[tilespmem:v1+s15+$0x0] =	vst.idx.add.f32.msk $0xffff, v0  }
0x4c: {  	v1 =	vld [tilespmem:s23+$0x10];
	_ =	sdelay $0x4  }
0x4d: {  	v2 =	vand.u32 $0xFFFF, v1  }
0x4e: {  	v1 =	vshrl.u32 v1, $0x10;
	_ =	sdelay $0x3  }
0x4f: {  	[tilespmem:v2+s13+$0x0] =	vst.idx.add.f32.msk $0xffff, v0  }
0x50: {  	[tilespmem:v1+s15+$0x0] =	vst.idx.add.f32.msk $0xffff, v0  }
0x51: {  	v1 =	vld [tilespmem:s23+$0x20];
	_ =	sdelay $0x4  }
0x52: {  	v2 =	vand.u32 $0xFFFF, v1  }
0x53: {  	v1 =	vshrl.u32 v1, $0x10;
	_ =	sdelay $0x3  }
0x54: {  	[tilespmem:v2+s13+$0x0] =	vst.idx.add.f32.msk $0xffff, v0  }
0x55: {  	[tilespmem:v1+s15+$0x0] =	vst.idx.add.f32.msk $0xffff, v0  }
0x56: {  	v1 =	vld [tilespmem:s23+$0x30];
	_ =	sdelay $0x4  }
0x57: {  	s22 =	sadd.s32 $0x1, s22;
	v2 =	vand.u32 $0xFFFF, v1  }
0x58: {  	p2 =	slt.u32 s22, s12;
	v1 =	vshrl.u32 v1, $0x10  }
.Ltmp0:
0x59: {  	_ = 	snop;
	(pc) =	sbr.rel @p2 .LBB2_2-.Ltmp0, $3  }
0x5a: {  	_ =	sdelay $0x1  }
0x5b: {  	[tilespmem:v2+s13+$0x0] =	vst.idx.add.f32.msk $0xffff, v0  }
0x5c: {  	s23 =	sadd.s32 $0x80, s23;
	[tilespmem:v1+s15+$0x0] =	vst.idx.add.f32.msk $0xffff, v0  }
0x5d: {  	[spmem:s1] =	stream.indirect.scatter.add.f32 [tilespmem:s13], [sflag:$0x1], $0x80, s19, s20, $0xb8;
	[tilespmem:$0x7D80] =	vst v63  }
0x5e: {  	_ =	swait.ge [sflag:s14], $0x2800  }
0x5f: {  	[sflag:s14] =	ssyncset.done $0x0  }
0x60: {  	[sflag:s14] =	ssyncadd.s32 $0xFFFFD800  }
0x61: {  	[spmem:s2] =	stream.indirect.scatter.add.f32 [tilespmem:s15], [sflag:$0x1], $0x80, s19, s20, $0xb8;
	[tilespmem:$0x7D80] =	vst v63  }
0x62: {  	_ =	swait.ge [sflag:s14], $0x2800  }
0x63: {  	[sflag:s14] =	ssyncset.done $0x0  }
0x64: {  	[sflag:s14] =	ssyncadd.s32 $0xFFFFD800  }
0x65: {  	s22 =	simm.s32 @!p0 $0x1;
	[bflag:$0x0] =	sbarrier.arrive $0xFFFF  }
0x66: {  	[hbm:s9], [sflag:s16] =	dma.local @!p0 [spmem:s17], $0x80  }
0x67: {  	s21 =	sadd.s32 $0x1, s21;
	_ =	swait.ge @!p0 [sflag:s22], $0x80  }
0x68: {  	p2 =	sne.s32 s21, s11;
	[sflag:s22] =	ssyncset.done @!p0 $0x0  }
.Ltmp1:
0x69: {  	[sflag:s22] =	ssyncadd.s32 @!p0 $0xFFFFFF80;
	(pc) =	sbr.rel @p2 .LBB2_1-.Ltmp1, $4  }
0x6a: {  	[hbm:s10], [sflag:s16] =	dma.local @!p0 [spmem:s18], $0x80  }
0x6b: {  	_ =	swait.ge @!p0 [sflag:s22], $0x80  }
0x6c: {  	[sflag:s22] =	ssyncset.done @!p0 $0x0  }
0x6d: {  	[sflag:s22] =	ssyncadd.s32 @!p0 $0xFFFFFF80  }
0x6e: {  	_ =	sfence.sel $0x180000  }
0x6f: {  	[bflag:$0x0] =	sbarrier.arrive $0xFFFF  }
0x70: {  	p0 =	sne.s32 s3, $0x0;
	_ =	strace $0x90000047  }
0x71: {  	s0 =	sadd.s32 @!p0 $0x100000, s0;
	[bflag:$0x2] =	sbarrier.arrive $0xFFFF  }
0x72: {  	[sflag:s0] =	ssyncadd.tile.s32 @!p0 $0x1;
	_ =	shalt  }
.Lfunc_end2:
_tile_overlayer_lowered:
.L_overlay_start_2:
0x73: {  	(tag) =	ssettag $0x2  }
0x74: {  	s0 =	rddreg [dreg:$0x0];
	s2 =	stileid.u32  }
0x75: {  	s1 =	rddreg [dreg:$0x1];
	p0 =	sne.s32 s2, $0x0  }
0x76: {  	s3 =	rddreg [dreg:$0x2];
	[bflag:$0x3] =	sbarrier.arrive $0xFFFF;
	s2 =	simm.s32 @!p0 $0x1C01  }
0x77: {  	[timem:s3], [sflag:s2] =	dma.local @!p0 [hbm:s0], s1  }
0x78: {  	s0 =	simm.s32 @!p0 $0x1  }
0x79: {  	_ =	swait.ge @!p0 [sflag:s0], s1  }
0x7a: {  	s1 =	ssub.s32 @!p0 $0x0, s1;
	[sflag:s0] =	ssyncset.done @!p0 $0x0  }
0x7b: {  	[sflag:s0] =	ssyncadd.s32 @!p0 s1  }
0x7c: {  	[bflag:$0x3] =	sbarrier.arrive $0xFFFF  }
0x7d: {  	_ =	shalt  }

</sc_bundles>
